<compile_context>
chip_gen: v7x
topology: tpu7x:2x2x1
jax: 0.10.2.dev20260603
libtpu: 0.0.44.dev20260713+nightly
codegen_flags: <defaults>
</compile_context>

<pallas_src>
import functools

import jax
import jax.numpy as jnp
from jax import lax
from jax.experimental import pallas as pl
from jax.experimental.pallas import tpu as pltpu
from jax.experimental.pallas import tpu_sc as plsc

NUM_CLASSES = 1000
D = 256
DH = 128
B = 65536
MOM = 0.9

NC = 2
NS = 16
NW = NC * NS
ROWS_PER_TILE = B // NW
CHUNK = 64
NCHUNK = ROWS_PER_TILE // CHUNK
ACC_ROWS = NUM_CLASSES
STRIPE = 64
LAST_STRIPE = ACC_ROWS - 15 * STRIPE
CNT_W = 128

UNITS = tuple((k // 3, k % 3) for k in range(12))


def _sc_accumulate(zeros, labels1, ff, fr, ft):
  mesh = plsc.VectorSubcoreMesh(core_axis_name="c", subcore_axis_name="s")
  pf32 = jnp.float32

  @functools.partial(
      pl.kernel,
      mesh=mesh,
      out_type=(
          jax.ShapeDtypeStruct((NC, ACC_ROWS, D), pf32),
          jax.ShapeDtypeStruct((NC, ACC_ROWS, D), pf32),
          jax.ShapeDtypeStruct((NC, ACC_ROWS, D), pf32),
          jax.ShapeDtypeStruct((NC, ACC_ROWS, CNT_W), pf32),
      ),
      scratch_types=[
          pltpu.VMEM((CHUNK,), jnp.int32),
          pltpu.VMEM((CHUNK,), jnp.int32),
          pltpu.VMEM((CHUNK, DH), pf32),
          pltpu.VMEM((CHUNK, DH), pf32),
          pltpu.VMEM((CHUNK, DH), pf32),
          pltpu.VMEM((CHUNK, DH), pf32),
          pltpu.VMEM((CHUNK, DH), pf32),
          pltpu.VMEM((CHUNK, DH), pf32),
          pltpu.VMEM((CHUNK, DH), pf32),
          pltpu.VMEM((CHUNK, DH), pf32),
          pltpu.VMEM((CHUNK, CNT_W), pf32),
          pltpu.VMEM_SHARED((ACC_ROWS, DH), pf32),
          pltpu.VMEM_SHARED((ACC_ROWS, DH), pf32),
          pltpu.VMEM_SHARED((ACC_ROWS, DH), pf32),
          pltpu.VMEM_SHARED((ACC_ROWS, DH), pf32),
          pltpu.VMEM_SHARED((ACC_ROWS, DH), pf32),
          pltpu.VMEM_SHARED((ACC_ROWS, DH), pf32),
          pltpu.VMEM_SHARED((ACC_ROWS, CNT_W), pf32),
          pltpu.SemaphoreType.DMA,
          pltpu.SemaphoreType.DMA,
      ],
  )
  def body(zeros_hbm, labels_hbm, ff_hbm, fr_hbm, ft_hbm,
           out_f, out_r, out_t, out_c,
           lab0, lab1, lo0, hi0, lo1, hi1, lo2, hi2, lo3, hi3, ones_v,
           acc_f0, acc_f1, acc_r0, acc_r1, acc_t0, acc_t1, acc_c,
           gsem, ssem):
    cid = lax.axis_index("c")
    sid = lax.axis_index("s")
    wid = cid * NS + sid
    r0 = sid * STRIPE
    base = wid * ROWS_PER_TILE

    labs = (lab0, lab1)
    bl = (lo0, lo1, lo2, lo3)
    bh = (hi0, hi1, hi2, hi3)
    streams = ((ff_hbm, acc_f0, acc_f1),
               (fr_hbm, acc_r0, acc_r1),
               (ft_hbm, acc_t0, acc_t1))

    def zero_all(rows):
      zsrc = zeros_hbm.at[rows, pl.ds(0, DH)]
      pltpu.sync_copy(zsrc, acc_f0.at[rows])
      pltpu.sync_copy(zsrc, acc_f1.at[rows])
      pltpu.sync_copy(zsrc, acc_r0.at[rows])
      pltpu.sync_copy(zsrc, acc_r1.at[rows])
      pltpu.sync_copy(zsrc, acc_t0.at[rows])
      pltpu.sync_copy(zsrc, acc_t1.at[rows])
      pltpu.sync_copy(zsrc, acc_c.at[rows])

    @pl.when(sid < NS - 1)
    def _():
      zero_all(pl.ds(r0, STRIPE))

    @pl.when(sid == NS - 1)
    def _():
      zero_all(pl.ds((NS - 1) * STRIPE, LAST_STRIPE))

    one16 = jnp.ones((16,), pf32)

    def fill_ones(q, carry):
      ones_v[q // (CNT_W // 16), pl.ds((q % (CNT_W // 16)) * 16, 16)] = one16
      return carry
    lax.fori_loop(0, CHUNK * (CNT_W // 16), fill_ones, 0)

    plsc.subcore_barrier()

    def rows_of(j):
      return pl.ds(base + j * CHUNK, CHUNK)

    def issue_gather(j, s, p, dj):
      src = streams[s][0]
      if s == 0:
        pltpu.async_copy(labels_hbm.at[rows_of(j)], labs[dj], gsem)
      pltpu.async_copy(src.at[rows_of(j), pl.ds(0, DH)], bl[p], gsem)
      pltpu.async_copy(src.at[rows_of(j), pl.ds(DH, DH)], bh[p], gsem)

    def wait_gather(s, p, dj):
      src = streams[s][0]
      if s == 0:
        pltpu.make_async_copy(labels_hbm.at[pl.ds(0, CHUNK)], labs[dj], gsem).wait()
      pltpu.make_async_copy(src.at[pl.ds(0, CHUNK), pl.ds(0, DH)], bl[p], gsem).wait()
      pltpu.make_async_copy(src.at[pl.ds(0, CHUNK), pl.ds(DH, DH)], bh[p], gsem).wait()

    def issue_scatter(s, p, dj):
      _, a0, a1 = streams[s]
      pltpu.async_copy(bl[p], a0.at[labs[dj]], ssem, add=True)
      pltpu.async_copy(bh[p], a1.at[labs[dj]], ssem, add=True)
      if s == 2:
        pltpu.async_copy(ones_v, acc_c.at[labs[dj]], ssem, add=True)

    def wait_scatter(s, p, dj):
      _, a0, a1 = streams[s]
      pltpu.make_async_copy(bl[p], a0.at[labs[dj]], ssem).wait()
      pltpu.make_async_copy(bh[p], a1.at[labs[dj]], ssem).wait()
      if s == 2:
        pltpu.make_async_copy(ones_v, acc_c.at[labs[dj]], ssem).wait()

    def step(k, j0, first_quad):
      dj, s = UNITS[k]
      p = k % 4
      wait_gather(s, p, dj % 2)
      issue_scatter(s, p, dj % 2)
      if k >= 2:
        pdj, ps = UNITS[k - 2]
        wait_scatter(ps, (k - 2) % 4, pdj % 2)
      elif not first_quad:
        pdj, ps = UNITS[k + 10]
        wait_scatter(ps, (k + 10) % 4, pdj % 2)
      if k < 10:
        ndj, ns = UNITS[k + 2]
        issue_gather(j0 + ndj, ns, (k + 2) % 4, ndj % 2)
      else:
        nk = k - 10
        ndj, ns = UNITS[nk]

        @pl.when(j0 + 4 < NCHUNK)
        def _():
          issue_gather(j0 + 4 + ndj, ns, nk % 4, ndj % 2)

    issue_gather(0, 0, 0, 0)
    issue_gather(0, 1, 1, 0)
    for k in range(12):
      step(k, 0, first_quad=True)

    @pl.loop(4, NCHUNK, step=4)
    def _quad(j0):
      for k in range(12):
        step(k, j0, first_quad=False)

    wait_scatter(UNITS[10][1], 10 % 4, UNITS[10][0] % 2)
    wait_scatter(UNITS[11][1], 11 % 4, UNITS[11][0] % 2)

    plsc.subcore_barrier()

    def write_all(rows):
      pltpu.sync_copy(acc_f0.at[rows], out_f.at[cid, rows, pl.ds(0, DH)])
      pltpu.sync_copy(acc_f1.at[rows], out_f.at[cid, rows, pl.ds(DH, DH)])
      pltpu.sync_copy(acc_r0.at[rows], out_r.at[cid, rows, pl.ds(0, DH)])
      pltpu.sync_copy(acc_r1.at[rows], out_r.at[cid, rows, pl.ds(DH, DH)])
      pltpu.sync_copy(acc_t0.at[rows], out_t.at[cid, rows, pl.ds(0, DH)])
      pltpu.sync_copy(acc_t1.at[rows], out_t.at[cid, rows, pl.ds(DH, DH)])
      pltpu.sync_copy(acc_c.at[rows], out_c.at[cid, rows])

    @pl.when(sid < NS - 1)
    def _():
      write_all(pl.ds(r0, STRIPE))

    @pl.when(sid == NS - 1)
    def _():
      write_all(pl.ds((NS - 1) * STRIPE, LAST_STRIPE))

  return body(zeros, labels1, ff, fr, ft)


def _tc_combine_body(pf, pr, pt, pc, prf, prr, prt, o_ref):
  cnt = pc[0] + pc[1]
  denom = jnp.maximum(cnt[:, 0:1], 1.0)
  w_new = 1.0 - MOM
  o_ref[0] = w_new * ((pf[0] + pf[1]) / denom) + MOM * prf[...]
  o_ref[1] = w_new * ((pr[0] + pr[1]) / denom) + MOM * prr[...]
  o_ref[2] = w_new * ((pt[0] + pt[1]) / denom) + MOM * prt[...]


def kernel(feat_fusion, feat_rgb, feat_t, labels, proto_fusion, proto_rgb,
           proto_t):
  labels1 = labels.astype(jnp.int32)
  zeros = jnp.zeros((STRIPE * NS, DH), jnp.float32)

  pf, pr, pt, pc = _sc_accumulate(zeros, labels1, feat_fusion, feat_rgb,
                                  feat_t)

  out = pl.pallas_call(
      _tc_combine_body,
      out_shape=jax.ShapeDtypeStruct((3, ACC_ROWS, D), jnp.float32),
  )(pf, pr, pt, pc, proto_fusion, proto_rgb, proto_t)
  return out

# --- scband reference (transcript-rebuilt; emitter-appended) ---
"""Pipeline reference for scband-prototype-19791209300005 (READ-ONLY COPY).

The authoritative reference and input builder live on the scoring server;
editing this copy changes nothing except your own understanding.
"""

import jax, jax.numpy as jnp
import numpy as np

NUM_CLASSES = 1000
HIDDEN_DIM = 256
MOMENTUM = 0.9
B = 65536


def setup_inputs(seed: int = 0) -> dict:
    key = jax.random.key(seed)
    k1, k2, k3, k4, k5, k6, k7 = jax.random.split(key, 7)
    feat_fusion = jax.random.normal(k1, (B, HIDDEN_DIM), dtype=jnp.float32)
    feat_rgb = jax.random.normal(k2, (B, HIDDEN_DIM), dtype=jnp.float32)
    feat_t = jax.random.normal(k3, (B, HIDDEN_DIM), dtype=jnp.float32)
    labels = jax.random.randint(k4, (B,), 0, NUM_CLASSES)
    proto_fusion = jax.random.normal(k5, (NUM_CLASSES, HIDDEN_DIM), dtype=jnp.float32)
    proto_rgb = jax.random.normal(k6, (NUM_CLASSES, HIDDEN_DIM), dtype=jnp.float32)
    proto_t = jax.random.normal(k7, (NUM_CLASSES, HIDDEN_DIM), dtype=jnp.float32)
    return {
        "feat_fusion": feat_fusion,
        "feat_rgb": feat_rgb,
        "feat_t": feat_t,
        "labels": labels,
        "proto_fusion": proto_fusion,
        "proto_rgb": proto_rgb,
        "proto_t": proto_t,
    }


def reference(feat_fusion, feat_rgb, feat_t, labels, proto_fusion, proto_rgb, proto_t):
    # Distilled core of Prototype.forward: scatter-add matched query features
    # into per-class prototype memory by label, average by per-class counts,
    # then EMA-update the stored prototypes (epoch > 0 branch).
    counts = jnp.zeros((NUM_CLASSES,), dtype=jnp.float32).at[labels].add(1.0)
    denom = jnp.maximum(counts, 1.0)[:, None]
    sum_fusion = jnp.zeros((NUM_CLASSES, HIDDEN_DIM), dtype=jnp.float32).at[labels].add(feat_fusion)
    sum_rgb = jnp.zeros((NUM_CLASSES, HIDDEN_DIM), dtype=jnp.float32).at[labels].add(feat_rgb)
    sum_t = jnp.zeros((NUM_CLASSES, HIDDEN_DIM), dtype=jnp.float32).at[labels].add(feat_t)
    new_fusion = sum_fusion / denom
    new_rgb = sum_rgb / denom
    new_t = sum_t / denom
    out_fusion = (1.0 - MOMENTUM) * new_fusion + MOMENTUM * proto_fusion
    out_rgb = (1.0 - MOMENTUM) * new_rgb + MOMENTUM * proto_rgb
    out_t = (1.0 - MOMENTUM) * new_t + MOMENTUM * proto_t
    return jnp.stack([out_fusion, out_rgb, out_t], axis=0)

if __name__ == "__main__":
    import jax
    _d = setup_inputs()
    print(jax.jit(kernel)(*tuple(_d.values())))

</pallas_src>

<mosaic_0001>
#map = affine_map<(d0, d1) -> (0, 0)>
#map1 = affine_map<(d0, d1) -> (0)>
#map2 = affine_map<(d0, d1) -> (0, 0, 0)>
module attributes {stable_mosaic.version = 14 : i64} {
  func.func @body(%arg0: i32, %arg1: i32, %arg2: memref<1024x128xf32, #tpu.memory_space<hbm>>, %arg3: memref<65536xi32, #tpu.memory_space<hbm>>, %arg4: memref<65536x256xf32, #tpu.memory_space<hbm>>, %arg5: memref<65536x256xf32, #tpu.memory_space<hbm>>, %arg6: memref<65536x256xf32, #tpu.memory_space<hbm>>, %arg7: memref<2x1000x256xf32, #tpu.memory_space<hbm>>, %arg8: memref<2x1000x256xf32, #tpu.memory_space<hbm>>, %arg9: memref<2x1000x256xf32, #tpu.memory_space<hbm>>, %arg10: memref<2x1000x128xf32, #tpu.memory_space<hbm>>, %arg11: memref<64xi32, #tpu.memory_space<vmem>>, %arg12: memref<64xi32, #tpu.memory_space<vmem>>, %arg13: memref<64x128xf32, #tpu.memory_space<vmem>>, %arg14: memref<64x128xf32, #tpu.memory_space<vmem>>, %arg15: memref<64x128xf32, #tpu.memory_space<vmem>>, %arg16: memref<64x128xf32, #tpu.memory_space<vmem>>, %arg17: memref<64x128xf32, #tpu.memory_space<vmem>>, %arg18: memref<64x128xf32, #tpu.memory_space<vmem>>, %arg19: memref<64x128xf32, #tpu.memory_space<vmem>>, %arg20: memref<64x128xf32, #tpu.memory_space<vmem>>, %arg21: memref<64x128xf32, #tpu.memory_space<vmem>>, %arg22: memref<1000x128xf32, #tpu.memory_space<vmem_shared>>, %arg23: memref<1000x128xf32, #tpu.memory_space<vmem_shared>>, %arg24: memref<1000x128xf32, #tpu.memory_space<vmem_shared>>, %arg25: memref<1000x128xf32, #tpu.memory_space<vmem_shared>>, %arg26: memref<1000x128xf32, #tpu.memory_space<vmem_shared>>, %arg27: memref<1000x128xf32, #tpu.memory_space<vmem_shared>>, %arg28: memref<1000x128xf32, #tpu.memory_space<vmem_shared>>, %arg29: memref<!tpu.dma_semaphore, #tpu.memory_space<semaphore_mem>>, %arg30: memref<!tpu.dma_semaphore, #tpu.memory_space<semaphore_mem>>) attributes {dimension_semantics = [#tpu.dimension_semantics<core_parallel>, #tpu.dimension_semantics<subcore_parallel>], iteration_bounds = array<i64: 2, 16>, scalar_prefetch = 0 : i64, scratch_operands = 20 : i64, tpu.core_type = #tpu.core_type<sc_vector_subcore>, window_params = [{transform_indices = #map}, {transform_indices = #map1}, {transform_indices = #map}, {transform_indices = #map}, {transform_indices = #map}, {transform_indices = #map2}, {transform_indices = #map2}, {transform_indices = #map2}, {transform_indices = #map2}]} {
    %mul3A = arith.constant 16 : i32
    %mul3A_0 = arith.muli %arg0, %mul3A : i32
    %add3A = arith.addi %mul3A_0, %arg1 : i32
    %mul3A_1 = arith.constant 64 : i32
    %mul3A_2 = arith.muli %arg1, %mul3A_1 : i32
    %mul3A_3 = arith.constant 2048 : i32
    %mul3A_4 = arith.muli %add3A, %mul3A_3 : i32
    %lt3A = arith.constant 15 : i32
    %lt3A_5 = arith.cmpi slt, %arg1, %lt3A : i32
    %convert_element_type3A = arith.extui %lt3A_5 : i1 to i32
    %cond3A = arith.constant 0 : i32
    %cond3A_6 = arith.cmpi ne, %convert_element_type3A, %cond3A : i32
    scf.if %cond3A_6 {
      "tpu.region"() ({
        %run_scoped3A = tpu.sem_alloc : memref<!tpu.dma_semaphore, #tpu.memory_space<semaphore_mem>>
        %dma_start3A_547 = arith.constant 0 : i32
        %dma_start3A_548 = tpu.memref_slice %arg22[%mul3A_2, %dma_start3A_547] : memref<1000x128xf32, #tpu.memory_space<vmem_shared>> -> memref<64x128xf32, #tpu.memory_space<vmem_shared>>
        %dma_start3A_549 = arith.constant 0 : i32
        %dma_start3A_550 = tpu.memref_slice %arg2[%mul3A_2, %dma_start3A_549] : memref<1024x128xf32, #tpu.memory_space<hbm>> -> memref<64x128xf32, #tpu.memory_space<hbm>>
        tpu.enqueue_dma source(%dma_start3A_550 : memref<64x128xf32, #tpu.memory_space<hbm>>) target(%dma_start3A_548 : memref<64x128xf32, #tpu.memory_space<vmem_shared>>) target_semaphore(%run_scoped3A : memref<!tpu.dma_semaphore, #tpu.memory_space<semaphore_mem>>)
        %dma_wait3A_551 = arith.constant 0 : i32
        %dma_wait3A_552 = tpu.memref_slice %arg22[%mul3A_2, %dma_wait3A_551] : memref<1000x128xf32, #tpu.memory_space<vmem_shared>> -> memref<64x128xf32, #tpu.memory_space<vmem_shared>>
        %dma_wait3A_553 = arith.constant 0 : i32
        %dma_wait3A_554 = tpu.memref_slice %arg2[%mul3A_2, %dma_wait3A_553] : memref<1024x128xf32, #tpu.memory_space<hbm>> -> memref<64x128xf32, #tpu.memory_space<hbm>>
        tpu.wait_dma2 semaphore(%run_scoped3A : memref<!tpu.dma_semaphore, #tpu.memory_space<semaphore_mem>>) src(%dma_wait3A_554 : memref<64x128xf32, #tpu.memory_space<hbm>>) dst(%dma_wait3A_552 : memref<64x128xf32, #tpu.memory_space<vmem_shared>>)
        tpu.yield
      }) : () -> ()
      "tpu.region"() ({
        %run_scoped3A = tpu.sem_alloc : memref<!tpu.dma_semaphore, #tpu.memory_space<semaphore_mem>>
        %dma_start3A_547 = arith.constant 0 : i32
        %dma_start3A_548 = tpu.memref_slice %arg23[%mul3A_2, %dma_start3A_547] : memref<1000x128xf32, #tpu.memory_space<vmem_shared>> -> memref<64x128xf32, #tpu.memory_space<vmem_shared>>
        %dma_start3A_549 = arith.constant 0 : i32
        %dma_start3A_550 = tpu.memref_slice %arg2[%mul3A_2, %dma_start3A_549] : memref<1024x128xf32, #tpu.memory_space<hbm>> -> memref<64x128xf32, #tpu.memory_space<hbm>>
        tpu.enqueue_dma source(%dma_start3A_550 : memref<64x128xf32, #tpu.memory_space<hbm>>) target(%dma_start3A_548 : memref<64x128xf32, #tpu.memory_space<vmem_shared>>) target_semaphore(%run_scoped3A : memref<!tpu.dma_semaphore, #tpu.memory_space<semaphore_mem>>)
        %dma_wait3A_551 = arith.constant 0 : i32
        %dma_wait3A_552 = tpu.memref_slice %arg23[%mul3A_2, %dma_wait3A_551] : memref<1000x128xf32, #tpu.memory_space<vmem_shared>> -> memref<64x128xf32, #tpu.memory_space<vmem_shared>>
        %dma_wait3A_553 = arith.constant 0 : i32
        %dma_wait3A_554 = tpu.memref_slice %arg2[%mul3A_2, %dma_wait3A_553] : memref<1024x128xf32, #tpu.memory_space<hbm>> -> memref<64x128xf32, #tpu.memory_space<hbm>>
        tpu.wait_dma2 semaphore(%run_scoped3A : memref<!tpu.dma_semaphore, #tpu.memory_space<semaphore_mem>>) src(%dma_wait3A_554 : memref<64x128xf32, #tpu.memory_space<hbm>>) dst(%dma_wait3A_552 : memref<64x128xf32, #tpu.memory_space<vmem_shared>>)
        tpu.yield
      }) : () -> ()
      "tpu.region"() ({
        %run_scoped3A = tpu.sem_alloc : memref<!tpu.dma_semaphore, #tpu.memory_space<semaphore_mem>>
        %dma_start3A_547 = arith.constant 0 : i32
        %dma_start3A_548 = tpu.memref_slice %arg24[%mul3A_2, %dma_start3A_547] : memref<1000x128xf32, #tpu.memory_space<vmem_shared>> -> memref<64x128xf32, #tpu.memory_space<vmem_shared>>
        %dma_start3A_549 = arith.constant 0 : i32
        %dma_start3A_550 = tpu.memref_slice %arg2[%mul3A_2, %dma_start3A_549] : memref<1024x128xf32, #tpu.memory_space<hbm>> -> memref<64x128xf32, #tpu.memory_space<hbm>>
        tpu.enqueue_dma source(%dma_start3A_550 : memref<64x128xf32, #tpu.memory_space<hbm>>) target(%dma_start3A_548 : memref<64x128xf32, #tpu.memory_space<vmem_shared>>) target_semaphore(%run_scoped3A : memref<!tpu.dma_semaphore, #tpu.memory_space<semaphore_mem>>)
        %dma_wait3A_551 = arith.constant 0 : i32
        %dma_wait3A_552 = tpu.memref_slice %arg24[%mul3A_2, %dma_wait3A_551] : memref<1000x128xf32, #tpu.memory_space<vmem_shared>> -> memref<64x128xf32, #tpu.memory_space<vmem_shared>>
        %dma_wait3A_553 = arith.constant 0 : i32
        %dma_wait3A_554 = tpu.memref_slice %arg2[%mul3A_2, %dma_wait3A_553] : memref<1024x128xf32, #tpu.memory_space<hbm>> -> memref<64x128xf32, #tpu.memory_space<hbm>>
        tpu.wait_dma2 semaphore(%run_scoped3A : memref<!tpu.dma_semaphore, #tpu.memory_space<semaphore_mem>>) src(%dma_wait3A_554 : memref<64x128xf32, #tpu.memory_space<hbm>>) dst(%dma_wait3A_552 : memref<64x128xf32, #tpu.memory_space<vmem_shared>>)
        tpu.yield
      }) : () -> ()
      "tpu.region"() ({
        %run_scoped3A = tpu.sem_alloc : memref<!tpu.dma_semaphore, #tpu.memory_space<semaphore_mem>>
        %dma_start3A_547 = arith.constant 0 : i32
        %dma_start3A_548 = tpu.memref_slice %arg25[%mul3A_2, %dma_start3A_547] : memref<1000x128xf32, #tpu.memory_space<vmem_shared>> -> memref<64x128xf32, #tpu.memory_space<vmem_shared>>
        %dma_start3A_549 = arith.constant 0 : i32
        %dma_start3A_550 = tpu.memref_slice %arg2[%mul3A_2, %dma_start3A_549] : memref<1024x128xf32, #tpu.memory_space<hbm>> -> memref<64x128xf32, #tpu.memory_space<hbm>>
        tpu.enqueue_dma source(%dma_start3A_550 : memref<64x128xf32, #tpu.memory_space<hbm>>) target(%dma_start3A_548 : memref<64x128xf32, #tpu.memory_space<vmem_shared>>) target_semaphore(%run_scoped3A : memref<!tpu.dma_semaphore, #tpu.memory_space<semaphore_mem>>)
        %dma_wait3A_551 = arith.constant 0 : i32
        %dma_wait3A_552 = tpu.memref_slice %arg25[%mul3A_2, %dma_wait3A_551] : memref<1000x128xf32, #tpu.memory_space<vmem_shared>> -> memref<64x128xf32, #tpu.memory_space<vmem_shared>>
        %dma_wait3A_553 = arith.constant 0 : i32
        %dma_wait3A_554 = tpu.memref_slice %arg2[%mul3A_2, %dma_wait3A_553] : memref<1024x128xf32, #tpu.memory_space<hbm>> -> memref<64x128xf32, #tpu.memory_space<hbm>>
        tpu.wait_dma2 semaphore(%run_scoped3A : memref<!tpu.dma_semaphore, #tpu.memory_space<semaphore_mem>>) src(%dma_wait3A_554 : memref<64x128xf32, #tpu.memory_space<hbm>>) dst(%dma_wait3A_552 : memref<64x128xf32, #tpu.memory_space<vmem_shared>>)
        tpu.yield
      }) : () -> ()
      "tpu.region"() ({
        %run_scoped3A = tpu.sem_alloc : memref<!tpu.dma_semaphore, #tpu.memory_space<semaphore_mem>>
        %dma_start3A_547 = arith.constant 0 : i32
        %dma_start3A_548 = tpu.memref_slice %arg26[%mul3A_2, %dma_start3A_547] : memref<1000x128xf32, #tpu.memory_space<vmem_shared>> -> memref<64x128xf32, #tpu.memory_space<vmem_shared>>
        %dma_start3A_549 = arith.constant 0 : i32
        %dma_start3A_550 = tpu.memref_slice %arg2[%mul3A_2, %dma_start3A_549] : memref<1024x128xf32, #tpu.memory_space<hbm>> -> memref<64x128xf32, #tpu.memory_space<hbm>>
        tpu.enqueue_dma source(%dma_start3A_550 : memref<64x128xf32, #tpu.memory_space<hbm>>) target(%dma_start3A_548 : memref<64x128xf32, #tpu.memory_space<vmem_shared>>) target_semaphore(%run_scoped3A : memref<!tpu.dma_semaphore, #tpu.memory_space<semaphore_mem>>)
        %dma_wait3A_551 = arith.constant 0 : i32
        %dma_wait3A_552 = tpu.memref_slice %arg26[%mul3A_2, %dma_wait3A_551] : memref<1000x128xf32, #tpu.memory_space<vmem_shared>> -> memref<64x128xf32, #tpu.memory_space<vmem_shared>>
        %dma_wait3A_553 = arith.constant 0 : i32
        %dma_wait3A_554 = tpu.memref_slice %arg2[%mul3A_2, %dma_wait3A_553] : memref<1024x128xf32, #tpu.memory_space<hbm>> -> memref<64x128xf32, #tpu.memory_space<hbm>>
        tpu.wait_dma2 semaphore(%run_scoped3A : memref<!tpu.dma_semaphore, #tpu.memory_space<semaphore_mem>>) src(%dma_wait3A_554 : memref<64x128xf32, #tpu.memory_space<hbm>>) dst(%dma_wait3A_552 : memref<64x128xf32, #tpu.memory_space<vmem_shared>>)
        tpu.yield
      }) : () -> ()
      "tpu.region"() ({
        %run_scoped3A = tpu.sem_alloc : memref<!tpu.dma_semaphore, #tpu.memory_space<semaphore_mem>>
        %dma_start3A_547 = arith.constant 0 : i32
        %dma_start3A_548 = tpu.memref_slice %arg27[%mul3A_2, %dma_start3A_547] : memref<1000x128xf32, #tpu.memory_space<vmem_shared>> -> memref<64x128xf32, #tpu.memory_space<vmem_shared>>
        %dma_start3A_549 = arith.constant 0 : i32
        %dma_start3A_550 = tpu.memref_slice %arg2[%mul3A_2, %dma_start3A_549] : memref<1024x128xf32, #tpu.memory_space<hbm>> -> memref<64x128xf32, #tpu.memory_space<hbm>>
        tpu.enqueue_dma source(%dma_start3A_550 : memref<64x128xf32, #tpu.memory_space<hbm>>) target(%dma_start3A_548 : memref<64x128xf32, #tpu.memory_space<vmem_shared>>) target_semaphore(%run_scoped3A : memref<!tpu.dma_semaphore, #tpu.memory_space<semaphore_mem>>)
        %dma_wait3A_551 = arith.constant 0 : i32
        %dma_wait3A_552 = tpu.memref_slice %arg27[%mul3A_2, %dma_wait3A_551] : memref<1000x128xf32, #tpu.memory_space<vmem_shared>> -> memref<64x128xf32, #tpu.memory_space<vmem_shared>>
        %dma_wait3A_553 = arith.constant 0 : i32
        %dma_wait3A_554 = tpu.memref_slice %arg2[%mul3A_2, %dma_wait3A_553] : memref<1024x128xf32, #tpu.memory_space<hbm>> -> memref<64x128xf32, #tpu.memory_space<hbm>>
        tpu.wait_dma2 semaphore(%run_scoped3A : memref<!tpu.dma_semaphore, #tpu.memory_space<semaphore_mem>>) src(%dma_wait3A_554 : memref<64x128xf32, #tpu.memory_space<hbm>>) dst(%dma_wait3A_552 : memref<64x128xf32, #tpu.memory_space<vmem_shared>>)
        tpu.yield
      }) : () -> ()
      "tpu.region"() ({
        %run_scoped3A = tpu.sem_alloc : memref<!tpu.dma_semaphore, #tpu.memory_space<semaphore_mem>>
        %dma_start3A_547 = arith.constant 0 : i32
        %dma_start3A_548 = tpu.memref_slice %arg28[%mul3A_2, %dma_start3A_547] : memref<1000x128xf32, #tpu.memory_space<vmem_shared>> -> memref<64x128xf32, #tpu.memory_space<vmem_shared>>
        %dma_start3A_549 = arith.constant 0 : i32
        %dma_start3A_550 = tpu.memref_slice %arg2[%mul3A_2, %dma_start3A_549] : memref<1024x128xf32, #tpu.memory_space<hbm>> -> memref<64x128xf32, #tpu.memory_space<hbm>>
        tpu.enqueue_dma source(%dma_start3A_550 : memref<64x128xf32, #tpu.memory_space<hbm>>) target(%dma_start3A_548 : memref<64x128xf32, #tpu.memory_space<vmem_shared>>) target_semaphore(%run_scoped3A : memref<!tpu.dma_semaphore, #tpu.memory_space<semaphore_mem>>)
        %dma_wait3A_551 = arith.constant 0 : i32
        %dma_wait3A_552 = tpu.memref_slice %arg28[%mul3A_2, %dma_wait3A_551] : memref<1000x128xf32, #tpu.memory_space<vmem_shared>> -> memref<64x128xf32, #tpu.memory_space<vmem_shared>>
        %dma_wait3A_553 = arith.constant 0 : i32
        %dma_wait3A_554 = tpu.memref_slice %arg2[%mul3A_2, %dma_wait3A_553] : memref<1024x128xf32, #tpu.memory_space<hbm>> -> memref<64x128xf32, #tpu.memory_space<hbm>>
        tpu.wait_dma2 semaphore(%run_scoped3A : memref<!tpu.dma_semaphore, #tpu.memory_space<semaphore_mem>>) src(%dma_wait3A_554 : memref<64x128xf32, #tpu.memory_space<hbm>>) dst(%dma_wait3A_552 : memref<64x128xf32, #tpu.memory_space<vmem_shared>>)
        tpu.yield
      }) : () -> ()
    } else {
    }
    %eq3A = arith.constant 15 : i32
    %eq3A_7 = arith.cmpi eq, %arg1, %eq3A : i32
    %convert_element_type3A_8 = arith.extui %eq3A_7 : i1 to i32
    %cond3A_9 = arith.constant 0 : i32
    %cond3A_10 = arith.cmpi ne, %convert_element_type3A_8, %cond3A_9 : i32
    scf.if %cond3A_10 {
      "tpu.region"() ({
        %run_scoped3A = tpu.sem_alloc : memref<!tpu.dma_semaphore, #tpu.memory_space<semaphore_mem>>
        %dma_start3A_547 = arith.constant 960 : i32
        %dma_start3A_548 = arith.constant 0 : i32
        %dma_start3A_549 = tpu.memref_slice %arg22[%dma_start3A_547, %dma_start3A_548] : memref<1000x128xf32, #tpu.memory_space<vmem_shared>> -> memref<40x128xf32, #tpu.memory_space<vmem_shared>>
        %dma_start3A_550 = arith.constant 960 : i32
        %dma_start3A_551 = arith.constant 0 : i32
        %dma_start3A_552 = tpu.memref_slice %arg2[%dma_start3A_550, %dma_start3A_551] : memref<1024x128xf32, #tpu.memory_space<hbm>> -> memref<40x128xf32, #tpu.memory_space<hbm>>
        tpu.enqueue_dma source(%dma_start3A_552 : memref<40x128xf32, #tpu.memory_space<hbm>>) target(%dma_start3A_549 : memref<40x128xf32, #tpu.memory_space<vmem_shared>>) target_semaphore(%run_scoped3A : memref<!tpu.dma_semaphore, #tpu.memory_space<semaphore_mem>>)
        %dma_wait3A_553 = arith.constant 960 : i32
        %dma_wait3A_554 = arith.constant 0 : i32
        %dma_wait3A_555 = tpu.memref_slice %arg22[%dma_wait3A_553, %dma_wait3A_554] : memref<1000x128xf32, #tpu.memory_space<vmem_shared>> -> memref<40x128xf32, #tpu.memory_space<vmem_shared>>
        %dma_wait3A_556 = arith.constant 960 : i32
        %dma_wait3A_557 = arith.constant 0 : i32
        %dma_wait3A_558 = tpu.memref_slice %arg2[%dma_wait3A_556, %dma_wait3A_557] : memref<1024x128xf32, #tpu.memory_space<hbm>> -> memref<40x128xf32, #tpu.memory_space<hbm>>
        tpu.wait_dma2 semaphore(%run_scoped3A : memref<!tpu.dma_semaphore, #tpu.memory_space<semaphore_mem>>) src(%dma_wait3A_558 : memref<40x128xf32, #tpu.memory_space<hbm>>) dst(%dma_wait3A_555 : memref<40x128xf32, #tpu.memory_space<vmem_shared>>)
        tpu.yield
      }) : () -> ()
      "tpu.region"() ({
        %run_scoped3A = tpu.sem_alloc : memref<!tpu.dma_semaphore, #tpu.memory_space<semaphore_mem>>
        %dma_start3A_547 = arith.constant 960 : i32
        %dma_start3A_548 = arith.constant 0 : i32
        %dma_start3A_549 = tpu.memref_slice %arg23[%dma_start3A_547, %dma_start3A_548] : memref<1000x128xf32, #tpu.memory_space<vmem_shared>> -> memref<40x128xf32, #tpu.memory_space<vmem_shared>>
        %dma_start3A_550 = arith.constant 960 : i32
        %dma_start3A_551 = arith.constant 0 : i32
        %dma_start3A_552 = tpu.memref_slice %arg2[%dma_start3A_550, %dma_start3A_551] : memref<1024x128xf32, #tpu.memory_space<hbm>> -> memref<40x128xf32, #tpu.memory_space<hbm>>
        tpu.enqueue_dma source(%dma_start3A_552 : memref<40x128xf32, #tpu.memory_space<hbm>>) target(%dma_start3A_549 : memref<40x128xf32, #tpu.memory_space<vmem_shared>>) target_semaphore(%run_scoped3A : memref<!tpu.dma_semaphore, #tpu.memory_space<semaphore_mem>>)
        %dma_wait3A_553 = arith.constant 960 : i32
        %dma_wait3A_554 = arith.constant 0 : i32
        %dma_wait3A_555 = tpu.memref_slice %arg23[%dma_wait3A_553, %dma_wait3A_554] : memref<1000x128xf32, #tpu.memory_space<vmem_shared>> -> memref<40x128xf32, #tpu.memory_space<vmem_shared>>
        %dma_wait3A_556 = arith.constant 960 : i32
        %dma_wait3A_557 = arith.constant 0 : i32
        %dma_wait3A_558 = tpu.memref_slice %arg2[%dma_wait3A_556, %dma_wait3A_557] : memref<1024x128xf32, #tpu.memory_space<hbm>> -> memref<40x128xf32, #tpu.memory_space<hbm>>
        tpu.wait_dma2 semaphore(%run_scoped3A : memref<!tpu.dma_semaphore, #tpu.memory_space<semaphore_mem>>) src(%dma_wait3A_558 : memref<40x128xf32, #tpu.memory_space<hbm>>) dst(%dma_wait3A_555 : memref<40x128xf32, #tpu.memory_space<vmem_shared>>)
        tpu.yield
      }) : () -> ()
      "tpu.region"() ({
        %run_scoped3A = tpu.sem_alloc : memref<!tpu.dma_semaphore, #tpu.memory_space<semaphore_mem>>
        %dma_start3A_547 = arith.constant 960 : i32
        %dma_start3A_548 = arith.constant 0 : i32
        %dma_start3A_549 = tpu.memref_slice %arg24[%dma_start3A_547, %dma_start3A_548] : memref<1000x128xf32, #tpu.memory_space<vmem_shared>> -> memref<40x128xf32, #tpu.memory_space<vmem_shared>>
        %dma_start3A_550 = arith.constant 960 : i32
        %dma_start3A_551 = arith.constant 0 : i32
        %dma_start3A_552 = tpu.memref_slice %arg2[%dma_start3A_550, %dma_start3A_551] : memref<1024x128xf32, #tpu.memory_space<hbm>> -> memref<40x128xf32, #tpu.memory_space<hbm>>
        tpu.enqueue_dma source(%dma_start3A_552 : memref<40x128xf32, #tpu.memory_space<hbm>>) target(%dma_start3A_549 : memref<40x128xf32, #tpu.memory_space<vmem_shared>>) target_semaphore(%run_scoped3A : memref<!tpu.dma_semaphore, #tpu.memory_space<semaphore_mem>>)
        %dma_wait3A_553 = arith.constant 960 : i32
        %dma_wait3A_554 = arith.constant 0 : i32
        %dma_wait3A_555 = tpu.memref_slice %arg24[%dma_wait3A_553, %dma_wait3A_554] : memref<1000x128xf32, #tpu.memory_space<vmem_shared>> -> memref<40x128xf32, #tpu.memory_space<vmem_shared>>
        %dma_wait3A_556 = arith.constant 960 : i32
        %dma_wait3A_557 = arith.constant 0 : i32
        %dma_wait3A_558 = tpu.memref_slice %arg2[%dma_wait3A_556, %dma_wait3A_557] : memref<1024x128xf32, #tpu.memory_space<hbm>> -> memref<40x128xf32, #tpu.memory_space<hbm>>
        tpu.wait_dma2 semaphore(%run_scoped3A : memref<!tpu.dma_semaphore, #tpu.memory_space<semaphore_mem>>) src(%dma_wait3A_558 : memref<40x128xf32, #tpu.memory_space<hbm>>) dst(%dma_wait3A_555 : memref<40x128xf32, #tpu.memory_space<vmem_shared>>)
        tpu.yield
      }) : () -> ()
      "tpu.region"() ({
        %run_scoped3A = tpu.sem_alloc : memref<!tpu.dma_semaphore, #tpu.memory_space<semaphore_mem>>
        %dma_start3A_547 = arith.constant 960 : i32
        %dma_start3A_548 = arith.constant 0 : i32
        %dma_start3A_549 = tpu.memref_slice %arg25[%dma_start3A_547, %dma_start3A_548] : memref<1000x128xf32, #tpu.memory_space<vmem_shared>> -> memref<40x128xf32, #tpu.memory_space<vmem_shared>>
        %dma_start3A_550 = arith.constant 960 : i32
        %dma_start3A_551 = arith.constant 0 : i32
        %dma_start3A_552 = tpu.memref_slice %arg2[%dma_start3A_550, %dma_start3A_551] : memref<1024x128xf32, #tpu.memory_space<hbm>> -> memref<40x128xf32, #tpu.memory_space<hbm>>
        tpu.enqueue_dma source(%dma_start3A_552 : memref<40x128xf32, #tpu.memory_space<hbm>>) target(%dma_start3A_549 : memref<40x128xf32, #tpu.memory_space<vmem_shared>>) target_semaphore(%run_scoped3A : memref<!tpu.dma_semaphore, #tpu.memory_space<semaphore_mem>>)
        %dma_wait3A_553 = arith.constant 960 : i32
        %dma_wait3A_554 = arith.constant 0 : i32
        %dma_wait3A_555 = tpu.memref_slice %arg25[%dma_wait3A_553, %dma_wait3A_554] : memref<1000x128xf32, #tpu.memory_space<vmem_shared>> -> memref<40x128xf32, #tpu.memory_space<vmem_shared>>
        %dma_wait3A_556 = arith.constant 960 : i32
        %dma_wait3A_557 = arith.constant 0 : i32
        %dma_wait3A_558 = tpu.memref_slice %arg2[%dma_wait3A_556, %dma_wait3A_557] : memref<1024x128xf32, #tpu.memory_space<hbm>> -> memref<40x128xf32, #tpu.memory_space<hbm>>
        tpu.wait_dma2 semaphore(%run_scoped3A : memref<!tpu.dma_semaphore, #tpu.memory_space<semaphore_mem>>) src(%dma_wait3A_558 : memref<40x128xf32, #tpu.memory_space<hbm>>) dst(%dma_wait3A_555 : memref<40x128xf32, #tpu.memory_space<vmem_shared>>)
        tpu.yield
      }) : () -> ()
      "tpu.region"() ({
        %run_scoped3A = tpu.sem_alloc : memref<!tpu.dma_semaphore, #tpu.memory_space<semaphore_mem>>
        %dma_start3A_547 = arith.constant 960 : i32
        %dma_start3A_548 = arith.constant 0 : i32
        %dma_start3A_549 = tpu.memref_slice %arg26[%dma_start3A_547, %dma_start3A_548] : memref<1000x128xf32, #tpu.memory_space<vmem_shared>> -> memref<40x128xf32, #tpu.memory_space<vmem_shared>>
        %dma_start3A_550 = arith.constant 960 : i32
        %dma_start3A_551 = arith.constant 0 : i32
        %dma_start3A_552 = tpu.memref_slice %arg2[%dma_start3A_550, %dma_start3A_551] : memref<1024x128xf32, #tpu.memory_space<hbm>> -> memref<40x128xf32, #tpu.memory_space<hbm>>
        tpu.enqueue_dma source(%dma_start3A_552 : memref<40x128xf32, #tpu.memory_space<hbm>>) target(%dma_start3A_549 : memref<40x128xf32, #tpu.memory_space<vmem_shared>>) target_semaphore(%run_scoped3A : memref<!tpu.dma_semaphore, #tpu.memory_space<semaphore_mem>>)
        %dma_wait3A_553 = arith.constant 960 : i32
        %dma_wait3A_554 = arith.constant 0 : i32
        %dma_wait3A_555 = tpu.memref_slice %arg26[%dma_wait3A_553, %dma_wait3A_554] : memref<1000x128xf32, #tpu.memory_space<vmem_shared>> -> memref<40x128xf32, #tpu.memory_space<vmem_shared>>
        %dma_wait3A_556 = arith.constant 960 : i32
        %dma_wait3A_557 = arith.constant 0 : i32
        %dma_wait3A_558 = tpu.memref_slice %arg2[%dma_wait3A_556, %dma_wait3A_557] : memref<1024x128xf32, #tpu.memory_space<hbm>> -> memref<40x128xf32, #tpu.memory_space<hbm>>
        tpu.wait_dma2 semaphore(%run_scoped3A : memref<!tpu.dma_semaphore, #tpu.memory_space<semaphore_mem>>) src(%dma_wait3A_558 : memref<40x128xf32, #tpu.memory_space<hbm>>) dst(%dma_wait3A_555 : memref<40x128xf32, #tpu.memory_space<vmem_shared>>)
        tpu.yield
      }) : () -> ()
      "tpu.region"() ({
        %run_scoped3A = tpu.sem_alloc : memref<!tpu.dma_semaphore, #tpu.memory_space<semaphore_mem>>
        %dma_start3A_547 = arith.constant 960 : i32
        %dma_start3A_548 = arith.constant 0 : i32
        %dma_start3A_549 = tpu.memref_slice %arg27[%dma_start3A_547, %dma_start3A_548] : memref<1000x128xf32, #tpu.memory_space<vmem_shared>> -> memref<40x128xf32, #tpu.memory_space<vmem_shared>>
        %dma_start3A_550 = arith.constant 960 : i32
        %dma_start3A_551 = arith.constant 0 : i32
        %dma_start3A_552 = tpu.memref_slice %arg2[%dma_start3A_550, %dma_start3A_551] : memref<1024x128xf32, #tpu.memory_space<hbm>> -> memref<40x128xf32, #tpu.memory_space<hbm>>
        tpu.enqueue_dma source(%dma_start3A_552 : memref<40x128xf32, #tpu.memory_space<hbm>>) target(%dma_start3A_549 : memref<40x128xf32, #tpu.memory_space<vmem_shared>>) target_semaphore(%run_scoped3A : memref<!tpu.dma_semaphore, #tpu.memory_space<semaphore_mem>>)
        %dma_wait3A_553 = arith.constant 960 : i32
        %dma_wait3A_554 = arith.constant 0 : i32
        %dma_wait3A_555 = tpu.memref_slice %arg27[%dma_wait3A_553, %dma_wait3A_554] : memref<1000x128xf32, #tpu.memory_space<vmem_shared>> -> memref<40x128xf32, #tpu.memory_space<vmem_shared>>
        %dma_wait3A_556 = arith.constant 960 : i32
        %dma_wait3A_557 = arith.constant 0 : i32
        %dma_wait3A_558 = tpu.memref_slice %arg2[%dma_wait3A_556, %dma_wait3A_557] : memref<1024x128xf32, #tpu.memory_space<hbm>> -> memref<40x128xf32, #tpu.memory_space<hbm>>
        tpu.wait_dma2 semaphore(%run_scoped3A : memref<!tpu.dma_semaphore, #tpu.memory_space<semaphore_mem>>) src(%dma_wait3A_558 : memref<40x128xf32, #tpu.memory_space<hbm>>) dst(%dma_wait3A_555 : memref<40x128xf32, #tpu.memory_space<vmem_shared>>)
        tpu.yield
      }) : () -> ()
      "tpu.region"() ({
        %run_scoped3A = tpu.sem_alloc : memref<!tpu.dma_semaphore, #tpu.memory_space<semaphore_mem>>
        %dma_start3A_547 = arith.constant 960 : i32
        %dma_start3A_548 = arith.constant 0 : i32
        %dma_start3A_549 = tpu.memref_slice %arg28[%dma_start3A_547, %dma_start3A_548] : memref<1000x128xf32, #tpu.memory_space<vmem_shared>> -> memref<40x128xf32, #tpu.memory_space<vmem_shared>>
        %dma_start3A_550 = arith.constant 960 : i32
        %dma_start3A_551 = arith.constant 0 : i32
        %dma_start3A_552 = tpu.memref_slice %arg2[%dma_start3A_550, %dma_start3A_551] : memref<1024x128xf32, #tpu.memory_space<hbm>> -> memref<40x128xf32, #tpu.memory_space<hbm>>
        tpu.enqueue_dma source(%dma_start3A_552 : memref<40x128xf32, #tpu.memory_space<hbm>>) target(%dma_start3A_549 : memref<40x128xf32, #tpu.memory_space<vmem_shared>>) target_semaphore(%run_scoped3A : memref<!tpu.dma_semaphore, #tpu.memory_space<semaphore_mem>>)
        %dma_wait3A_553 = arith.constant 960 : i32
        %dma_wait3A_554 = arith.constant 0 : i32
        %dma_wait3A_555 = tpu.memref_slice %arg28[%dma_wait3A_553, %dma_wait3A_554] : memref<1000x128xf32, #tpu.memory_space<vmem_shared>> -> memref<40x128xf32, #tpu.memory_space<vmem_shared>>
        %dma_wait3A_556 = arith.constant 960 : i32
        %dma_wait3A_557 = arith.constant 0 : i32
        %dma_wait3A_558 = tpu.memref_slice %arg2[%dma_wait3A_556, %dma_wait3A_557] : memref<1024x128xf32, #tpu.memory_space<hbm>> -> memref<40x128xf32, #tpu.memory_space<hbm>>
        tpu.wait_dma2 semaphore(%run_scoped3A : memref<!tpu.dma_semaphore, #tpu.memory_space<semaphore_mem>>) src(%dma_wait3A_558 : memref<40x128xf32, #tpu.memory_space<hbm>>) dst(%dma_wait3A_555 : memref<40x128xf32, #tpu.memory_space<vmem_shared>>)
        tpu.yield
      }) : () -> ()
    } else {
    }
    %broadcast_in_dim3A = arith.constant 1.000000e+00 : f32
    %broadcast_in_dim3A_11 = vector.broadcast %broadcast_in_dim3A : f32 to vector<16xf32>
    %scan3A = arith.constant 0 : i32
    %scan3A_12 = arith.constant 0 : i32
    %scan3A_13 = arith.constant 512 : i32
    %scan3A_14 = arith.addi %scan3A_12, %scan3A_13 : i32
    %scan3A_15 = arith.constant 1 : i32
    scf.for %scan3A_547 = %scan3A_12 to %scan3A_14 step %scan3A_15  : i32 {
      %jit3A = arith.constant 8 : i32
      %div3A = arith.divsi %scan3A_547, %jit3A : i32
      %sign3A = arith.constant 0 : i32
      %sign3A_548 = arith.cmpi sgt, %scan3A_547, %sign3A : i32
      %sign3A_549 = arith.extui %sign3A_548 : i1 to i32
      %sign3A_550 = arith.constant 0 : i32
      %sign3A_551 = arith.cmpi slt, %scan3A_547, %sign3A_550 : i32
      %sign3A_552 = arith.extui %sign3A_551 : i1 to i32
      %sign3A_553 = arith.subi %sign3A_549, %sign3A_552 : i32
      %sign3A_554 = arith.constant 0 : i32
      %sign3A_555 = arith.cmpi sgt, %jit3A, %sign3A_554 : i32
      %sign3A_556 = arith.extui %sign3A_555 : i1 to i32
      %sign3A_557 = arith.constant 0 : i32
      %sign3A_558 = arith.cmpi slt, %jit3A, %sign3A_557 : i32
      %sign3A_559 = arith.extui %sign3A_558 : i1 to i32
      %sign3A_560 = arith.subi %sign3A_556, %sign3A_559 : i32
      %ne3A = arith.cmpi ne, %sign3A_553, %sign3A_560 : i32
      %rem3A = arith.remsi %scan3A_547, %jit3A : i32
      %ne3A_561 = arith.constant 0 : i32
      %ne3A_562 = arith.cmpi ne, %rem3A, %ne3A_561 : i32
      %and3A = arith.andi %ne3A, %ne3A_562 : i1
      %sub3A = arith.constant 1 : i32
      %sub3A_563 = arith.subi %div3A, %sub3A : i32
      %select_n3A = arith.select %and3A, %sub3A_563, %div3A : i32
      %jit3A_564 = arith.constant 8 : i32
      %eq3A_565 = arith.constant 0 : i32
      %eq3A_566 = arith.cmpi eq, %jit3A_564, %eq3A_565 : i32
      %jit3A_567 = arith.constant 1 : i32
      %select_n3A_568 = arith.select %eq3A_566, %jit3A_567, %jit3A_564 : i32
      %rem3A_569 = arith.remsi %scan3A_547, %select_n3A_568 : i32
      %ne3A_570 = arith.constant 0 : i32
      %ne3A_571 = arith.cmpi ne, %rem3A_569, %ne3A_570 : i32
      %lt3A_572 = arith.constant 0 : i32
      %lt3A_573 = arith.cmpi slt, %rem3A_569, %lt3A_572 : i32
      %lt3A_574 = arith.constant 0 : i32
      %lt3A_575 = arith.cmpi slt, %select_n3A_568, %lt3A_574 : i32
      %ne3A_576 = arith.xori %lt3A_573, %lt3A_575 : i1
      %and3A_577 = arith.andi %ne3A_576, %ne3A_571 : i1
      %add3A_578 = arith.addi %rem3A_569, %select_n3A_568 : i32
      %select_n3A_579 = arith.select %and3A_577, %add3A_578, %rem3A_569 : i32
      %mul3A_580 = arith.constant 16 : i32
      %mul3A_581 = arith.muli %select_n3A_579, %mul3A_580 : i32
      %swap3A = arith.index_cast %select_n3A : i32 to index
      %swap3A_582 = arith.index_cast %mul3A_581 : i32 to index
      %swap3A_583 = tpu.vector_load %arg21[%swap3A, %swap3A_582] {strides = array<i32>} : memref<64x128xf32, #tpu.memory_space<vmem>>, vector<1x16xf32>,
      %swap3A_584 = vector.shape_cast %swap3A_583 : vector<1x16xf32> to vector<16xf32>
      %swap3A_585 = vector.shape_cast %broadcast_in_dim3A_11 : vector<16xf32> to vector<1x16xf32>
      tpu.vector_store %arg21[%swap3A, %swap3A_582], %swap3A_585 {strides = array<i32>} : memref<64x128xf32, #tpu.memory_space<vmem>>, vector<1x16xf32>,
    }
    %scan3A_16 = arith.constant 512 : i32
    %barrier3A = arith.constant 0 : index
    tpu.barrier barrier_id(%barrier3A)
    %add3A_17 = arith.constant 0 : i32
    %add3A_18 = arith.addi %mul3A_4, %add3A_17 : i32
    %dma_start3A = tpu.memref_slice %arg3[%add3A_18] : memref<65536xi32, #tpu.memory_space<hbm>> -> memref<64xi32, #tpu.memory_space<hbm>>
    %dma_start3A_19 = tpu.memref_slice %arg3[%add3A_18] : memref<65536xi32, #tpu.memory_space<hbm>> -> memref<64xi32, #tpu.memory_space<hbm>>
    tpu.enqueue_dma source(%dma_start3A_19 : memref<64xi32, #tpu.memory_space<hbm>>) target(%arg11 : memref<64xi32, #tpu.memory_space<vmem>>) target_semaphore(%arg29 : memref<!tpu.dma_semaphore, #tpu.memory_space<semaphore_mem>>)
    %add3A_20 = arith.constant 0 : i32
    %add3A_21 = arith.addi %mul3A_4, %add3A_20 : i32
    %dma_start3A_22 = arith.constant 0 : i32
    %dma_start3A_23 = tpu.memref_slice %arg4[%add3A_21, %dma_start3A_22] : memref<65536x256xf32, #tpu.memory_space<hbm>> -> memref<64x128xf32, #tpu.memory_space<hbm>>
    %dma_start3A_24 = arith.constant 0 : i32
    %dma_start3A_25 = tpu.memref_slice %arg4[%add3A_21, %dma_start3A_24] : memref<65536x256xf32, #tpu.memory_space<hbm>> -> memref<64x128xf32, #tpu.memory_space<hbm>>
    tpu.enqueue_dma source(%dma_start3A_25 : memref<64x128xf32, #tpu.memory_space<hbm>>) target(%arg13 : memref<64x128xf32, #tpu.memory_space<vmem>>) target_semaphore(%arg29 : memref<!tpu.dma_semaphore, #tpu.memory_space<semaphore_mem>>)
    %add3A_26 = arith.constant 0 : i32
    %add3A_27 = arith.addi %mul3A_4, %add3A_26 : i32
    %dma_start3A_28 = arith.constant 128 : i32
    %dma_start3A_29 = tpu.memref_slice %arg4[%add3A_27, %dma_start3A_28] : memref<65536x256xf32, #tpu.memory_space<hbm>> -> memref<64x128xf32, #tpu.memory_space<hbm>>
    %dma_start3A_30 = arith.constant 128 : i32
    %dma_start3A_31 = tpu.memref_slice %arg4[%add3A_27, %dma_start3A_30] : memref<65536x256xf32, #tpu.memory_space<hbm>> -> memref<64x128xf32, #tpu.memory_space<hbm>>
    tpu.enqueue_dma source(%dma_start3A_31 : memref<64x128xf32, #tpu.memory_space<hbm>>) target(%arg14 : memref<64x128xf32, #tpu.memory_space<vmem>>) target_semaphore(%arg29 : memref<!tpu.dma_semaphore, #tpu.memory_space<semaphore_mem>>)
    %add3A_32 = arith.constant 0 : i32
    %add3A_33 = arith.addi %mul3A_4, %add3A_32 : i32
    %dma_start3A_34 = arith.constant 0 : i32
    %dma_start3A_35 = tpu.memref_slice %arg5[%add3A_33, %dma_start3A_34] : memref<65536x256xf32, #tpu.memory_space<hbm>> -> memref<64x128xf32, #tpu.memory_space<hbm>>
    %dma_start3A_36 = arith.constant 0 : i32
    %dma_start3A_37 = tpu.memref_slice %arg5[%add3A_33, %dma_start3A_36] : memref<65536x256xf32, #tpu.memory_space<hbm>> -> memref<64x128xf32, #tpu.memory_space<hbm>>
    tpu.enqueue_dma source(%dma_start3A_37 : memref<64x128xf32, #tpu.memory_space<hbm>>) target(%arg15 : memref<64x128xf32, #tpu.memory_space<vmem>>) target_semaphore(%arg29 : memref<!tpu.dma_semaphore, #tpu.memory_space<semaphore_mem>>)
    %add3A_38 = arith.constant 0 : i32
    %add3A_39 = arith.addi %mul3A_4, %add3A_38 : i32
    %dma_start3A_40 = arith.constant 128 : i32
    %dma_start3A_41 = tpu.memref_slice %arg5[%add3A_39, %dma_start3A_40] : memref<65536x256xf32, #tpu.memory_space<hbm>> -> memref<64x128xf32, #tpu.memory_space<hbm>>
    %dma_start3A_42 = arith.constant 128 : i32
    %dma_start3A_43 = tpu.memref_slice %arg5[%add3A_39, %dma_start3A_42] : memref<65536x256xf32, #tpu.memory_space<hbm>> -> memref<64x128xf32, #tpu.memory_space<hbm>>
    tpu.enqueue_dma source(%dma_start3A_43 : memref<64x128xf32, #tpu.memory_space<hbm>>) target(%arg16 : memref<64x128xf32, #tpu.memory_space<vmem>>) target_semaphore(%arg29 : memref<!tpu.dma_semaphore, #tpu.memory_space<semaphore_mem>>)
    %dma_wait3A = arith.constant 0 : i32
    %dma_wait3A_44 = tpu.memref_slice %arg3[%dma_wait3A] : memref<65536xi32, #tpu.memory_space<hbm>> -> memref<64xi32, #tpu.memory_space<hbm>>
    %dma_wait3A_45 = arith.constant 0 : i32
    %dma_wait3A_46 = tpu.memref_slice %arg3[%dma_wait3A_45] : memref<65536xi32, #tpu.memory_space<hbm>> -> memref<64xi32, #tpu.memory_space<hbm>>
    tpu.wait_dma2 semaphore(%arg29 : memref<!tpu.dma_semaphore, #tpu.memory_space<semaphore_mem>>) src(%dma_wait3A_46 : memref<64xi32, #tpu.memory_space<hbm>>) dst(%arg11 : memref<64xi32, #tpu.memory_space<vmem>>)
    %dma_wait3A_47 = arith.constant 0 : i32
    %dma_wait3A_48 = arith.constant 0 : i32
    %dma_wait3A_49 = tpu.memref_slice %arg4[%dma_wait3A_47, %dma_wait3A_48] : memref<65536x256xf32, #tpu.memory_space<hbm>> -> memref<64x128xf32, #tpu.memory_space<hbm>>
    %dma_wait3A_50 = arith.constant 0 : i32
    %dma_wait3A_51 = arith.constant 0 : i32
    %dma_wait3A_52 = tpu.memref_slice %arg4[%dma_wait3A_50, %dma_wait3A_51] : memref<65536x256xf32, #tpu.memory_space<hbm>> -> memref<64x128xf32, #tpu.memory_space<hbm>>
    tpu.wait_dma2 semaphore(%arg29 : memref<!tpu.dma_semaphore, #tpu.memory_space<semaphore_mem>>) src(%dma_wait3A_52 : memref<64x128xf32, #tpu.memory_space<hbm>>) dst(%arg13 : memref<64x128xf32, #tpu.memory_space<vmem>>)
    %dma_wait3A_53 = arith.constant 0 : i32
    %dma_wait3A_54 = arith.constant 128 : i32
    %dma_wait3A_55 = tpu.memref_slice %arg4[%dma_wait3A_53, %dma_wait3A_54] : memref<65536x256xf32, #tpu.memory_space<hbm>> -> memref<64x128xf32, #tpu.memory_space<hbm>>
    %dma_wait3A_56 = arith.constant 0 : i32
    %dma_wait3A_57 = arith.constant 128 : i32
    %dma_wait3A_58 = tpu.memref_slice %arg4[%dma_wait3A_56, %dma_wait3A_57] : memref<65536x256xf32, #tpu.memory_space<hbm>> -> memref<64x128xf32, #tpu.memory_space<hbm>>
    tpu.wait_dma2 semaphore(%arg29 : memref<!tpu.dma_semaphore, #tpu.memory_space<semaphore_mem>>) src(%dma_wait3A_58 : memref<64x128xf32, #tpu.memory_space<hbm>>) dst(%arg14 : memref<64x128xf32, #tpu.memory_space<vmem>>)
    %dma_start3A_59 = arith.constant 0 : i32
    %dma_start3A_60 = arith.constant 0 : i32
    %dma_start3A_61 = tpu.memref_slice %arg22[%dma_start3A_59, %dma_start3A_60] : memref<1000x128xf32, #tpu.memory_space<vmem_shared>> -> memref<1000x128xf32, #tpu.memory_space<vmem_shared>>
    tpu.enqueue_indirect_dma source(%arg13 : memref<64x128xf32, #tpu.memory_space<vmem>>) target(%dma_start3A_61 : memref<1000x128xf32, #tpu.memory_space<vmem_shared>>) offsets(%arg11 : memref<64xi32, #tpu.memory_space<vmem>>) semaphore(%arg30 : memref<!tpu.dma_semaphore, #tpu.memory_space<semaphore_mem>>) {add = true}
    %dma_start3A_62 = arith.constant 0 : i32
    %dma_start3A_63 = arith.constant 0 : i32
    %dma_start3A_64 = tpu.memref_slice %arg23[%dma_start3A_62, %dma_start3A_63] : memref<1000x128xf32, #tpu.memory_space<vmem_shared>> -> memref<1000x128xf32, #tpu.memory_space<vmem_shared>>
    tpu.enqueue_indirect_dma source(%arg14 : memref<64x128xf32, #tpu.memory_space<vmem>>) target(%dma_start3A_64 : memref<1000x128xf32, #tpu.memory_space<vmem_shared>>) offsets(%arg11 : memref<64xi32, #tpu.memory_space<vmem>>) semaphore(%arg30 : memref<!tpu.dma_semaphore, #tpu.memory_space<semaphore_mem>>) {add = true}
    %add3A_65 = arith.constant 0 : i32
    %add3A_66 = arith.addi %mul3A_4, %add3A_65 : i32
    %dma_start3A_67 = arith.constant 0 : i32
    %dma_start3A_68 = tpu.memref_slice %arg6[%add3A_66, %dma_start3A_67] : memref<65536x256xf32, #tpu.memory_space<hbm>> -> memref<64x128xf32, #tpu.memory_space<hbm>>
    %dma_start3A_69 = arith.constant 0 : i32
    %dma_start3A_70 = tpu.memref_slice %arg6[%add3A_66, %dma_start3A_69] : memref<65536x256xf32, #tpu.memory_space<hbm>> -> memref<64x128xf32, #tpu.memory_space<hbm>>
    tpu.enqueue_dma source(%dma_start3A_70 : memref<64x128xf32, #tpu.memory_space<hbm>>) target(%arg17 : memref<64x128xf32, #tpu.memory_space<vmem>>) target_semaphore(%arg29 : memref<!tpu.dma_semaphore, #tpu.memory_space<semaphore_mem>>)
    %add3A_71 = arith.constant 0 : i32
    %add3A_72 = arith.addi %mul3A_4, %add3A_71 : i32
    %dma_start3A_73 = arith.constant 128 : i32
    %dma_start3A_74 = tpu.memref_slice %arg6[%add3A_72, %dma_start3A_73] : memref<65536x256xf32, #tpu.memory_space<hbm>> -> memref<64x128xf32, #tpu.memory_space<hbm>>
    %dma_start3A_75 = arith.constant 128 : i32
    %dma_start3A_76 = tpu.memref_slice %arg6[%add3A_72, %dma_start3A_75] : memref<65536x256xf32, #tpu.memory_space<hbm>> -> memref<64x128xf32, #tpu.memory_space<hbm>>
    tpu.enqueue_dma source(%dma_start3A_76 : memref<64x128xf32, #tpu.memory_space<hbm>>) target(%arg18 : memref<64x128xf32, #tpu.memory_space<vmem>>) target_semaphore(%arg29 : memref<!tpu.dma_semaphore, #tpu.memory_space<semaphore_mem>>)
    %dma_wait3A_77 = arith.constant 0 : i32
    %dma_wait3A_78 = arith.constant 0 : i32
    %dma_wait3A_79 = tpu.memref_slice %arg5[%dma_wait3A_77, %dma_wait3A_78] : memref<65536x256xf32, #tpu.memory_space<hbm>> -> memref<64x128xf32, #tpu.memory_space<hbm>>
    %dma_wait3A_80 = arith.constant 0 : i32
    %dma_wait3A_81 = arith.constant 0 : i32
    %dma_wait3A_82 = tpu.memref_slice %arg5[%dma_wait3A_80, %dma_wait3A_81] : memref<65536x256xf32, #tpu.memory_space<hbm>> -> memref<64x128xf32, #tpu.memory_space<hbm>>
    tpu.wait_dma2 semaphore(%arg29 : memref<!tpu.dma_semaphore, #tpu.memory_space<semaphore_mem>>) src(%dma_wait3A_82 : memref<64x128xf32, #tpu.memory_space<hbm>>) dst(%arg15 : memref<64x128xf32, #tpu.memory_space<vmem>>)
    %dma_wait3A_83 = arith.constant 0 : i32
    %dma_wait3A_84 = arith.constant 128 : i32
    %dma_wait3A_85 = tpu.memref_slice %arg5[%dma_wait3A_83, %dma_wait3A_84] : memref<65536x256xf32, #tpu.memory_space<hbm>> -> memref<64x128xf32, #tpu.memory_space<hbm>>
    %dma_wait3A_86 = arith.constant 0 : i32
    %dma_wait3A_87 = arith.constant 128 : i32
    %dma_wait3A_88 = tpu.memref_slice %arg5[%dma_wait3A_86, %dma_wait3A_87] : memref<65536x256xf32, #tpu.memory_space<hbm>> -> memref<64x128xf32, #tpu.memory_space<hbm>>
    tpu.wait_dma2 semaphore(%arg29 : memref<!tpu.dma_semaphore, #tpu.memory_space<semaphore_mem>>) src(%dma_wait3A_88 : memref<64x128xf32, #tpu.memory_space<hbm>>) dst(%arg16 : memref<64x128xf32, #tpu.memory_space<vmem>>)
    %dma_start3A_89 = arith.constant 0 : i32
    %dma_start3A_90 = arith.constant 0 : i32
    %dma_start3A_91 = tpu.memref_slice %arg24[%dma_start3A_89, %dma_start3A_90] : memref<1000x128xf32, #tpu.memory_space<vmem_shared>> -> memref<1000x128xf32, #tpu.memory_space<vmem_shared>>
    tpu.enqueue_indirect_dma source(%arg15 : memref<64x128xf32, #tpu.memory_space<vmem>>) target(%dma_start3A_91 : memref<1000x128xf32, #tpu.memory_space<vmem_shared>>) offsets(%arg11 : memref<64xi32, #tpu.memory_space<vmem>>) semaphore(%arg30 : memref<!tpu.dma_semaphore, #tpu.memory_space<semaphore_mem>>) {add = true}
    %dma_start3A_92 = arith.constant 0 : i32
    %dma_start3A_93 = arith.constant 0 : i32
    %dma_start3A_94 = tpu.memref_slice %arg25[%dma_start3A_92, %dma_start3A_93] : memref<1000x128xf32, #tpu.memory_space<vmem_shared>> -> memref<1000x128xf32, #tpu.memory_space<vmem_shared>>
    tpu.enqueue_indirect_dma source(%arg16 : memref<64x128xf32, #tpu.memory_space<vmem>>) target(%dma_start3A_94 : memref<1000x128xf32, #tpu.memory_space<vmem_shared>>) offsets(%arg11 : memref<64xi32, #tpu.memory_space<vmem>>) semaphore(%arg30 : memref<!tpu.dma_semaphore, #tpu.memory_space<semaphore_mem>>) {add = true}
    %add3A_95 = arith.constant 64 : i32
    %add3A_96 = arith.addi %mul3A_4, %add3A_95 : i32
    %dma_start3A_97 = tpu.memref_slice %arg3[%add3A_96] : memref<65536xi32, #tpu.memory_space<hbm>> -> memref<64xi32, #tpu.memory_space<hbm>>
    %dma_start3A_98 = tpu.memref_slice %arg3[%add3A_96] : memref<65536xi32, #tpu.memory_space<hbm>> -> memref<64xi32, #tpu.memory_space<hbm>>
    tpu.enqueue_dma source(%dma_start3A_98 : memref<64xi32, #tpu.memory_space<hbm>>) target(%arg12 : memref<64xi32, #tpu.memory_space<vmem>>) target_semaphore(%arg29 : memref<!tpu.dma_semaphore, #tpu.memory_space<semaphore_mem>>)
    %add3A_99 = arith.constant 64 : i32
    %add3A_100 = arith.addi %mul3A_4, %add3A_99 : i32
    %dma_start3A_101 = arith.constant 0 : i32
    %dma_start3A_102 = tpu.memref_slice %arg4[%add3A_100, %dma_start3A_101] : memref<65536x256xf32, #tpu.memory_space<hbm>> -> memref<64x128xf32, #tpu.memory_space<hbm>>
    %dma_start3A_103 = arith.constant 0 : i32
    %dma_start3A_104 = tpu.memref_slice %arg4[%add3A_100, %dma_start3A_103] : memref<65536x256xf32, #tpu.memory_space<hbm>> -> memref<64x128xf32, #tpu.memory_space<hbm>>
    tpu.enqueue_dma source(%dma_start3A_104 : memref<64x128xf32, #tpu.memory_space<hbm>>) target(%arg19 : memref<64x128xf32, #tpu.memory_space<vmem>>) target_semaphore(%arg29 : memref<!tpu.dma_semaphore, #tpu.memory_space<semaphore_mem>>)
    %add3A_105 = arith.constant 64 : i32
    %add3A_106 = arith.addi %mul3A_4, %add3A_105 : i32
    %dma_start3A_107 = arith.constant 128 : i32
    %dma_start3A_108 = tpu.memref_slice %arg4[%add3A_106, %dma_start3A_107] : memref<65536x256xf32, #tpu.memory_space<hbm>> -> memref<64x128xf32, #tpu.memory_space<hbm>>
    %dma_start3A_109 = arith.constant 128 : i32
    %dma_start3A_110 = tpu.memref_slice %arg4[%add3A_106, %dma_start3A_109] : memref<65536x256xf32, #tpu.memory_space<hbm>> -> memref<64x128xf32, #tpu.memory_space<hbm>>
    tpu.enqueue_dma source(%dma_start3A_110 : memref<64x128xf32, #tpu.memory_space<hbm>>) target(%arg20 : memref<64x128xf32, #tpu.memory_space<vmem>>) target_semaphore(%arg29 : memref<!tpu.dma_semaphore, #tpu.memory_space<semaphore_mem>>)
    %dma_wait3A_111 = arith.constant 0 : i32
    %dma_wait3A_112 = arith.constant 0 : i32
    %dma_wait3A_113 = tpu.memref_slice %arg6[%dma_wait3A_111, %dma_wait3A_112] : memref<65536x256xf32, #tpu.memory_space<hbm>> -> memref<64x128xf32, #tpu.memory_space<hbm>>
    %dma_wait3A_114 = arith.constant 0 : i32
    %dma_wait3A_115 = arith.constant 0 : i32
    %dma_wait3A_116 = tpu.memref_slice %arg6[%dma_wait3A_114, %dma_wait3A_115] : memref<65536x256xf32, #tpu.memory_space<hbm>> -> memref<64x128xf32, #tpu.memory_space<hbm>>
    tpu.wait_dma2 semaphore(%arg29 : memref<!tpu.dma_semaphore, #tpu.memory_space<semaphore_mem>>) src(%dma_wait3A_116 : memref<64x128xf32, #tpu.memory_space<hbm>>) dst(%arg17 : memref<64x128xf32, #tpu.memory_space<vmem>>)
    %dma_wait3A_117 = arith.constant 0 : i32
    %dma_wait3A_118 = arith.constant 128 : i32
    %dma_wait3A_119 = tpu.memref_slice %arg6[%dma_wait3A_117, %dma_wait3A_118] : memref<65536x256xf32, #tpu.memory_space<hbm>> -> memref<64x128xf32, #tpu.memory_space<hbm>>
    %dma_wait3A_120 = arith.constant 0 : i32
    %dma_wait3A_121 = arith.constant 128 : i32
    %dma_wait3A_122 = tpu.memref_slice %arg6[%dma_wait3A_120, %dma_wait3A_121] : memref<65536x256xf32, #tpu.memory_space<hbm>> -> memref<64x128xf32, #tpu.memory_space<hbm>>
    tpu.wait_dma2 semaphore(%arg29 : memref<!tpu.dma_semaphore, #tpu.memory_space<semaphore_mem>>) src(%dma_wait3A_122 : memref<64x128xf32, #tpu.memory_space<hbm>>) dst(%arg18 : memref<64x128xf32, #tpu.memory_space<vmem>>)
    %dma_start3A_123 = arith.constant 0 : i32
    %dma_start3A_124 = arith.constant 0 : i32
    %dma_start3A_125 = tpu.memref_slice %arg26[%dma_start3A_123, %dma_start3A_124] : memref<1000x128xf32, #tpu.memory_space<vmem_shared>> -> memref<1000x128xf32, #tpu.memory_space<vmem_shared>>
    tpu.enqueue_indirect_dma source(%arg17 : memref<64x128xf32, #tpu.memory_space<vmem>>) target(%dma_start3A_125 : memref<1000x128xf32, #tpu.memory_space<vmem_shared>>) offsets(%arg11 : memref<64xi32, #tpu.memory_space<vmem>>) semaphore(%arg30 : memref<!tpu.dma_semaphore, #tpu.memory_space<semaphore_mem>>) {add = true}
    %dma_start3A_126 = arith.constant 0 : i32
    %dma_start3A_127 = arith.constant 0 : i32
    %dma_start3A_128 = tpu.memref_slice %arg27[%dma_start3A_126, %dma_start3A_127] : memref<1000x128xf32, #tpu.memory_space<vmem_shared>> -> memref<1000x128xf32, #tpu.memory_space<vmem_shared>>
    tpu.enqueue_indirect_dma source(%arg18 : memref<64x128xf32, #tpu.memory_space<vmem>>) target(%dma_start3A_128 : memref<1000x128xf32, #tpu.memory_space<vmem_shared>>) offsets(%arg11 : memref<64xi32, #tpu.memory_space<vmem>>) semaphore(%arg30 : memref<!tpu.dma_semaphore, #tpu.memory_space<semaphore_mem>>) {add = true}
    %dma_start3A_129 = arith.constant 0 : i32
    %dma_start3A_130 = arith.constant 0 : i32
    %dma_start3A_131 = tpu.memref_slice %arg28[%dma_start3A_129, %dma_start3A_130] : memref<1000x128xf32, #tpu.memory_space<vmem_shared>> -> memref<1000x128xf32, #tpu.memory_space<vmem_shared>>
    tpu.enqueue_indirect_dma source(%arg21 : memref<64x128xf32, #tpu.memory_space<vmem>>) target(%dma_start3A_131 : memref<1000x128xf32, #tpu.memory_space<vmem_shared>>) offsets(%arg11 : memref<64xi32, #tpu.memory_space<vmem>>) semaphore(%arg30 : memref<!tpu.dma_semaphore, #tpu.memory_space<semaphore_mem>>) {add = true}
    %dma_wait3A_132 = arith.constant 0 : i32
    %dma_wait3A_133 = arith.constant 0 : i32
    %dma_wait3A_134 = tpu.memref_slice %arg22[%dma_wait3A_132, %dma_wait3A_133] : memref<1000x128xf32, #tpu.memory_space<vmem_shared>> -> memref<1000x128xf32, #tpu.memory_space<vmem_shared>>
    tpu.wait_indirect_dma semaphore(%arg30 : memref<!tpu.dma_semaphore, #tpu.memory_space<semaphore_mem>>) src(%arg13 : memref<64x128xf32, #tpu.memory_space<vmem>>) dst(%dma_wait3A_134 : memref<1000x128xf32, #tpu.memory_space<vmem_shared>>)
    %dma_wait3A_135 = arith.constant 0 : i32
    %dma_wait3A_136 = arith.constant 0 : i32
    %dma_wait3A_137 = tpu.memref_slice %arg23[%dma_wait3A_135, %dma_wait3A_136] : memref<1000x128xf32, #tpu.memory_space<vmem_shared>> -> memref<1000x128xf32, #tpu.memory_space<vmem_shared>>
    tpu.wait_indirect_dma semaphore(%arg30 : memref<!tpu.dma_semaphore, #tpu.memory_space<semaphore_mem>>) src(%arg14 : memref<64x128xf32, #tpu.memory_space<vmem>>) dst(%dma_wait3A_137 : memref<1000x128xf32, #tpu.memory_space<vmem_shared>>)
    %add3A_138 = arith.constant 64 : i32
    %add3A_139 = arith.addi %mul3A_4, %add3A_138 : i32
    %dma_start3A_140 = arith.constant 0 : i32
    %dma_start3A_141 = tpu.memref_slice %arg5[%add3A_139, %dma_start3A_140] : memref<65536x256xf32, #tpu.memory_space<hbm>> -> memref<64x128xf32, #tpu.memory_space<hbm>>
    %dma_start3A_142 = arith.constant 0 : i32
    %dma_start3A_143 = tpu.memref_slice %arg5[%add3A_139, %dma_start3A_142] : memref<65536x256xf32, #tpu.memory_space<hbm>> -> memref<64x128xf32, #tpu.memory_space<hbm>>
    tpu.enqueue_dma source(%dma_start3A_143 : memref<64x128xf32, #tpu.memory_space<hbm>>) target(%arg13 : memref<64x128xf32, #tpu.memory_space<vmem>>) target_semaphore(%arg29 : memref<!tpu.dma_semaphore, #tpu.memory_space<semaphore_mem>>)
    %add3A_144 = arith.constant 64 : i32
    %add3A_145 = arith.addi %mul3A_4, %add3A_144 : i32
    %dma_start3A_146 = arith.constant 128 : i32
    %dma_start3A_147 = tpu.memref_slice %arg5[%add3A_145, %dma_start3A_146] : memref<65536x256xf32, #tpu.memory_space<hbm>> -> memref<64x128xf32, #tpu.memory_space<hbm>>
    %dma_start3A_148 = arith.constant 128 : i32
    %dma_start3A_149 = tpu.memref_slice %arg5[%add3A_145, %dma_start3A_148] : memref<65536x256xf32, #tpu.memory_space<hbm>> -> memref<64x128xf32, #tpu.memory_space<hbm>>
    tpu.enqueue_dma source(%dma_start3A_149 : memref<64x128xf32, #tpu.memory_space<hbm>>) target(%arg14 : memref<64x128xf32, #tpu.memory_space<vmem>>) target_semaphore(%arg29 : memref<!tpu.dma_semaphore, #tpu.memory_space<semaphore_mem>>)
    %dma_wait3A_150 = arith.constant 0 : i32
    %dma_wait3A_151 = tpu.memref_slice %arg3[%dma_wait3A_150] : memref<65536xi32, #tpu.memory_space<hbm>> -> memref<64xi32, #tpu.memory_space<hbm>>
    %dma_wait3A_152 = arith.constant 0 : i32
    %dma_wait3A_153 = tpu.memref_slice %arg3[%dma_wait3A_152] : memref<65536xi32, #tpu.memory_space<hbm>> -> memref<64xi32, #tpu.memory_space<hbm>>
    tpu.wait_dma2 semaphore(%arg29 : memref<!tpu.dma_semaphore, #tpu.memory_space<semaphore_mem>>) src(%dma_wait3A_153 : memref<64xi32, #tpu.memory_space<hbm>>) dst(%arg12 : memref<64xi32, #tpu.memory_space<vmem>>)
    %dma_wait3A_154 = arith.constant 0 : i32
    %dma_wait3A_155 = arith.constant 0 : i32
    %dma_wait3A_156 = tpu.memref_slice %arg4[%dma_wait3A_154, %dma_wait3A_155] : memref<65536x256xf32, #tpu.memory_space<hbm>> -> memref<64x128xf32, #tpu.memory_space<hbm>>
    %dma_wait3A_157 = arith.constant 0 : i32
    %dma_wait3A_158 = arith.constant 0 : i32
    %dma_wait3A_159 = tpu.memref_slice %arg4[%dma_wait3A_157, %dma_wait3A_158] : memref<65536x256xf32, #tpu.memory_space<hbm>> -> memref<64x128xf32, #tpu.memory_space<hbm>>
    tpu.wait_dma2 semaphore(%arg29 : memref<!tpu.dma_semaphore, #tpu.memory_space<semaphore_mem>>) src(%dma_wait3A_159 : memref<64x128xf32, #tpu.memory_space<hbm>>) dst(%arg19 : memref<64x128xf32, #tpu.memory_space<vmem>>)
    %dma_wait3A_160 = arith.constant 0 : i32
    %dma_wait3A_161 = arith.constant 128 : i32
    %dma_wait3A_162 = tpu.memref_slice %arg4[%dma_wait3A_160, %dma_wait3A_161] : memref<65536x256xf32, #tpu.memory_space<hbm>> -> memref<64x128xf32, #tpu.memory_space<hbm>>
    %dma_wait3A_163 = arith.constant 0 : i32
    %dma_wait3A_164 = arith.constant 128 : i32
    %dma_wait3A_165 = tpu.memref_slice %arg4[%dma_wait3A_163, %dma_wait3A_164] : memref<65536x256xf32, #tpu.memory_space<hbm>> -> memref<64x128xf32, #tpu.memory_space<hbm>>
    tpu.wait_dma2 semaphore(%arg29 : memref<!tpu.dma_semaphore, #tpu.memory_space<semaphore_mem>>) src(%dma_wait3A_165 : memref<64x128xf32, #tpu.memory_space<hbm>>) dst(%arg20 : memref<64x128xf32, #tpu.memory_space<vmem>>)
    %dma_start3A_166 = arith.constant 0 : i32
    %dma_start3A_167 = arith.constant 0 : i32
    %dma_start3A_168 = tpu.memref_slice %arg22[%dma_start3A_166, %dma_start3A_167] : memref<1000x128xf32, #tpu.memory_space<vmem_shared>> -> memref<1000x128xf32, #tpu.memory_space<vmem_shared>>
    tpu.enqueue_indirect_dma source(%arg19 : memref<64x128xf32, #tpu.memory_space<vmem>>) target(%dma_start3A_168 : memref<1000x128xf32, #tpu.memory_space<vmem_shared>>) offsets(%arg12 : memref<64xi32, #tpu.memory_space<vmem>>) semaphore(%arg30 : memref<!tpu.dma_semaphore, #tpu.memory_space<semaphore_mem>>) {add = true}
    %dma_start3A_169 = arith.constant 0 : i32
    %dma_start3A_170 = arith.constant 0 : i32
    %dma_start3A_171 = tpu.memref_slice %arg23[%dma_start3A_169, %dma_start3A_170] : memref<1000x128xf32, #tpu.memory_space<vmem_shared>> -> memref<1000x128xf32, #tpu.memory_space<vmem_shared>>
    tpu.enqueue_indirect_dma source(%arg20 : memref<64x128xf32, #tpu.memory_space<vmem>>) target(%dma_start3A_171 : memref<1000x128xf32, #tpu.memory_space<vmem_shared>>) offsets(%arg12 : memref<64xi32, #tpu.memory_space<vmem>>) semaphore(%arg30 : memref<!tpu.dma_semaphore, #tpu.memory_space<semaphore_mem>>) {add = true}
    %dma_wait3A_172 = arith.constant 0 : i32
    %dma_wait3A_173 = arith.constant 0 : i32
    %dma_wait3A_174 = tpu.memref_slice %arg24[%dma_wait3A_172, %dma_wait3A_173] : memref<1000x128xf32, #tpu.memory_space<vmem_shared>> -> memref<1000x128xf32, #tpu.memory_space<vmem_shared>>
    tpu.wait_indirect_dma semaphore(%arg30 : memref<!tpu.dma_semaphore, #tpu.memory_space<semaphore_mem>>) src(%arg15 : memref<64x128xf32, #tpu.memory_space<vmem>>) dst(%dma_wait3A_174 : memref<1000x128xf32, #tpu.memory_space<vmem_shared>>)
    %dma_wait3A_175 = arith.constant 0 : i32
    %dma_wait3A_176 = arith.constant 0 : i32
    %dma_wait3A_177 = tpu.memref_slice %arg25[%dma_wait3A_175, %dma_wait3A_176] : memref<1000x128xf32, #tpu.memory_space<vmem_shared>> -> memref<1000x128xf32, #tpu.memory_space<vmem_shared>>
    tpu.wait_indirect_dma semaphore(%arg30 : memref<!tpu.dma_semaphore, #tpu.memory_space<semaphore_mem>>) src(%arg16 : memref<64x128xf32, #tpu.memory_space<vmem>>) dst(%dma_wait3A_177 : memref<1000x128xf32, #tpu.memory_space<vmem_shared>>)
    %add3A_178 = arith.constant 64 : i32
    %add3A_179 = arith.addi %mul3A_4, %add3A_178 : i32
    %dma_start3A_180 = arith.constant 0 : i32
    %dma_start3A_181 = tpu.memref_slice %arg6[%add3A_179, %dma_start3A_180] : memref<65536x256xf32, #tpu.memory_space<hbm>> -> memref<64x128xf32, #tpu.memory_space<hbm>>
    %dma_start3A_182 = arith.constant 0 : i32
    %dma_start3A_183 = tpu.memref_slice %arg6[%add3A_179, %dma_start3A_182] : memref<65536x256xf32, #tpu.memory_space<hbm>> -> memref<64x128xf32, #tpu.memory_space<hbm>>
    tpu.enqueue_dma source(%dma_start3A_183 : memref<64x128xf32, #tpu.memory_space<hbm>>) target(%arg15 : memref<64x128xf32, #tpu.memory_space<vmem>>) target_semaphore(%arg29 : memref<!tpu.dma_semaphore, #tpu.memory_space<semaphore_mem>>)
    %add3A_184 = arith.constant 64 : i32
    %add3A_185 = arith.addi %mul3A_4, %add3A_184 : i32
    %dma_start3A_186 = arith.constant 128 : i32
    %dma_start3A_187 = tpu.memref_slice %arg6[%add3A_185, %dma_start3A_186] : memref<65536x256xf32, #tpu.memory_space<hbm>> -> memref<64x128xf32, #tpu.memory_space<hbm>>
    %dma_start3A_188 = arith.constant 128 : i32
    %dma_start3A_189 = tpu.memref_slice %arg6[%add3A_185, %dma_start3A_188] : memref<65536x256xf32, #tpu.memory_space<hbm>> -> memref<64x128xf32, #tpu.memory_space<hbm>>
    tpu.enqueue_dma source(%dma_start3A_189 : memref<64x128xf32, #tpu.memory_space<hbm>>) target(%arg16 : memref<64x128xf32, #tpu.memory_space<vmem>>) target_semaphore(%arg29 : memref<!tpu.dma_semaphore, #tpu.memory_space<semaphore_mem>>)
    %dma_wait3A_190 = arith.constant 0 : i32
    %dma_wait3A_191 = arith.constant 0 : i32
    %dma_wait3A_192 = tpu.memref_slice %arg5[%dma_wait3A_190, %dma_wait3A_191] : memref<65536x256xf32, #tpu.memory_space<hbm>> -> memref<64x128xf32, #tpu.memory_space<hbm>>
    %dma_wait3A_193 = arith.constant 0 : i32
    %dma_wait3A_194 = arith.constant 0 : i32
    %dma_wait3A_195 = tpu.memref_slice %arg5[%dma_wait3A_193, %dma_wait3A_194] : memref<65536x256xf32, #tpu.memory_space<hbm>> -> memref<64x128xf32, #tpu.memory_space<hbm>>
    tpu.wait_dma2 semaphore(%arg29 : memref<!tpu.dma_semaphore, #tpu.memory_space<semaphore_mem>>) src(%dma_wait3A_195 : memref<64x128xf32, #tpu.memory_space<hbm>>) dst(%arg13 : memref<64x128xf32, #tpu.memory_space<vmem>>)
    %dma_wait3A_196 = arith.constant 0 : i32
    %dma_wait3A_197 = arith.constant 128 : i32
    %dma_wait3A_198 = tpu.memref_slice %arg5[%dma_wait3A_196, %dma_wait3A_197] : memref<65536x256xf32, #tpu.memory_space<hbm>> -> memref<64x128xf32, #tpu.memory_space<hbm>>
    %dma_wait3A_199 = arith.constant 0 : i32
    %dma_wait3A_200 = arith.constant 128 : i32
    %dma_wait3A_201 = tpu.memref_slice %arg5[%dma_wait3A_199, %dma_wait3A_200] : memref<65536x256xf32, #tpu.memory_space<hbm>> -> memref<64x128xf32, #tpu.memory_space<hbm>>
    tpu.wait_dma2 semaphore(%arg29 : memref<!tpu.dma_semaphore, #tpu.memory_space<semaphore_mem>>) src(%dma_wait3A_201 : memref<64x128xf32, #tpu.memory_space<hbm>>) dst(%arg14 : memref<64x128xf32, #tpu.memory_space<vmem>>)
    %dma_start3A_202 = arith.constant 0 : i32
    %dma_start3A_203 = arith.constant 0 : i32
    %dma_start3A_204 = tpu.memref_slice %arg24[%dma_start3A_202, %dma_start3A_203] : memref<1000x128xf32, #tpu.memory_space<vmem_shared>> -> memref<1000x128xf32, #tpu.memory_space<vmem_shared>>
    tpu.enqueue_indirect_dma source(%arg13 : memref<64x128xf32, #tpu.memory_space<vmem>>) target(%dma_start3A_204 : memref<1000x128xf32, #tpu.memory_space<vmem_shared>>) offsets(%arg12 : memref<64xi32, #tpu.memory_space<vmem>>) semaphore(%arg30 : memref<!tpu.dma_semaphore, #tpu.memory_space<semaphore_mem>>) {add = true}
    %dma_start3A_205 = arith.constant 0 : i32
    %dma_start3A_206 = arith.constant 0 : i32
    %dma_start3A_207 = tpu.memref_slice %arg25[%dma_start3A_205, %dma_start3A_206] : memref<1000x128xf32, #tpu.memory_space<vmem_shared>> -> memref<1000x128xf32, #tpu.memory_space<vmem_shared>>
    tpu.enqueue_indirect_dma source(%arg14 : memref<64x128xf32, #tpu.memory_space<vmem>>) target(%dma_start3A_207 : memref<1000x128xf32, #tpu.memory_space<vmem_shared>>) offsets(%arg12 : memref<64xi32, #tpu.memory_space<vmem>>) semaphore(%arg30 : memref<!tpu.dma_semaphore, #tpu.memory_space<semaphore_mem>>) {add = true}
    %dma_wait3A_208 = arith.constant 0 : i32
    %dma_wait3A_209 = arith.constant 0 : i32
    %dma_wait3A_210 = tpu.memref_slice %arg26[%dma_wait3A_208, %dma_wait3A_209] : memref<1000x128xf32, #tpu.memory_space<vmem_shared>> -> memref<1000x128xf32, #tpu.memory_space<vmem_shared>>
    tpu.wait_indirect_dma semaphore(%arg30 : memref<!tpu.dma_semaphore, #tpu.memory_space<semaphore_mem>>) src(%arg17 : memref<64x128xf32, #tpu.memory_space<vmem>>) dst(%dma_wait3A_210 : memref<1000x128xf32, #tpu.memory_space<vmem_shared>>)
    %dma_wait3A_211 = arith.constant 0 : i32
    %dma_wait3A_212 = arith.constant 0 : i32
    %dma_wait3A_213 = tpu.memref_slice %arg27[%dma_wait3A_211, %dma_wait3A_212] : memref<1000x128xf32, #tpu.memory_space<vmem_shared>> -> memref<1000x128xf32, #tpu.memory_space<vmem_shared>>
    tpu.wait_indirect_dma semaphore(%arg30 : memref<!tpu.dma_semaphore, #tpu.memory_space<semaphore_mem>>) src(%arg18 : memref<64x128xf32, #tpu.memory_space<vmem>>) dst(%dma_wait3A_213 : memref<1000x128xf32, #tpu.memory_space<vmem_shared>>)
    %dma_wait3A_214 = arith.constant 0 : i32
    %dma_wait3A_215 = arith.constant 0 : i32
    %dma_wait3A_216 = tpu.memref_slice %arg28[%dma_wait3A_214, %dma_wait3A_215] : memref<1000x128xf32, #tpu.memory_space<vmem_shared>> -> memref<1000x128xf32, #tpu.memory_space<vmem_shared>>
    tpu.wait_indirect_dma semaphore(%arg30 : memref<!tpu.dma_semaphore, #tpu.memory_space<semaphore_mem>>) src(%arg21 : memref<64x128xf32, #tpu.memory_space<vmem>>) dst(%dma_wait3A_216 : memref<1000x128xf32, #tpu.memory_space<vmem_shared>>)
    %add3A_217 = arith.constant 128 : i32
    %add3A_218 = arith.addi %mul3A_4, %add3A_217 : i32
    %dma_start3A_219 = tpu.memref_slice %arg3[%add3A_218] : memref<65536xi32, #tpu.memory_space<hbm>> -> memref<64xi32, #tpu.memory_space<hbm>>
    %dma_start3A_220 = tpu.memref_slice %arg3[%add3A_218] : memref<65536xi32, #tpu.memory_space<hbm>> -> memref<64xi32, #tpu.memory_space<hbm>>
    tpu.enqueue_dma source(%dma_start3A_220 : memref<64xi32, #tpu.memory_space<hbm>>) target(%arg11 : memref<64xi32, #tpu.memory_space<vmem>>) target_semaphore(%arg29 : memref<!tpu.dma_semaphore, #tpu.memory_space<semaphore_mem>>)
    %add3A_221 = arith.constant 128 : i32
    %add3A_222 = arith.addi %mul3A_4, %add3A_221 : i32
    %dma_start3A_223 = arith.constant 0 : i32
    %dma_start3A_224 = tpu.memref_slice %arg4[%add3A_222, %dma_start3A_223] : memref<65536x256xf32, #tpu.memory_space<hbm>> -> memref<64x128xf32, #tpu.memory_space<hbm>>
    %dma_start3A_225 = arith.constant 0 : i32
    %dma_start3A_226 = tpu.memref_slice %arg4[%add3A_222, %dma_start3A_225] : memref<65536x256xf32, #tpu.memory_space<hbm>> -> memref<64x128xf32, #tpu.memory_space<hbm>>
    tpu.enqueue_dma source(%dma_start3A_226 : memref<64x128xf32, #tpu.memory_space<hbm>>) target(%arg17 : memref<64x128xf32, #tpu.memory_space<vmem>>) target_semaphore(%arg29 : memref<!tpu.dma_semaphore, #tpu.memory_space<semaphore_mem>>)
    %add3A_227 = arith.constant 128 : i32
    %add3A_228 = arith.addi %mul3A_4, %add3A_227 : i32
    %dma_start3A_229 = arith.constant 128 : i32
    %dma_start3A_230 = tpu.memref_slice %arg4[%add3A_228, %dma_start3A_229] : memref<65536x256xf32, #tpu.memory_space<hbm>> -> memref<64x128xf32, #tpu.memory_space<hbm>>
    %dma_start3A_231 = arith.constant 128 : i32
    %dma_start3A_232 = tpu.memref_slice %arg4[%add3A_228, %dma_start3A_231] : memref<65536x256xf32, #tpu.memory_space<hbm>> -> memref<64x128xf32, #tpu.memory_space<hbm>>
    tpu.enqueue_dma source(%dma_start3A_232 : memref<64x128xf32, #tpu.memory_space<hbm>>) target(%arg18 : memref<64x128xf32, #tpu.memory_space<vmem>>) target_semaphore(%arg29 : memref<!tpu.dma_semaphore, #tpu.memory_space<semaphore_mem>>)
    %dma_wait3A_233 = arith.constant 0 : i32
    %dma_wait3A_234 = arith.constant 0 : i32
    %dma_wait3A_235 = tpu.memref_slice %arg6[%dma_wait3A_233, %dma_wait3A_234] : memref<65536x256xf32, #tpu.memory_space<hbm>> -> memref<64x128xf32, #tpu.memory_space<hbm>>
    %dma_wait3A_236 = arith.constant 0 : i32
    %dma_wait3A_237 = arith.constant 0 : i32
    %dma_wait3A_238 = tpu.memref_slice %arg6[%dma_wait3A_236, %dma_wait3A_237] : memref<65536x256xf32, #tpu.memory_space<hbm>> -> memref<64x128xf32, #tpu.memory_space<hbm>>
    tpu.wait_dma2 semaphore(%arg29 : memref<!tpu.dma_semaphore, #tpu.memory_space<semaphore_mem>>) src(%dma_wait3A_238 : memref<64x128xf32, #tpu.memory_space<hbm>>) dst(%arg15 : memref<64x128xf32, #tpu.memory_space<vmem>>)
    %dma_wait3A_239 = arith.constant 0 : i32
    %dma_wait3A_240 = arith.constant 128 : i32
    %dma_wait3A_241 = tpu.memref_slice %arg6[%dma_wait3A_239, %dma_wait3A_240] : memref<65536x256xf32, #tpu.memory_space<hbm>> -> memref<64x128xf32, #tpu.memory_space<hbm>>
    %dma_wait3A_242 = arith.constant 0 : i32
    %dma_wait3A_243 = arith.constant 128 : i32
    %dma_wait3A_244 = tpu.memref_slice %arg6[%dma_wait3A_242, %dma_wait3A_243] : memref<65536x256xf32, #tpu.memory_space<hbm>> -> memref<64x128xf32, #tpu.memory_space<hbm>>
    tpu.wait_dma2 semaphore(%arg29 : memref<!tpu.dma_semaphore, #tpu.memory_space<semaphore_mem>>) src(%dma_wait3A_244 : memref<64x128xf32, #tpu.memory_space<hbm>>) dst(%arg16 : memref<64x128xf32, #tpu.memory_space<vmem>>)
    %dma_start3A_245 = arith.constant 0 : i32
    %dma_start3A_246 = arith.constant 0 : i32
    %dma_start3A_247 = tpu.memref_slice %arg26[%dma_start3A_245, %dma_start3A_246] : memref<1000x128xf32, #tpu.memory_space<vmem_shared>> -> memref<1000x128xf32, #tpu.memory_space<vmem_shared>>
    tpu.enqueue_indirect_dma source(%arg15 : memref<64x128xf32, #tpu.memory_space<vmem>>) target(%dma_start3A_247 : memref<1000x128xf32, #tpu.memory_space<vmem_shared>>) offsets(%arg12 : memref<64xi32, #tpu.memory_space<vmem>>) semaphore(%arg30 : memref<!tpu.dma_semaphore, #tpu.memory_space<semaphore_mem>>) {add = true}
    %dma_start3A_248 = arith.constant 0 : i32
    %dma_start3A_249 = arith.constant 0 : i32
    %dma_start3A_250 = tpu.memref_slice %arg27[%dma_start3A_248, %dma_start3A_249] : memref<1000x128xf32, #tpu.memory_space<vmem_shared>> -> memref<1000x128xf32, #tpu.memory_space<vmem_shared>>
    tpu.enqueue_indirect_dma source(%arg16 : memref<64x128xf32, #tpu.memory_space<vmem>>) target(%dma_start3A_250 : memref<1000x128xf32, #tpu.memory_space<vmem_shared>>) offsets(%arg12 : memref<64xi32, #tpu.memory_space<vmem>>) semaphore(%arg30 : memref<!tpu.dma_semaphore, #tpu.memory_space<semaphore_mem>>) {add = true}
    %dma_start3A_251 = arith.constant 0 : i32
    %dma_start3A_252 = arith.constant 0 : i32
    %dma_start3A_253 = tpu.memref_slice %arg28[%dma_start3A_251, %dma_start3A_252] : memref<1000x128xf32, #tpu.memory_space<vmem_shared>> -> memref<1000x128xf32, #tpu.memory_space<vmem_shared>>
    tpu.enqueue_indirect_dma source(%arg21 : memref<64x128xf32, #tpu.memory_space<vmem>>) target(%dma_start3A_253 : memref<1000x128xf32, #tpu.memory_space<vmem_shared>>) offsets(%arg12 : memref<64xi32, #tpu.memory_space<vmem>>) semaphore(%arg30 : memref<!tpu.dma_semaphore, #tpu.memory_space<semaphore_mem>>) {add = true}
    %dma_wait3A_254 = arith.constant 0 : i32
    %dma_wait3A_255 = arith.constant 0 : i32
    %dma_wait3A_256 = tpu.memref_slice %arg22[%dma_wait3A_254, %dma_wait3A_255] : memref<1000x128xf32, #tpu.memory_space<vmem_shared>> -> memref<1000x128xf32, #tpu.memory_space<vmem_shared>>
    tpu.wait_indirect_dma semaphore(%arg30 : memref<!tpu.dma_semaphore, #tpu.memory_space<semaphore_mem>>) src(%arg19 : memref<64x128xf32, #tpu.memory_space<vmem>>) dst(%dma_wait3A_256 : memref<1000x128xf32, #tpu.memory_space<vmem_shared>>)
    %dma_wait3A_257 = arith.constant 0 : i32
    %dma_wait3A_258 = arith.constant 0 : i32
    %dma_wait3A_259 = tpu.memref_slice %arg23[%dma_wait3A_257, %dma_wait3A_258] : memref<1000x128xf32, #tpu.memory_space<vmem_shared>> -> memref<1000x128xf32, #tpu.memory_space<vmem_shared>>
    tpu.wait_indirect_dma semaphore(%arg30 : memref<!tpu.dma_semaphore, #tpu.memory_space<semaphore_mem>>) src(%arg20 : memref<64x128xf32, #tpu.memory_space<vmem>>) dst(%dma_wait3A_259 : memref<1000x128xf32, #tpu.memory_space<vmem_shared>>)
    %add3A_260 = arith.constant 128 : i32
    %add3A_261 = arith.addi %mul3A_4, %add3A_260 : i32
    %dma_start3A_262 = arith.constant 0 : i32
    %dma_start3A_263 = tpu.memref_slice %arg5[%add3A_261, %dma_start3A_262] : memref<65536x256xf32, #tpu.memory_space<hbm>> -> memref<64x128xf32, #tpu.memory_space<hbm>>
    %dma_start3A_264 = arith.constant 0 : i32
    %dma_start3A_265 = tpu.memref_slice %arg5[%add3A_261, %dma_start3A_264] : memref<65536x256xf32, #tpu.memory_space<hbm>> -> memref<64x128xf32, #tpu.memory_space<hbm>>
    tpu.enqueue_dma source(%dma_start3A_265 : memref<64x128xf32, #tpu.memory_space<hbm>>) target(%arg19 : memref<64x128xf32, #tpu.memory_space<vmem>>) target_semaphore(%arg29 : memref<!tpu.dma_semaphore, #tpu.memory_space<semaphore_mem>>)
    %add3A_266 = arith.constant 128 : i32
    %add3A_267 = arith.addi %mul3A_4, %add3A_266 : i32
    %dma_start3A_268 = arith.constant 128 : i32
    %dma_start3A_269 = tpu.memref_slice %arg5[%add3A_267, %dma_start3A_268] : memref<65536x256xf32, #tpu.memory_space<hbm>> -> memref<64x128xf32, #tpu.memory_space<hbm>>
    %dma_start3A_270 = arith.constant 128 : i32
    %dma_start3A_271 = tpu.memref_slice %arg5[%add3A_267, %dma_start3A_270] : memref<65536x256xf32, #tpu.memory_space<hbm>> -> memref<64x128xf32, #tpu.memory_space<hbm>>
    tpu.enqueue_dma source(%dma_start3A_271 : memref<64x128xf32, #tpu.memory_space<hbm>>) target(%arg20 : memref<64x128xf32, #tpu.memory_space<vmem>>) target_semaphore(%arg29 : memref<!tpu.dma_semaphore, #tpu.memory_space<semaphore_mem>>)
    %dma_wait3A_272 = arith.constant 0 : i32
    %dma_wait3A_273 = tpu.memref_slice %arg3[%dma_wait3A_272] : memref<65536xi32, #tpu.memory_space<hbm>> -> memref<64xi32, #tpu.memory_space<hbm>>
    %dma_wait3A_274 = arith.constant 0 : i32
    %dma_wait3A_275 = tpu.memref_slice %arg3[%dma_wait3A_274] : memref<65536xi32, #tpu.memory_space<hbm>> -> memref<64xi32, #tpu.memory_space<hbm>>
    tpu.wait_dma2 semaphore(%arg29 : memref<!tpu.dma_semaphore, #tpu.memory_space<semaphore_mem>>) src(%dma_wait3A_275 : memref<64xi32, #tpu.memory_space<hbm>>) dst(%arg11 : memref<64xi32, #tpu.memory_space<vmem>>)
    %dma_wait3A_276 = arith.constant 0 : i32
    %dma_wait3A_277 = arith.constant 0 : i32
    %dma_wait3A_278 = tpu.memref_slice %arg4[%dma_wait3A_276, %dma_wait3A_277] : memref<65536x256xf32, #tpu.memory_space<hbm>> -> memref<64x128xf32, #tpu.memory_space<hbm>>
    %dma_wait3A_279 = arith.constant 0 : i32
    %dma_wait3A_280 = arith.constant 0 : i32
    %dma_wait3A_281 = tpu.memref_slice %arg4[%dma_wait3A_279, %dma_wait3A_280] : memref<65536x256xf32, #tpu.memory_space<hbm>> -> memref<64x128xf32, #tpu.memory_space<hbm>>
    tpu.wait_dma2 semaphore(%arg29 : memref<!tpu.dma_semaphore, #tpu.memory_space<semaphore_mem>>) src(%dma_wait3A_281 : memref<64x128xf32, #tpu.memory_space<hbm>>) dst(%arg17 : memref<64x128xf32, #tpu.memory_space<vmem>>)
    %dma_wait3A_282 = arith.constant 0 : i32
    %dma_wait3A_283 = arith.constant 128 : i32
    %dma_wait3A_284 = tpu.memref_slice %arg4[%dma_wait3A_282, %dma_wait3A_283] : memref<65536x256xf32, #tpu.memory_space<hbm>> -> memref<64x128xf32, #tpu.memory_space<hbm>>
    %dma_wait3A_285 = arith.constant 0 : i32
    %dma_wait3A_286 = arith.constant 128 : i32
    %dma_wait3A_287 = tpu.memref_slice %arg4[%dma_wait3A_285, %dma_wait3A_286] : memref<65536x256xf32, #tpu.memory_space<hbm>> -> memref<64x128xf32, #tpu.memory_space<hbm>>
    tpu.wait_dma2 semaphore(%arg29 : memref<!tpu.dma_semaphore, #tpu.memory_space<semaphore_mem>>) src(%dma_wait3A_287 : memref<64x128xf32, #tpu.memory_space<hbm>>) dst(%arg18 : memref<64x128xf32, #tpu.memory_space<vmem>>)
    %dma_start3A_288 = arith.constant 0 : i32
    %dma_start3A_289 = arith.constant 0 : i32
    %dma_start3A_290 = tpu.memref_slice %arg22[%dma_start3A_288, %dma_start3A_289] : memref<1000x128xf32, #tpu.memory_space<vmem_shared>> -> memref<1000x128xf32, #tpu.memory_space<vmem_shared>>
    tpu.enqueue_indirect_dma source(%arg17 : memref<64x128xf32, #tpu.memory_space<vmem>>) target(%dma_start3A_290 : memref<1000x128xf32, #tpu.memory_space<vmem_shared>>) offsets(%arg11 : memref<64xi32, #tpu.memory_space<vmem>>) semaphore(%arg30 : memref<!tpu.dma_semaphore, #tpu.memory_space<semaphore_mem>>) {add = true}
    %dma_start3A_291 = arith.constant 0 : i32
    %dma_start3A_292 = arith.constant 0 : i32
    %dma_start3A_293 = tpu.memref_slice %arg23[%dma_start3A_291, %dma_start3A_292] : memref<1000x128xf32, #tpu.memory_space<vmem_shared>> -> memref<1000x128xf32, #tpu.memory_space<vmem_shared>>
    tpu.enqueue_indirect_dma source(%arg18 : memref<64x128xf32, #tpu.memory_space<vmem>>) target(%dma_start3A_293 : memref<1000x128xf32, #tpu.memory_space<vmem_shared>>) offsets(%arg11 : memref<64xi32, #tpu.memory_space<vmem>>) semaphore(%arg30 : memref<!tpu.dma_semaphore, #tpu.memory_space<semaphore_mem>>) {add = true}
    %dma_wait3A_294 = arith.constant 0 : i32
    %dma_wait3A_295 = arith.constant 0 : i32
    %dma_wait3A_296 = tpu.memref_slice %arg24[%dma_wait3A_294, %dma_wait3A_295] : memref<1000x128xf32, #tpu.memory_space<vmem_shared>> -> memref<1000x128xf32, #tpu.memory_space<vmem_shared>>
    tpu.wait_indirect_dma semaphore(%arg30 : memref<!tpu.dma_semaphore, #tpu.memory_space<semaphore_mem>>) src(%arg13 : memref<64x128xf32, #tpu.memory_space<vmem>>) dst(%dma_wait3A_296 : memref<1000x128xf32, #tpu.memory_space<vmem_shared>>)
    %dma_wait3A_297 = arith.constant 0 : i32
    %dma_wait3A_298 = arith.constant 0 : i32
    %dma_wait3A_299 = tpu.memref_slice %arg25[%dma_wait3A_297, %dma_wait3A_298] : memref<1000x128xf32, #tpu.memory_space<vmem_shared>> -> memref<1000x128xf32, #tpu.memory_space<vmem_shared>>
    tpu.wait_indirect_dma semaphore(%arg30 : memref<!tpu.dma_semaphore, #tpu.memory_space<semaphore_mem>>) src(%arg14 : memref<64x128xf32, #tpu.memory_space<vmem>>) dst(%dma_wait3A_299 : memref<1000x128xf32, #tpu.memory_space<vmem_shared>>)
    %add3A_300 = arith.constant 128 : i32
    %add3A_301 = arith.addi %mul3A_4, %add3A_300 : i32
    %dma_start3A_302 = arith.constant 0 : i32
    %dma_start3A_303 = tpu.memref_slice %arg6[%add3A_301, %dma_start3A_302] : memref<65536x256xf32, #tpu.memory_space<hbm>> -> memref<64x128xf32, #tpu.memory_space<hbm>>
    %dma_start3A_304 = arith.constant 0 : i32
    %dma_start3A_305 = tpu.memref_slice %arg6[%add3A_301, %dma_start3A_304] : memref<65536x256xf32, #tpu.memory_space<hbm>> -> memref<64x128xf32, #tpu.memory_space<hbm>>
    tpu.enqueue_dma source(%dma_start3A_305 : memref<64x128xf32, #tpu.memory_space<hbm>>) target(%arg13 : memref<64x128xf32, #tpu.memory_space<vmem>>) target_semaphore(%arg29 : memref<!tpu.dma_semaphore, #tpu.memory_space<semaphore_mem>>)
    %add3A_306 = arith.constant 128 : i32
    %add3A_307 = arith.addi %mul3A_4, %add3A_306 : i32
    %dma_start3A_308 = arith.constant 128 : i32
    %dma_start3A_309 = tpu.memref_slice %arg6[%add3A_307, %dma_start3A_308] : memref<65536x256xf32, #tpu.memory_space<hbm>> -> memref<64x128xf32, #tpu.memory_space<hbm>>
    %dma_start3A_310 = arith.constant 128 : i32
    %dma_start3A_311 = tpu.memref_slice %arg6[%add3A_307, %dma_start3A_310] : memref<65536x256xf32, #tpu.memory_space<hbm>> -> memref<64x128xf32, #tpu.memory_space<hbm>>
    tpu.enqueue_dma source(%dma_start3A_311 : memref<64x128xf32, #tpu.memory_space<hbm>>) target(%arg14 : memref<64x128xf32, #tpu.memory_space<vmem>>) target_semaphore(%arg29 : memref<!tpu.dma_semaphore, #tpu.memory_space<semaphore_mem>>)
    %dma_wait3A_312 = arith.constant 0 : i32
    %dma_wait3A_313 = arith.constant 0 : i32
    %dma_wait3A_314 = tpu.memref_slice %arg5[%dma_wait3A_312, %dma_wait3A_313] : memref<65536x256xf32, #tpu.memory_space<hbm>> -> memref<64x128xf32, #tpu.memory_space<hbm>>
    %dma_wait3A_315 = arith.constant 0 : i32
    %dma_wait3A_316 = arith.constant 0 : i32
    %dma_wait3A_317 = tpu.memref_slice %arg5[%dma_wait3A_315, %dma_wait3A_316] : memref<65536x256xf32, #tpu.memory_space<hbm>> -> memref<64x128xf32, #tpu.memory_space<hbm>>
    tpu.wait_dma2 semaphore(%arg29 : memref<!tpu.dma_semaphore, #tpu.memory_space<semaphore_mem>>) src(%dma_wait3A_317 : memref<64x128xf32, #tpu.memory_space<hbm>>) dst(%arg19 : memref<64x128xf32, #tpu.memory_space<vmem>>)
    %dma_wait3A_318 = arith.constant 0 : i32
    %dma_wait3A_319 = arith.constant 128 : i32
    %dma_wait3A_320 = tpu.memref_slice %arg5[%dma_wait3A_318, %dma_wait3A_319] : memref<65536x256xf32, #tpu.memory_space<hbm>> -> memref<64x128xf32, #tpu.memory_space<hbm>>
    %dma_wait3A_321 = arith.constant 0 : i32
    %dma_wait3A_322 = arith.constant 128 : i32
    %dma_wait3A_323 = tpu.memref_slice %arg5[%dma_wait3A_321, %dma_wait3A_322] : memref<65536x256xf32, #tpu.memory_space<hbm>> -> memref<64x128xf32, #tpu.memory_space<hbm>>
    tpu.wait_dma2 semaphore(%arg29 : memref<!tpu.dma_semaphore, #tpu.memory_space<semaphore_mem>>) src(%dma_wait3A_323 : memref<64x128xf32, #tpu.memory_space<hbm>>) dst(%arg20 : memref<64x128xf32, #tpu.memory_space<vmem>>)
    %dma_start3A_324 = arith.constant 0 : i32
    %dma_start3A_325 = arith.constant 0 : i32
    %dma_start3A_326 = tpu.memref_slice %arg24[%dma_start3A_324, %dma_start3A_325] : memref<1000x128xf32, #tpu.memory_space<vmem_shared>> -> memref<1000x128xf32, #tpu.memory_space<vmem_shared>>
    tpu.enqueue_indirect_dma source(%arg19 : memref<64x128xf32, #tpu.memory_space<vmem>>) target(%dma_start3A_326 : memref<1000x128xf32, #tpu.memory_space<vmem_shared>>) offsets(%arg11 : memref<64xi32, #tpu.memory_space<vmem>>) semaphore(%arg30 : memref<!tpu.dma_semaphore, #tpu.memory_space<semaphore_mem>>) {add = true}
    %dma_start3A_327 = arith.constant 0 : i32
    %dma_start3A_328 = arith.constant 0 : i32
    %dma_start3A_329 = tpu.memref_slice %arg25[%dma_start3A_327, %dma_start3A_328] : memref<1000x128xf32, #tpu.memory_space<vmem_shared>> -> memref<1000x128xf32, #tpu.memory_space<vmem_shared>>
    tpu.enqueue_indirect_dma source(%arg20 : memref<64x128xf32, #tpu.memory_space<vmem>>) target(%dma_start3A_329 : memref<1000x128xf32, #tpu.memory_space<vmem_shared>>) offsets(%arg11 : memref<64xi32, #tpu.memory_space<vmem>>) semaphore(%arg30 : memref<!tpu.dma_semaphore, #tpu.memory_space<semaphore_mem>>) {add = true}
    %dma_wait3A_330 = arith.constant 0 : i32
    %dma_wait3A_331 = arith.constant 0 : i32
    %dma_wait3A_332 = tpu.memref_slice %arg26[%dma_wait3A_330, %dma_wait3A_331] : memref<1000x128xf32, #tpu.memory_space<vmem_shared>> -> memref<1000x128xf32, #tpu.memory_space<vmem_shared>>
    tpu.wait_indirect_dma semaphore(%arg30 : memref<!tpu.dma_semaphore, #tpu.memory_space<semaphore_mem>>) src(%arg15 : memref<64x128xf32, #tpu.memory_space<vmem>>) dst(%dma_wait3A_332 : memref<1000x128xf32, #tpu.memory_space<vmem_shared>>)
    %dma_wait3A_333 = arith.constant 0 : i32
    %dma_wait3A_334 = arith.constant 0 : i32
    %dma_wait3A_335 = tpu.memref_slice %arg27[%dma_wait3A_333, %dma_wait3A_334] : memref<1000x128xf32, #tpu.memory_space<vmem_shared>> -> memref<1000x128xf32, #tpu.memory_space<vmem_shared>>
    tpu.wait_indirect_dma semaphore(%arg30 : memref<!tpu.dma_semaphore, #tpu.memory_space<semaphore_mem>>) src(%arg16 : memref<64x128xf32, #tpu.memory_space<vmem>>) dst(%dma_wait3A_335 : memref<1000x128xf32, #tpu.memory_space<vmem_shared>>)
    %dma_wait3A_336 = arith.constant 0 : i32
    %dma_wait3A_337 = arith.constant 0 : i32
    %dma_wait3A_338 = tpu.memref_slice %arg28[%dma_wait3A_336, %dma_wait3A_337] : memref<1000x128xf32, #tpu.memory_space<vmem_shared>> -> memref<1000x128xf32, #tpu.memory_space<vmem_shared>>
    tpu.wait_indirect_dma semaphore(%arg30 : memref<!tpu.dma_semaphore, #tpu.memory_space<semaphore_mem>>) src(%arg21 : memref<64x128xf32, #tpu.memory_space<vmem>>) dst(%dma_wait3A_338 : memref<1000x128xf32, #tpu.memory_space<vmem_shared>>)
    %add3A_339 = arith.constant 192 : i32
    %add3A_340 = arith.addi %mul3A_4, %add3A_339 : i32
    %dma_start3A_341 = tpu.memref_slice %arg3[%add3A_340] : memref<65536xi32, #tpu.memory_space<hbm>> -> memref<64xi32, #tpu.memory_space<hbm>>
    %dma_start3A_342 = tpu.memref_slice %arg3[%add3A_340] : memref<65536xi32, #tpu.memory_space<hbm>> -> memref<64xi32, #tpu.memory_space<hbm>>
    tpu.enqueue_dma source(%dma_start3A_342 : memref<64xi32, #tpu.memory_space<hbm>>) target(%arg12 : memref<64xi32, #tpu.memory_space<vmem>>) target_semaphore(%arg29 : memref<!tpu.dma_semaphore, #tpu.memory_space<semaphore_mem>>)
    %add3A_343 = arith.constant 192 : i32
    %add3A_344 = arith.addi %mul3A_4, %add3A_343 : i32
    %dma_start3A_345 = arith.constant 0 : i32
    %dma_start3A_346 = tpu.memref_slice %arg4[%add3A_344, %dma_start3A_345] : memref<65536x256xf32, #tpu.memory_space<hbm>> -> memref<64x128xf32, #tpu.memory_space<hbm>>
    %dma_start3A_347 = arith.constant 0 : i32
    %dma_start3A_348 = tpu.memref_slice %arg4[%add3A_344, %dma_start3A_347] : memref<65536x256xf32, #tpu.memory_space<hbm>> -> memref<64x128xf32, #tpu.memory_space<hbm>>
    tpu.enqueue_dma source(%dma_start3A_348 : memref<64x128xf32, #tpu.memory_space<hbm>>) target(%arg15 : memref<64x128xf32, #tpu.memory_space<vmem>>) target_semaphore(%arg29 : memref<!tpu.dma_semaphore, #tpu.memory_space<semaphore_mem>>)
    %add3A_349 = arith.constant 192 : i32
    %add3A_350 = arith.addi %mul3A_4, %add3A_349 : i32
    %dma_start3A_351 = arith.constant 128 : i32
    %dma_start3A_352 = tpu.memref_slice %arg4[%add3A_350, %dma_start3A_351] : memref<65536x256xf32, #tpu.memory_space<hbm>> -> memref<64x128xf32, #tpu.memory_space<hbm>>
    %dma_start3A_353 = arith.constant 128 : i32
    %dma_start3A_354 = tpu.memref_slice %arg4[%add3A_350, %dma_start3A_353] : memref<65536x256xf32, #tpu.memory_space<hbm>> -> memref<64x128xf32, #tpu.memory_space<hbm>>
    tpu.enqueue_dma source(%dma_start3A_354 : memref<64x128xf32, #tpu.memory_space<hbm>>) target(%arg16 : memref<64x128xf32, #tpu.memory_space<vmem>>) target_semaphore(%arg29 : memref<!tpu.dma_semaphore, #tpu.memory_space<semaphore_mem>>)
    %dma_wait3A_355 = arith.constant 0 : i32
    %dma_wait3A_356 = arith.constant 0 : i32
    %dma_wait3A_357 = tpu.memref_slice %arg6[%dma_wait3A_355, %dma_wait3A_356] : memref<65536x256xf32, #tpu.memory_space<hbm>> -> memref<64x128xf32, #tpu.memory_space<hbm>>
    %dma_wait3A_358 = arith.constant 0 : i32
    %dma_wait3A_359 = arith.constant 0 : i32
    %dma_wait3A_360 = tpu.memref_slice %arg6[%dma_wait3A_358, %dma_wait3A_359] : memref<65536x256xf32, #tpu.memory_space<hbm>> -> memref<64x128xf32, #tpu.memory_space<hbm>>
    tpu.wait_dma2 semaphore(%arg29 : memref<!tpu.dma_semaphore, #tpu.memory_space<semaphore_mem>>) src(%dma_wait3A_360 : memref<64x128xf32, #tpu.memory_space<hbm>>) dst(%arg13 : memref<64x128xf32, #tpu.memory_space<vmem>>)
    %dma_wait3A_361 = arith.constant 0 : i32
    %dma_wait3A_362 = arith.constant 128 : i32
    %dma_wait3A_363 = tpu.memref_slice %arg6[%dma_wait3A_361, %dma_wait3A_362] : memref<65536x256xf32, #tpu.memory_space<hbm>> -> memref<64x128xf32, #tpu.memory_space<hbm>>
    %dma_wait3A_364 = arith.constant 0 : i32
    %dma_wait3A_365 = arith.constant 128 : i32
    %dma_wait3A_366 = tpu.memref_slice %arg6[%dma_wait3A_364, %dma_wait3A_365] : memref<65536x256xf32, #tpu.memory_space<hbm>> -> memref<64x128xf32, #tpu.memory_space<hbm>>
    tpu.wait_dma2 semaphore(%arg29 : memref<!tpu.dma_semaphore, #tpu.memory_space<semaphore_mem>>) src(%dma_wait3A_366 : memref<64x128xf32, #tpu.memory_space<hbm>>) dst(%arg14 : memref<64x128xf32, #tpu.memory_space<vmem>>)
    %dma_start3A_367 = arith.constant 0 : i32
    %dma_start3A_368 = arith.constant 0 : i32
    %dma_start3A_369 = tpu.memref_slice %arg26[%dma_start3A_367, %dma_start3A_368] : memref<1000x128xf32, #tpu.memory_space<vmem_shared>> -> memref<1000x128xf32, #tpu.memory_space<vmem_shared>>
    tpu.enqueue_indirect_dma source(%arg13 : memref<64x128xf32, #tpu.memory_space<vmem>>) target(%dma_start3A_369 : memref<1000x128xf32, #tpu.memory_space<vmem_shared>>) offsets(%arg11 : memref<64xi32, #tpu.memory_space<vmem>>) semaphore(%arg30 : memref<!tpu.dma_semaphore, #tpu.memory_space<semaphore_mem>>) {add = true}
    %dma_start3A_370 = arith.constant 0 : i32
    %dma_start3A_371 = arith.constant 0 : i32
    %dma_start3A_372 = tpu.memref_slice %arg27[%dma_start3A_370, %dma_start3A_371] : memref<1000x128xf32, #tpu.memory_space<vmem_shared>> -> memref<1000x128xf32, #tpu.memory_space<vmem_shared>>
    tpu.enqueue_indirect_dma source(%arg14 : memref<64x128xf32, #tpu.memory_space<vmem>>) target(%dma_start3A_372 : memref<1000x128xf32, #tpu.memory_space<vmem_shared>>) offsets(%arg11 : memref<64xi32, #tpu.memory_space<vmem>>) semaphore(%arg30 : memref<!tpu.dma_semaphore, #tpu.memory_space<semaphore_mem>>) {add = true}
    %dma_start3A_373 = arith.constant 0 : i32
    %dma_start3A_374 = arith.constant 0 : i32
    %dma_start3A_375 = tpu.memref_slice %arg28[%dma_start3A_373, %dma_start3A_374] : memref<1000x128xf32, #tpu.memory_space<vmem_shared>> -> memref<1000x128xf32, #tpu.memory_space<vmem_shared>>
    tpu.enqueue_indirect_dma source(%arg21 : memref<64x128xf32, #tpu.memory_space<vmem>>) target(%dma_start3A_375 : memref<1000x128xf32, #tpu.memory_space<vmem_shared>>) offsets(%arg11 : memref<64xi32, #tpu.memory_space<vmem>>) semaphore(%arg30 : memref<!tpu.dma_semaphore, #tpu.memory_space<semaphore_mem>>) {add = true}
    %dma_wait3A_376 = arith.constant 0 : i32
    %dma_wait3A_377 = arith.constant 0 : i32
    %dma_wait3A_378 = tpu.memref_slice %arg22[%dma_wait3A_376, %dma_wait3A_377] : memref<1000x128xf32, #tpu.memory_space<vmem_shared>> -> memref<1000x128xf32, #tpu.memory_space<vmem_shared>>
    tpu.wait_indirect_dma semaphore(%arg30 : memref<!tpu.dma_semaphore, #tpu.memory_space<semaphore_mem>>) src(%arg17 : memref<64x128xf32, #tpu.memory_space<vmem>>) dst(%dma_wait3A_378 : memref<1000x128xf32, #tpu.memory_space<vmem_shared>>)
    %dma_wait3A_379 = arith.constant 0 : i32
    %dma_wait3A_380 = arith.constant 0 : i32
    %dma_wait3A_381 = tpu.memref_slice %arg23[%dma_wait3A_379, %dma_wait3A_380] : memref<1000x128xf32, #tpu.memory_space<vmem_shared>> -> memref<1000x128xf32, #tpu.memory_space<vmem_shared>>
    tpu.wait_indirect_dma semaphore(%arg30 : memref<!tpu.dma_semaphore, #tpu.memory_space<semaphore_mem>>) src(%arg18 : memref<64x128xf32, #tpu.memory_space<vmem>>) dst(%dma_wait3A_381 : memref<1000x128xf32, #tpu.memory_space<vmem_shared>>)
    %add3A_382 = arith.constant 192 : i32
    %add3A_383 = arith.addi %mul3A_4, %add3A_382 : i32
    %dma_start3A_384 = arith.constant 0 : i32
    %dma_start3A_385 = tpu.memref_slice %arg5[%add3A_383, %dma_start3A_384] : memref<65536x256xf32, #tpu.memory_space<hbm>> -> memref<64x128xf32, #tpu.memory_space<hbm>>
    %dma_start3A_386 = arith.constant 0 : i32
    %dma_start3A_387 = tpu.memref_slice %arg5[%add3A_383, %dma_start3A_386] : memref<65536x256xf32, #tpu.memory_space<hbm>> -> memref<64x128xf32, #tpu.memory_space<hbm>>
    tpu.enqueue_dma source(%dma_start3A_387 : memref<64x128xf32, #tpu.memory_space<hbm>>) target(%arg17 : memref<64x128xf32, #tpu.memory_space<vmem>>) target_semaphore(%arg29 : memref<!tpu.dma_semaphore, #tpu.memory_space<semaphore_mem>>)
    %add3A_388 = arith.constant 192 : i32
    %add3A_389 = arith.addi %mul3A_4, %add3A_388 : i32
    %dma_start3A_390 = arith.constant 128 : i32
    %dma_start3A_391 = tpu.memref_slice %arg5[%add3A_389, %dma_start3A_390] : memref<65536x256xf32, #tpu.memory_space<hbm>> -> memref<64x128xf32, #tpu.memory_space<hbm>>
    %dma_start3A_392 = arith.constant 128 : i32
    %dma_start3A_393 = tpu.memref_slice %arg5[%add3A_389, %dma_start3A_392] : memref<65536x256xf32, #tpu.memory_space<hbm>> -> memref<64x128xf32, #tpu.memory_space<hbm>>
    tpu.enqueue_dma source(%dma_start3A_393 : memref<64x128xf32, #tpu.memory_space<hbm>>) target(%arg18 : memref<64x128xf32, #tpu.memory_space<vmem>>) target_semaphore(%arg29 : memref<!tpu.dma_semaphore, #tpu.memory_space<semaphore_mem>>)
    %dma_wait3A_394 = arith.constant 0 : i32
    %dma_wait3A_395 = tpu.memref_slice %arg3[%dma_wait3A_394] : memref<65536xi32, #tpu.memory_space<hbm>> -> memref<64xi32, #tpu.memory_space<hbm>>
    %dma_wait3A_396 = arith.constant 0 : i32
    %dma_wait3A_397 = tpu.memref_slice %arg3[%dma_wait3A_396] : memref<65536xi32, #tpu.memory_space<hbm>> -> memref<64xi32, #tpu.memory_space<hbm>>
    tpu.wait_dma2 semaphore(%arg29 : memref<!tpu.dma_semaphore, #tpu.memory_space<semaphore_mem>>) src(%dma_wait3A_397 : memref<64xi32, #tpu.memory_space<hbm>>) dst(%arg12 : memref<64xi32, #tpu.memory_space<vmem>>)
    %dma_wait3A_398 = arith.constant 0 : i32
    %dma_wait3A_399 = arith.constant 0 : i32
    %dma_wait3A_400 = tpu.memref_slice %arg4[%dma_wait3A_398, %dma_wait3A_399] : memref<65536x256xf32, #tpu.memory_space<hbm>> -> memref<64x128xf32, #tpu.memory_space<hbm>>
    %dma_wait3A_401 = arith.constant 0 : i32
    %dma_wait3A_402 = arith.constant 0 : i32
    %dma_wait3A_403 = tpu.memref_slice %arg4[%dma_wait3A_401, %dma_wait3A_402] : memref<65536x256xf32, #tpu.memory_space<hbm>> -> memref<64x128xf32, #tpu.memory_space<hbm>>
    tpu.wait_dma2 semaphore(%arg29 : memref<!tpu.dma_semaphore, #tpu.memory_space<semaphore_mem>>) src(%dma_wait3A_403 : memref<64x128xf32, #tpu.memory_space<hbm>>) dst(%arg15 : memref<64x128xf32, #tpu.memory_space<vmem>>)
    %dma_wait3A_404 = arith.constant 0 : i32
    %dma_wait3A_405 = arith.constant 128 : i32
    %dma_wait3A_406 = tpu.memref_slice %arg4[%dma_wait3A_404, %dma_wait3A_405] : memref<65536x256xf32, #tpu.memory_space<hbm>> -> memref<64x128xf32, #tpu.memory_space<hbm>>
    %dma_wait3A_407 = arith.constant 0 : i32
    %dma_wait3A_408 = arith.constant 128 : i32
    %dma_wait3A_409 = tpu.memref_slice %arg4[%dma_wait3A_407, %dma_wait3A_408] : memref<65536x256xf32, #tpu.memory_space<hbm>> -> memref<64x128xf32, #tpu.memory_space<hbm>>
    tpu.wait_dma2 semaphore(%arg29 : memref<!tpu.dma_semaphore, #tpu.memory_space<semaphore_mem>>) src(%dma_wait3A_409 : memref<64x128xf32, #tpu.memory_space<hbm>>) dst(%arg16 : memref<64x128xf32, #tpu.memory_space<vmem>>)
    %dma_start3A_410 = arith.constant 0 : i32
    %dma_start3A_411 = arith.constant 0 : i32
    %dma_start3A_412 = tpu.memref_slice %arg22[%dma_start3A_410, %dma_start3A_411] : memref<1000x128xf32, #tpu.memory_space<vmem_shared>> -> memref<1000x128xf32, #tpu.memory_space<vmem_shared>>
    tpu.enqueue_indirect_dma source(%arg15 : memref<64x128xf32, #tpu.memory_space<vmem>>) target(%dma_start3A_412 : memref<1000x128xf32, #tpu.memory_space<vmem_shared>>) offsets(%arg12 : memref<64xi32, #tpu.memory_space<vmem>>) semaphore(%arg30 : memref<!tpu.dma_semaphore, #tpu.memory_space<semaphore_mem>>) {add = true}
    %dma_start3A_413 = arith.constant 0 : i32
    %dma_start3A_414 = arith.constant 0 : i32
    %dma_start3A_415 = tpu.memref_slice %arg23[%dma_start3A_413, %dma_start3A_414] : memref<1000x128xf32, #tpu.memory_space<vmem_shared>> -> memref<1000x128xf32, #tpu.memory_space<vmem_shared>>
    tpu.enqueue_indirect_dma source(%arg16 : memref<64x128xf32, #tpu.memory_space<vmem>>) target(%dma_start3A_415 : memref<1000x128xf32, #tpu.memory_space<vmem_shared>>) offsets(%arg12 : memref<64xi32, #tpu.memory_space<vmem>>) semaphore(%arg30 : memref<!tpu.dma_semaphore, #tpu.memory_space<semaphore_mem>>) {add = true}
    %dma_wait3A_416 = arith.constant 0 : i32
    %dma_wait3A_417 = arith.constant 0 : i32
    %dma_wait3A_418 = tpu.memref_slice %arg24[%dma_wait3A_416, %dma_wait3A_417] : memref<1000x128xf32, #tpu.memory_space<vmem_shared>> -> memref<1000x128xf32, #tpu.memory_space<vmem_shared>>
    tpu.wait_indirect_dma semaphore(%arg30 : memref<!tpu.dma_semaphore, #tpu.memory_space<semaphore_mem>>) src(%arg19 : memref<64x128xf32, #tpu.memory_space<vmem>>) dst(%dma_wait3A_418 : memref<1000x128xf32, #tpu.memory_space<vmem_shared>>)
    %dma_wait3A_419 = arith.constant 0 : i32
    %dma_wait3A_420 = arith.constant 0 : i32
    %dma_wait3A_421 = tpu.memref_slice %arg25[%dma_wait3A_419, %dma_wait3A_420] : memref<1000x128xf32, #tpu.memory_space<vmem_shared>> -> memref<1000x128xf32, #tpu.memory_space<vmem_shared>>
    tpu.wait_indirect_dma semaphore(%arg30 : memref<!tpu.dma_semaphore, #tpu.memory_space<semaphore_mem>>) src(%arg20 : memref<64x128xf32, #tpu.memory_space<vmem>>) dst(%dma_wait3A_421 : memref<1000x128xf32, #tpu.memory_space<vmem_shared>>)
    %add3A_422 = arith.constant 192 : i32
    %add3A_423 = arith.addi %mul3A_4, %add3A_422 : i32
    %dma_start3A_424 = arith.constant 0 : i32
    %dma_start3A_425 = tpu.memref_slice %arg6[%add3A_423, %dma_start3A_424] : memref<65536x256xf32, #tpu.memory_space<hbm>> -> memref<64x128xf32, #tpu.memory_space<hbm>>
    %dma_start3A_426 = arith.constant 0 : i32
    %dma_start3A_427 = tpu.memref_slice %arg6[%add3A_423, %dma_start3A_426] : memref<65536x256xf32, #tpu.memory_space<hbm>> -> memref<64x128xf32, #tpu.memory_space<hbm>>
    tpu.enqueue_dma source(%dma_start3A_427 : memref<64x128xf32, #tpu.memory_space<hbm>>) target(%arg19 : memref<64x128xf32, #tpu.memory_space<vmem>>) target_semaphore(%arg29 : memref<!tpu.dma_semaphore, #tpu.memory_space<semaphore_mem>>)
    %add3A_428 = arith.constant 192 : i32
    %add3A_429 = arith.addi %mul3A_4, %add3A_428 : i32
    %dma_start3A_430 = arith.constant 128 : i32
    %dma_start3A_431 = tpu.memref_slice %arg6[%add3A_429, %dma_start3A_430] : memref<65536x256xf32, #tpu.memory_space<hbm>> -> memref<64x128xf32, #tpu.memory_space<hbm>>
    %dma_start3A_432 = arith.constant 128 : i32
    %dma_start3A_433 = tpu.memref_slice %arg6[%add3A_429, %dma_start3A_432] : memref<65536x256xf32, #tpu.memory_space<hbm>> -> memref<64x128xf32, #tpu.memory_space<hbm>>
    tpu.enqueue_dma source(%dma_start3A_433 : memref<64x128xf32, #tpu.memory_space<hbm>>) target(%arg20 : memref<64x128xf32, #tpu.memory_space<vmem>>) target_semaphore(%arg29 : memref<!tpu.dma_semaphore, #tpu.memory_space<semaphore_mem>>)
    %dma_wait3A_434 = arith.constant 0 : i32
    %dma_wait3A_435 = arith.constant 0 : i32
    %dma_wait3A_436 = tpu.memref_slice %arg5[%dma_wait3A_434, %dma_wait3A_435] : memref<65536x256xf32, #tpu.memory_space<hbm>> -> memref<64x128xf32, #tpu.memory_space<hbm>>
    %dma_wait3A_437 = arith.constant 0 : i32
    %dma_wait3A_438 = arith.constant 0 : i32
    %dma_wait3A_439 = tpu.memref_slice %arg5[%dma_wait3A_437, %dma_wait3A_438] : memref<65536x256xf32, #tpu.memory_space<hbm>> -> memref<64x128xf32, #tpu.memory_space<hbm>>
    tpu.wait_dma2 semaphore(%arg29 : memref<!tpu.dma_semaphore, #tpu.memory_space<semaphore_mem>>) src(%dma_wait3A_439 : memref<64x128xf32, #tpu.memory_space<hbm>>) dst(%arg17 : memref<64x128xf32, #tpu.memory_space<vmem>>)
    %dma_wait3A_440 = arith.constant 0 : i32
    %dma_wait3A_441 = arith.constant 128 : i32
    %dma_wait3A_442 = tpu.memref_slice %arg5[%dma_wait3A_440, %dma_wait3A_441] : memref<65536x256xf32, #tpu.memory_space<hbm>> -> memref<64x128xf32, #tpu.memory_space<hbm>>
    %dma_wait3A_443 = arith.constant 0 : i32
    %dma_wait3A_444 = arith.constant 128 : i32
    %dma_wait3A_445 = tpu.memref_slice %arg5[%dma_wait3A_443, %dma_wait3A_444] : memref<65536x256xf32, #tpu.memory_space<hbm>> -> memref<64x128xf32, #tpu.memory_space<hbm>>
    tpu.wait_dma2 semaphore(%arg29 : memref<!tpu.dma_semaphore, #tpu.memory_space<semaphore_mem>>) src(%dma_wait3A_445 : memref<64x128xf32, #tpu.memory_space<hbm>>) dst(%arg18 : memref<64x128xf32, #tpu.memory_space<vmem>>)
    %dma_start3A_446 = arith.constant 0 : i32
    %dma_start3A_447 = arith.constant 0 : i32
    %dma_start3A_448 = tpu.memref_slice %arg24[%dma_start3A_446, %dma_start3A_447] : memref<1000x128xf32, #tpu.memory_space<vmem_shared>> -> memref<1000x128xf32, #tpu.memory_space<vmem_shared>>
    tpu.enqueue_indirect_dma source(%arg17 : memref<64x128xf32, #tpu.memory_space<vmem>>) target(%dma_start3A_448 : memref<1000x128xf32, #tpu.memory_space<vmem_shared>>) offsets(%arg12 : memref<64xi32, #tpu.memory_space<vmem>>) semaphore(%arg30 : memref<!tpu.dma_semaphore, #tpu.memory_space<semaphore_mem>>) {add = true}
    %dma_start3A_449 = arith.constant 0 : i32
    %dma_start3A_450 = arith.constant 0 : i32
    %dma_start3A_451 = tpu.memref_slice %arg25[%dma_start3A_449, %dma_start3A_450] : memref<1000x128xf32, #tpu.memory_space<vmem_shared>> -> memref<1000x128xf32, #tpu.memory_space<vmem_shared>>
    tpu.enqueue_indirect_dma source(%arg18 : memref<64x128xf32, #tpu.memory_space<vmem>>) target(%dma_start3A_451 : memref<1000x128xf32, #tpu.memory_space<vmem_shared>>) offsets(%arg12 : memref<64xi32, #tpu.memory_space<vmem>>) semaphore(%arg30 : memref<!tpu.dma_semaphore, #tpu.memory_space<semaphore_mem>>) {add = true}
    %dma_wait3A_452 = arith.constant 0 : i32
    %dma_wait3A_453 = arith.constant 0 : i32
    %dma_wait3A_454 = tpu.memref_slice %arg26[%dma_wait3A_452, %dma_wait3A_453] : memref<1000x128xf32, #tpu.memory_space<vmem_shared>> -> memref<1000x128xf32, #tpu.memory_space<vmem_shared>>
    tpu.wait_indirect_dma semaphore(%arg30 : memref<!tpu.dma_semaphore, #tpu.memory_space<semaphore_mem>>) src(%arg13 : memref<64x128xf32, #tpu.memory_space<vmem>>) dst(%dma_wait3A_454 : memref<1000x128xf32, #tpu.memory_space<vmem_shared>>)
    %dma_wait3A_455 = arith.constant 0 : i32
    %dma_wait3A_456 = arith.constant 0 : i32
    %dma_wait3A_457 = tpu.memref_slice %arg27[%dma_wait3A_455, %dma_wait3A_456] : memref<1000x128xf32, #tpu.memory_space<vmem_shared>> -> memref<1000x128xf32, #tpu.memory_space<vmem_shared>>
    tpu.wait_indirect_dma semaphore(%arg30 : memref<!tpu.dma_semaphore, #tpu.memory_space<semaphore_mem>>) src(%arg14 : memref<64x128xf32, #tpu.memory_space<vmem>>) dst(%dma_wait3A_457 : memref<1000x128xf32, #tpu.memory_space<vmem_shared>>)
    %dma_wait3A_458 = arith.constant 0 : i32
    %dma_wait3A_459 = arith.constant 0 : i32
    %dma_wait3A_460 = tpu.memref_slice %arg28[%dma_wait3A_458, %dma_wait3A_459] : memref<1000x128xf32, #tpu.memory_space<vmem_shared>> -> memref<1000x128xf32, #tpu.memory_space<vmem_shared>>
    tpu.wait_indirect_dma semaphore(%arg30 : memref<!tpu.dma_semaphore, #tpu.memory_space<semaphore_mem>>) src(%arg21 : memref<64x128xf32, #tpu.memory_space<vmem>>) dst(%dma_wait3A_460 : memref<1000x128xf32, #tpu.memory_space<vmem_shared>>)
    %add3A_461 = arith.constant 256 : i32
    %add3A_462 = arith.addi %mul3A_4, %add3A_461 : i32
    %dma_start3A_463 = tpu.memref_slice %arg3[%add3A_462] : memref<65536xi32, #tpu.memory_space<hbm>> -> memref<64xi32, #tpu.memory_space<hbm>>
    %dma_start3A_464 = tpu.memref_slice %arg3[%add3A_462] : memref<65536xi32, #tpu.memory_space<hbm>> -> memref<64xi32, #tpu.memory_space<hbm>>
    tpu.enqueue_dma source(%dma_start3A_464 : memref<64xi32, #tpu.memory_space<hbm>>) target(%arg11 : memref<64xi32, #tpu.memory_space<vmem>>) target_semaphore(%arg29 : memref<!tpu.dma_semaphore, #tpu.memory_space<semaphore_mem>>)
    %add3A_465 = arith.constant 256 : i32
    %add3A_466 = arith.addi %mul3A_4, %add3A_465 : i32
    %dma_start3A_467 = arith.constant 0 : i32
    %dma_start3A_468 = tpu.memref_slice %arg4[%add3A_466, %dma_start3A_467] : memref<65536x256xf32, #tpu.memory_space<hbm>> -> memref<64x128xf32, #tpu.memory_space<hbm>>
    %dma_start3A_469 = arith.constant 0 : i32
    %dma_start3A_470 = tpu.memref_slice %arg4[%add3A_466, %dma_start3A_469] : memref<65536x256xf32, #tpu.memory_space<hbm>> -> memref<64x128xf32, #tpu.memory_space<hbm>>
    tpu.enqueue_dma source(%dma_start3A_470 : memref<64x128xf32, #tpu.memory_space<hbm>>) target(%arg13 : memref<64x128xf32, #tpu.memory_space<vmem>>) target_semaphore(%arg29 : memref<!tpu.dma_semaphore, #tpu.memory_space<semaphore_mem>>)
    %add3A_471 = arith.constant 256 : i32
    %add3A_472 = arith.addi %mul3A_4, %add3A_471 : i32
    %dma_start3A_473 = arith.constant 128 : i32
    %dma_start3A_474 = tpu.memref_slice %arg4[%add3A_472, %dma_start3A_473] : memref<65536x256xf32, #tpu.memory_space<hbm>> -> memref<64x128xf32, #tpu.memory_space<hbm>>
    %dma_start3A_475 = arith.constant 128 : i32
    %dma_start3A_476 = tpu.memref_slice %arg4[%add3A_472, %dma_start3A_475] : memref<65536x256xf32, #tpu.memory_space<hbm>> -> memref<64x128xf32, #tpu.memory_space<hbm>>
    tpu.enqueue_dma source(%dma_start3A_476 : memref<64x128xf32, #tpu.memory_space<hbm>>) target(%arg14 : memref<64x128xf32, #tpu.memory_space<vmem>>) target_semaphore(%arg29 : memref<!tpu.dma_semaphore, #tpu.memory_space<semaphore_mem>>)
    %dma_wait3A_477 = arith.constant 0 : i32
    %dma_wait3A_478 = arith.constant 0 : i32
    %dma_wait3A_479 = tpu.memref_slice %arg6[%dma_wait3A_477, %dma_wait3A_478] : memref<65536x256xf32, #tpu.memory_space<hbm>> -> memref<64x128xf32, #tpu.memory_space<hbm>>
    %dma_wait3A_480 = arith.constant 0 : i32
    %dma_wait3A_481 = arith.constant 0 : i32
    %dma_wait3A_482 = tpu.memref_slice %arg6[%dma_wait3A_480, %dma_wait3A_481] : memref<65536x256xf32, #tpu.memory_space<hbm>> -> memref<64x128xf32, #tpu.memory_space<hbm>>
    tpu.wait_dma2 semaphore(%arg29 : memref<!tpu.dma_semaphore, #tpu.memory_space<semaphore_mem>>) src(%dma_wait3A_482 : memref<64x128xf32, #tpu.memory_space<hbm>>) dst(%arg19 : memref<64x128xf32, #tpu.memory_space<vmem>>)
    %dma_wait3A_483 = arith.constant 0 : i32
    %dma_wait3A_484 = arith.constant 128 : i32
    %dma_wait3A_485 = tpu.memref_slice %arg6[%dma_wait3A_483, %dma_wait3A_484] : memref<65536x256xf32, #tpu.memory_space<hbm>> -> memref<64x128xf32, #tpu.memory_space<hbm>>
    %dma_wait3A_486 = arith.constant 0 : i32
    %dma_wait3A_487 = arith.constant 128 : i32
    %dma_wait3A_488 = tpu.memref_slice %arg6[%dma_wait3A_486, %dma_wait3A_487] : memref<65536x256xf32, #tpu.memory_space<hbm>> -> memref<64x128xf32, #tpu.memory_space<hbm>>
    tpu.wait_dma2 semaphore(%arg29 : memref<!tpu.dma_semaphore, #tpu.memory_space<semaphore_mem>>) src(%dma_wait3A_488 : memref<64x128xf32, #tpu.memory_space<hbm>>) dst(%arg20 : memref<64x128xf32, #tpu.memory_space<vmem>>)
    %dma_start3A_489 = arith.constant 0 : i32
    %dma_start3A_490 = arith.constant 0 : i32
    %dma_start3A_491 = tpu.memref_slice %arg26[%dma_start3A_489, %dma_start3A_490] : memref<1000x128xf32, #tpu.memory_space<vmem_shared>> -> memref<1000x128xf32, #tpu.memory_space<vmem_shared>>
    tpu.enqueue_indirect_dma source(%arg19 : memref<64x128xf32, #tpu.memory_space<vmem>>) target(%dma_start3A_491 : memref<1000x128xf32, #tpu.memory_space<vmem_shared>>) offsets(%arg12 : memref<64xi32, #tpu.memory_space<vmem>>) semaphore(%arg30 : memref<!tpu.dma_semaphore, #tpu.memory_space<semaphore_mem>>) {add = true}
    %dma_start3A_492 = arith.constant 0 : i32
    %dma_start3A_493 = arith.constant 0 : i32
    %dma_start3A_494 = tpu.memref_slice %arg27[%dma_start3A_492, %dma_start3A_493] : memref<1000x128xf32, #tpu.memory_space<vmem_shared>> -> memref<1000x128xf32, #tpu.memory_space<vmem_shared>>
    tpu.enqueue_indirect_dma source(%arg20 : memref<64x128xf32, #tpu.memory_space<vmem>>) target(%dma_start3A_494 : memref<1000x128xf32, #tpu.memory_space<vmem_shared>>) offsets(%arg12 : memref<64xi32, #tpu.memory_space<vmem>>) semaphore(%arg30 : memref<!tpu.dma_semaphore, #tpu.memory_space<semaphore_mem>>) {add = true}
    %dma_start3A_495 = arith.constant 0 : i32
    %dma_start3A_496 = arith.constant 0 : i32
    %dma_start3A_497 = tpu.memref_slice %arg28[%dma_start3A_495, %dma_start3A_496] : memref<1000x128xf32, #tpu.memory_space<vmem_shared>> -> memref<1000x128xf32, #tpu.memory_space<vmem_shared>>
    tpu.enqueue_indirect_dma source(%arg21 : memref<64x128xf32, #tpu.memory_space<vmem>>) target(%dma_start3A_497 : memref<1000x128xf32, #tpu.memory_space<vmem_shared>>) offsets(%arg12 : memref<64xi32, #tpu.memory_space<vmem>>) semaphore(%arg30 : memref<!tpu.dma_semaphore, #tpu.memory_space<semaphore_mem>>) {add = true}
    %dma_wait3A_498 = arith.constant 0 : i32
    %dma_wait3A_499 = arith.constant 0 : i32
    %dma_wait3A_500 = tpu.memref_slice %arg22[%dma_wait3A_498, %dma_wait3A_499] : memref<1000x128xf32, #tpu.memory_space<vmem_shared>> -> memref<1000x128xf32, #tpu.memory_space<vmem_shared>>
    tpu.wait_indirect_dma semaphore(%arg30 : memref<!tpu.dma_semaphore, #tpu.memory_space<semaphore_mem>>) src(%arg15 : memref<64x128xf32, #tpu.memory_space<vmem>>) dst(%dma_wait3A_500 : memref<1000x128xf32, #tpu.memory_space<vmem_shared>>)
    %dma_wait3A_501 = arith.constant 0 : i32
    %dma_wait3A_502 = arith.constant 0 : i32
    %dma_wait3A_503 = tpu.memref_slice %arg23[%dma_wait3A_501, %dma_wait3A_502] : memref<1000x128xf32, #tpu.memory_space<vmem_shared>> -> memref<1000x128xf32, #tpu.memory_space<vmem_shared>>
    tpu.wait_indirect_dma semaphore(%arg30 : memref<!tpu.dma_semaphore, #tpu.memory_space<semaphore_mem>>) src(%arg16 : memref<64x128xf32, #tpu.memory_space<vmem>>) dst(%dma_wait3A_503 : memref<1000x128xf32, #tpu.memory_space<vmem_shared>>)
    %add3A_504 = arith.constant 256 : i32
    %add3A_505 = arith.addi %mul3A_4, %add3A_504 : i32
    %dma_start3A_506 = arith.constant 0 : i32
    %dma_start3A_507 = tpu.memref_slice %arg5[%add3A_505, %dma_start3A_506] : memref<65536x256xf32, #tpu.memory_space<hbm>> -> memref<64x128xf32, #tpu.memory_space<hbm>>
    %dma_start3A_508 = arith.constant 0 : i32
    %dma_start3A_509 = tpu.memref_slice %arg5[%add3A_505, %dma_start3A_508] : memref<65536x256xf32, #tpu.memory_space<hbm>> -> memref<64x128xf32, #tpu.memory_space<hbm>>
    tpu.enqueue_dma source(%dma_start3A_509 : memref<64x128xf32, #tpu.memory_space<hbm>>) target(%arg15 : memref<64x128xf32, #tpu.memory_space<vmem>>) target_semaphore(%arg29 : memref<!tpu.dma_semaphore, #tpu.memory_space<semaphore_mem>>)
    %add3A_510 = arith.constant 256 : i32
    %add3A_511 = arith.addi %mul3A_4, %add3A_510 : i32
    %dma_start3A_512 = arith.constant 128 : i32
    %dma_start3A_513 = tpu.memref_slice %arg5[%add3A_511, %dma_start3A_512] : memref<65536x256xf32, #tpu.memory_space<hbm>> -> memref<64x128xf32, #tpu.memory_space<hbm>>
    %dma_start3A_514 = arith.constant 128 : i32
    %dma_start3A_515 = tpu.memref_slice %arg5[%add3A_511, %dma_start3A_514] : memref<65536x256xf32, #tpu.memory_space<hbm>> -> memref<64x128xf32, #tpu.memory_space<hbm>>
    tpu.enqueue_dma source(%dma_start3A_515 : memref<64x128xf32, #tpu.memory_space<hbm>>) target(%arg16 : memref<64x128xf32, #tpu.memory_space<vmem>>) target_semaphore(%arg29 : memref<!tpu.dma_semaphore, #tpu.memory_space<semaphore_mem>>)
    %scan3A_516 = arith.constant 0 : i32
    %scan3A_517 = arith.constant 7 : i32
    %scan3A_518 = arith.addi %scan3A_516, %scan3A_517 : i32
    %scan3A_519 = arith.constant 1 : i32
    scf.for %scan3A_547 = %scan3A_516 to %scan3A_518 step %scan3A_519  : i32 {
      %mul3A_548 = arith.constant 4 : i32
      %mul3A_549 = arith.muli %scan3A_547, %mul3A_548 : i32
      %add3A_550 = arith.constant 4 : i32
      %add3A_551 = arith.addi %add3A_550, %mul3A_549 : i32
      %dma_wait3A_552 = arith.constant 0 : i32
      %dma_wait3A_553 = tpu.memref_slice %arg3[%dma_wait3A_552] : memref<65536xi32, #tpu.memory_space<hbm>> -> memref<64xi32, #tpu.memory_space<hbm>>
      %dma_wait3A_554 = arith.constant 0 : i32
      %dma_wait3A_555 = tpu.memref_slice %arg3[%dma_wait3A_554] : memref<65536xi32, #tpu.memory_space<hbm>> -> memref<64xi32, #tpu.memory_space<hbm>>
      tpu.wait_dma2 semaphore(%arg29 : memref<!tpu.dma_semaphore, #tpu.memory_space<semaphore_mem>>) src(%dma_wait3A_555 : memref<64xi32, #tpu.memory_space<hbm>>) dst(%arg11 : memref<64xi32, #tpu.memory_space<vmem>>)
      %dma_wait3A_556 = arith.constant 0 : i32
      %dma_wait3A_557 = arith.constant 0 : i32
      %dma_wait3A_558 = tpu.memref_slice %arg4[%dma_wait3A_556, %dma_wait3A_557] : memref<65536x256xf32, #tpu.memory_space<hbm>> -> memref<64x128xf32, #tpu.memory_space<hbm>>
      %dma_wait3A_559 = arith.constant 0 : i32
      %dma_wait3A_560 = arith.constant 0 : i32
      %dma_wait3A_561 = tpu.memref_slice %arg4[%dma_wait3A_559, %dma_wait3A_560] : memref<65536x256xf32, #tpu.memory_space<hbm>> -> memref<64x128xf32, #tpu.memory_space<hbm>>
      tpu.wait_dma2 semaphore(%arg29 : memref<!tpu.dma_semaphore, #tpu.memory_space<semaphore_mem>>) src(%dma_wait3A_561 : memref<64x128xf32, #tpu.memory_space<hbm>>) dst(%arg13 : memref<64x128xf32, #tpu.memory_space<vmem>>)
      %dma_wait3A_562 = arith.constant 0 : i32
      %dma_wait3A_563 = arith.constant 128 : i32
      %dma_wait3A_564 = tpu.memref_slice %arg4[%dma_wait3A_562, %dma_wait3A_563] : memref<65536x256xf32, #tpu.memory_space<hbm>> -> memref<64x128xf32, #tpu.memory_space<hbm>>
      %dma_wait3A_565 = arith.constant 0 : i32
      %dma_wait3A_566 = arith.constant 128 : i32
      %dma_wait3A_567 = tpu.memref_slice %arg4[%dma_wait3A_565, %dma_wait3A_566] : memref<65536x256xf32, #tpu.memory_space<hbm>> -> memref<64x128xf32, #tpu.memory_space<hbm>>
      tpu.wait_dma2 semaphore(%arg29 : memref<!tpu.dma_semaphore, #tpu.memory_space<semaphore_mem>>) src(%dma_wait3A_567 : memref<64x128xf32, #tpu.memory_space<hbm>>) dst(%arg14 : memref<64x128xf32, #tpu.memory_space<vmem>>)
      %dma_start3A_568 = arith.constant 0 : i32
      %dma_start3A_569 = arith.constant 0 : i32
      %dma_start3A_570 = tpu.memref_slice %arg22[%dma_start3A_568, %dma_start3A_569] : memref<1000x128xf32, #tpu.memory_space<vmem_shared>> -> memref<1000x128xf32, #tpu.memory_space<vmem_shared>>
      tpu.enqueue_indirect_dma source(%arg13 : memref<64x128xf32, #tpu.memory_space<vmem>>) target(%dma_start3A_570 : memref<1000x128xf32, #tpu.memory_space<vmem_shared>>) offsets(%arg11 : memref<64xi32, #tpu.memory_space<vmem>>) semaphore(%arg30 : memref<!tpu.dma_semaphore, #tpu.memory_space<semaphore_mem>>) {add = true}
      %dma_start3A_571 = arith.constant 0 : i32
      %dma_start3A_572 = arith.constant 0 : i32
      %dma_start3A_573 = tpu.memref_slice %arg23[%dma_start3A_571, %dma_start3A_572] : memref<1000x128xf32, #tpu.memory_space<vmem_shared>> -> memref<1000x128xf32, #tpu.memory_space<vmem_shared>>
      tpu.enqueue_indirect_dma source(%arg14 : memref<64x128xf32, #tpu.memory_space<vmem>>) target(%dma_start3A_573 : memref<1000x128xf32, #tpu.memory_space<vmem_shared>>) offsets(%arg11 : memref<64xi32, #tpu.memory_space<vmem>>) semaphore(%arg30 : memref<!tpu.dma_semaphore, #tpu.memory_space<semaphore_mem>>) {add = true}
      %dma_wait3A_574 = arith.constant 0 : i32
      %dma_wait3A_575 = arith.constant 0 : i32
      %dma_wait3A_576 = tpu.memref_slice %arg24[%dma_wait3A_574, %dma_wait3A_575] : memref<1000x128xf32, #tpu.memory_space<vmem_shared>> -> memref<1000x128xf32, #tpu.memory_space<vmem_shared>>
      tpu.wait_indirect_dma semaphore(%arg30 : memref<!tpu.dma_semaphore, #tpu.memory_space<semaphore_mem>>) src(%arg17 : memref<64x128xf32, #tpu.memory_space<vmem>>) dst(%dma_wait3A_576 : memref<1000x128xf32, #tpu.memory_space<vmem_shared>>)
      %dma_wait3A_577 = arith.constant 0 : i32
      %dma_wait3A_578 = arith.constant 0 : i32
      %dma_wait3A_579 = tpu.memref_slice %arg25[%dma_wait3A_577, %dma_wait3A_578] : memref<1000x128xf32, #tpu.memory_space<vmem_shared>> -> memref<1000x128xf32, #tpu.memory_space<vmem_shared>>
      tpu.wait_indirect_dma semaphore(%arg30 : memref<!tpu.dma_semaphore, #tpu.memory_space<semaphore_mem>>) src(%arg18 : memref<64x128xf32, #tpu.memory_space<vmem>>) dst(%dma_wait3A_579 : memref<1000x128xf32, #tpu.memory_space<vmem_shared>>)
      %add3A_580 = arith.constant 0 : i32
      %add3A_581 = arith.addi %add3A_551, %add3A_580 : i32
      %mul3A_582 = arith.constant 64 : i32
      %mul3A_583 = arith.muli %add3A_581, %mul3A_582 : i32
      %add3A_584 = arith.addi %mul3A_4, %mul3A_583 : i32
      %dma_start3A_585 = arith.constant 0 : i32
      %dma_start3A_586 = tpu.memref_slice %arg6[%add3A_584, %dma_start3A_585] : memref<65536x256xf32, #tpu.memory_space<hbm>> -> memref<64x128xf32, #tpu.memory_space<hbm>>
      %dma_start3A_587 = arith.constant 0 : i32
      %dma_start3A_588 = tpu.memref_slice %arg6[%add3A_584, %dma_start3A_587] : memref<65536x256xf32, #tpu.memory_space<hbm>> -> memref<64x128xf32, #tpu.memory_space<hbm>>
      tpu.enqueue_dma source(%dma_start3A_588 : memref<64x128xf32, #tpu.memory_space<hbm>>) target(%arg17 : memref<64x128xf32, #tpu.memory_space<vmem>>) target_semaphore(%arg29 : memref<!tpu.dma_semaphore, #tpu.memory_space<semaphore_mem>>)
      %mul3A_589 = arith.constant 64 : i32
      %mul3A_590 = arith.muli %add3A_581, %mul3A_589 : i32
      %add3A_591 = arith.addi %mul3A_4, %mul3A_590 : i32
      %dma_start3A_592 = arith.constant 128 : i32
      %dma_start3A_593 = tpu.memref_slice %arg6[%add3A_591, %dma_start3A_592] : memref<65536x256xf32, #tpu.memory_space<hbm>> -> memref<64x128xf32, #tpu.memory_space<hbm>>
      %dma_start3A_594 = arith.constant 128 : i32
      %dma_start3A_595 = tpu.memref_slice %arg6[%add3A_591, %dma_start3A_594] : memref<65536x256xf32, #tpu.memory_space<hbm>> -> memref<64x128xf32, #tpu.memory_space<hbm>>
      tpu.enqueue_dma source(%dma_start3A_595 : memref<64x128xf32, #tpu.memory_space<hbm>>) target(%arg18 : memref<64x128xf32, #tpu.memory_space<vmem>>) target_semaphore(%arg29 : memref<!tpu.dma_semaphore, #tpu.memory_space<semaphore_mem>>)
      %dma_wait3A_596 = arith.constant 0 : i32
      %dma_wait3A_597 = arith.constant 0 : i32
      %dma_wait3A_598 = tpu.memref_slice %arg5[%dma_wait3A_596, %dma_wait3A_597] : memref<65536x256xf32, #tpu.memory_space<hbm>> -> memref<64x128xf32, #tpu.memory_space<hbm>>
      %dma_wait3A_599 = arith.constant 0 : i32
      %dma_wait3A_600 = arith.constant 0 : i32
      %dma_wait3A_601 = tpu.memref_slice %arg5[%dma_wait3A_599, %dma_wait3A_600] : memref<65536x256xf32, #tpu.memory_space<hbm>> -> memref<64x128xf32, #tpu.memory_space<hbm>>
      tpu.wait_dma2 semaphore(%arg29 : memref<!tpu.dma_semaphore, #tpu.memory_space<semaphore_mem>>) src(%dma_wait3A_601 : memref<64x128xf32, #tpu.memory_space<hbm>>) dst(%arg15 : memref<64x128xf32, #tpu.memory_space<vmem>>)
      %dma_wait3A_602 = arith.constant 0 : i32
      %dma_wait3A_603 = arith.constant 128 : i32
      %dma_wait3A_604 = tpu.memref_slice %arg5[%dma_wait3A_602, %dma_wait3A_603] : memref<65536x256xf32, #tpu.memory_space<hbm>> -> memref<64x128xf32, #tpu.memory_space<hbm>>
      %dma_wait3A_605 = arith.constant 0 : i32
      %dma_wait3A_606 = arith.constant 128 : i32
      %dma_wait3A_607 = tpu.memref_slice %arg5[%dma_wait3A_605, %dma_wait3A_606] : memref<65536x256xf32, #tpu.memory_space<hbm>> -> memref<64x128xf32, #tpu.memory_space<hbm>>
      tpu.wait_dma2 semaphore(%arg29 : memref<!tpu.dma_semaphore, #tpu.memory_space<semaphore_mem>>) src(%dma_wait3A_607 : memref<64x128xf32, #tpu.memory_space<hbm>>) dst(%arg16 : memref<64x128xf32, #tpu.memory_space<vmem>>)
      %dma_start3A_608 = arith.constant 0 : i32
      %dma_start3A_609 = arith.constant 0 : i32
      %dma_start3A_610 = tpu.memref_slice %arg24[%dma_start3A_608, %dma_start3A_609] : memref<1000x128xf32, #tpu.memory_space<vmem_shared>> -> memref<1000x128xf32, #tpu.memory_space<vmem_shared>>
      tpu.enqueue_indirect_dma source(%arg15 : memref<64x128xf32, #tpu.memory_space<vmem>>) target(%dma_start3A_610 : memref<1000x128xf32, #tpu.memory_space<vmem_shared>>) offsets(%arg11 : memref<64xi32, #tpu.memory_space<vmem>>) semaphore(%arg30 : memref<!tpu.dma_semaphore, #tpu.memory_space<semaphore_mem>>) {add = true}
      %dma_start3A_611 = arith.constant 0 : i32
      %dma_start3A_612 = arith.constant 0 : i32
      %dma_start3A_613 = tpu.memref_slice %arg25[%dma_start3A_611, %dma_start3A_612] : memref<1000x128xf32, #tpu.memory_space<vmem_shared>> -> memref<1000x128xf32, #tpu.memory_space<vmem_shared>>
      tpu.enqueue_indirect_dma source(%arg16 : memref<64x128xf32, #tpu.memory_space<vmem>>) target(%dma_start3A_613 : memref<1000x128xf32, #tpu.memory_space<vmem_shared>>) offsets(%arg11 : memref<64xi32, #tpu.memory_space<vmem>>) semaphore(%arg30 : memref<!tpu.dma_semaphore, #tpu.memory_space<semaphore_mem>>) {add = true}
      %dma_wait3A_614 = arith.constant 0 : i32
      %dma_wait3A_615 = arith.constant 0 : i32
      %dma_wait3A_616 = tpu.memref_slice %arg26[%dma_wait3A_614, %dma_wait3A_615] : memref<1000x128xf32, #tpu.memory_space<vmem_shared>> -> memref<1000x128xf32, #tpu.memory_space<vmem_shared>>
      tpu.wait_indirect_dma semaphore(%arg30 : memref<!tpu.dma_semaphore, #tpu.memory_space<semaphore_mem>>) src(%arg19 : memref<64x128xf32, #tpu.memory_space<vmem>>) dst(%dma_wait3A_616 : memref<1000x128xf32, #tpu.memory_space<vmem_shared>>)
      %dma_wait3A_617 = arith.constant 0 : i32
      %dma_wait3A_618 = arith.constant 0 : i32
      %dma_wait3A_619 = tpu.memref_slice %arg27[%dma_wait3A_617, %dma_wait3A_618] : memref<1000x128xf32, #tpu.memory_space<vmem_shared>> -> memref<1000x128xf32, #tpu.memory_space<vmem_shared>>
      tpu.wait_indirect_dma semaphore(%arg30 : memref<!tpu.dma_semaphore, #tpu.memory_space<semaphore_mem>>) src(%arg20 : memref<64x128xf32, #tpu.memory_space<vmem>>) dst(%dma_wait3A_619 : memref<1000x128xf32, #tpu.memory_space<vmem_shared>>)
      %dma_wait3A_620 = arith.constant 0 : i32
      %dma_wait3A_621 = arith.constant 0 : i32
      %dma_wait3A_622 = tpu.memref_slice %arg28[%dma_wait3A_620, %dma_wait3A_621] : memref<1000x128xf32, #tpu.memory_space<vmem_shared>> -> memref<1000x128xf32, #tpu.memory_space<vmem_shared>>
      tpu.wait_indirect_dma semaphore(%arg30 : memref<!tpu.dma_semaphore, #tpu.memory_space<semaphore_mem>>) src(%arg21 : memref<64x128xf32, #tpu.memory_space<vmem>>) dst(%dma_wait3A_622 : memref<1000x128xf32, #tpu.memory_space<vmem_shared>>)
      %add3A_623 = arith.constant 1 : i32
      %add3A_624 = arith.addi %add3A_551, %add3A_623 : i32
      %mul3A_625 = arith.constant 64 : i32
      %mul3A_626 = arith.muli %add3A_624, %mul3A_625 : i32
      %add3A_627 = arith.addi %mul3A_4, %mul3A_626 : i32
      %dma_start3A_628 = tpu.memref_slice %arg3[%add3A_627] : memref<65536xi32, #tpu.memory_space<hbm>> -> memref<64xi32, #tpu.memory_space<hbm>>
      %dma_start3A_629 = tpu.memref_slice %arg3[%add3A_627] : memref<65536xi32, #tpu.memory_space<hbm>> -> memref<64xi32, #tpu.memory_space<hbm>>
      tpu.enqueue_dma source(%dma_start3A_629 : memref<64xi32, #tpu.memory_space<hbm>>) target(%arg12 : memref<64xi32, #tpu.memory_space<vmem>>) target_semaphore(%arg29 : memref<!tpu.dma_semaphore, #tpu.memory_space<semaphore_mem>>)
      %mul3A_630 = arith.constant 64 : i32
      %mul3A_631 = arith.muli %add3A_624, %mul3A_630 : i32
      %add3A_632 = arith.addi %mul3A_4, %mul3A_631 : i32
      %dma_start3A_633 = arith.constant 0 : i32
      %dma_start3A_634 = tpu.memref_slice %arg4[%add3A_632, %dma_start3A_633] : memref<65536x256xf32, #tpu.memory_space<hbm>> -> memref<64x128xf32, #tpu.memory_space<hbm>>
      %dma_start3A_635 = arith.constant 0 : i32
      %dma_start3A_636 = tpu.memref_slice %arg4[%add3A_632, %dma_start3A_635] : memref<65536x256xf32, #tpu.memory_space<hbm>> -> memref<64x128xf32, #tpu.memory_space<hbm>>
      tpu.enqueue_dma source(%dma_start3A_636 : memref<64x128xf32, #tpu.memory_space<hbm>>) target(%arg19 : memref<64x128xf32, #tpu.memory_space<vmem>>) target_semaphore(%arg29 : memref<!tpu.dma_semaphore, #tpu.memory_space<semaphore_mem>>)
      %mul3A_637 = arith.constant 64 : i32
      %mul3A_638 = arith.muli %add3A_624, %mul3A_637 : i32
      %add3A_639 = arith.addi %mul3A_4, %mul3A_638 : i32
      %dma_start3A_640 = arith.constant 128 : i32
      %dma_start3A_641 = tpu.memref_slice %arg4[%add3A_639, %dma_start3A_640] : memref<65536x256xf32, #tpu.memory_space<hbm>> -> memref<64x128xf32, #tpu.memory_space<hbm>>
      %dma_start3A_642 = arith.constant 128 : i32
      %dma_start3A_643 = tpu.memref_slice %arg4[%add3A_639, %dma_start3A_642] : memref<65536x256xf32, #tpu.memory_space<hbm>> -> memref<64x128xf32, #tpu.memory_space<hbm>>
      tpu.enqueue_dma source(%dma_start3A_643 : memref<64x128xf32, #tpu.memory_space<hbm>>) target(%arg20 : memref<64x128xf32, #tpu.memory_space<vmem>>) target_semaphore(%arg29 : memref<!tpu.dma_semaphore, #tpu.memory_space<semaphore_mem>>)
      %dma_wait3A_644 = arith.constant 0 : i32
      %dma_wait3A_645 = arith.constant 0 : i32
      %dma_wait3A_646 = tpu.memref_slice %arg6[%dma_wait3A_644, %dma_wait3A_645] : memref<65536x256xf32, #tpu.memory_space<hbm>> -> memref<64x128xf32, #tpu.memory_space<hbm>>
      %dma_wait3A_647 = arith.constant 0 : i32
      %dma_wait3A_648 = arith.constant 0 : i32
      %dma_wait3A_649 = tpu.memref_slice %arg6[%dma_wait3A_647, %dma_wait3A_648] : memref<65536x256xf32, #tpu.memory_space<hbm>> -> memref<64x128xf32, #tpu.memory_space<hbm>>
      tpu.wait_dma2 semaphore(%arg29 : memref<!tpu.dma_semaphore, #tpu.memory_space<semaphore_mem>>) src(%dma_wait3A_649 : memref<64x128xf32, #tpu.memory_space<hbm>>) dst(%arg17 : memref<64x128xf32, #tpu.memory_space<vmem>>)
      %dma_wait3A_650 = arith.constant 0 : i32
      %dma_wait3A_651 = arith.constant 128 : i32
      %dma_wait3A_652 = tpu.memref_slice %arg6[%dma_wait3A_650, %dma_wait3A_651] : memref<65536x256xf32, #tpu.memory_space<hbm>> -> memref<64x128xf32, #tpu.memory_space<hbm>>
      %dma_wait3A_653 = arith.constant 0 : i32
      %dma_wait3A_654 = arith.constant 128 : i32
      %dma_wait3A_655 = tpu.memref_slice %arg6[%dma_wait3A_653, %dma_wait3A_654] : memref<65536x256xf32, #tpu.memory_space<hbm>> -> memref<64x128xf32, #tpu.memory_space<hbm>>
      tpu.wait_dma2 semaphore(%arg29 : memref<!tpu.dma_semaphore, #tpu.memory_space<semaphore_mem>>) src(%dma_wait3A_655 : memref<64x128xf32, #tpu.memory_space<hbm>>) dst(%arg18 : memref<64x128xf32, #tpu.memory_space<vmem>>)
      %dma_start3A_656 = arith.constant 0 : i32
      %dma_start3A_657 = arith.constant 0 : i32
      %dma_start3A_658 = tpu.memref_slice %arg26[%dma_start3A_656, %dma_start3A_657] : memref<1000x128xf32, #tpu.memory_space<vmem_shared>> -> memref<1000x128xf32, #tpu.memory_space<vmem_shared>>
      tpu.enqueue_indirect_dma source(%arg17 : memref<64x128xf32, #tpu.memory_space<vmem>>) target(%dma_start3A_658 : memref<1000x128xf32, #tpu.memory_space<vmem_shared>>) offsets(%arg11 : memref<64xi32, #tpu.memory_space<vmem>>) semaphore(%arg30 : memref<!tpu.dma_semaphore, #tpu.memory_space<semaphore_mem>>) {add = true}
      %dma_start3A_659 = arith.constant 0 : i32
      %dma_start3A_660 = arith.constant 0 : i32
      %dma_start3A_661 = tpu.memref_slice %arg27[%dma_start3A_659, %dma_start3A_660] : memref<1000x128xf32, #tpu.memory_space<vmem_shared>> -> memref<1000x128xf32, #tpu.memory_space<vmem_shared>>
      tpu.enqueue_indirect_dma source(%arg18 : memref<64x128xf32, #tpu.memory_space<vmem>>) target(%dma_start3A_661 : memref<1000x128xf32, #tpu.memory_space<vmem_shared>>) offsets(%arg11 : memref<64xi32, #tpu.memory_space<vmem>>) semaphore(%arg30 : memref<!tpu.dma_semaphore, #tpu.memory_space<semaphore_mem>>) {add = true}
      %dma_start3A_662 = arith.constant 0 : i32
      %dma_start3A_663 = arith.constant 0 : i32
      %dma_start3A_664 = tpu.memref_slice %arg28[%dma_start3A_662, %dma_start3A_663] : memref<1000x128xf32, #tpu.memory_space<vmem_shared>> -> memref<1000x128xf32, #tpu.memory_space<vmem_shared>>
      tpu.enqueue_indirect_dma source(%arg21 : memref<64x128xf32, #tpu.memory_space<vmem>>) target(%dma_start3A_664 : memref<1000x128xf32, #tpu.memory_space<vmem_shared>>) offsets(%arg11 : memref<64xi32, #tpu.memory_space<vmem>>) semaphore(%arg30 : memref<!tpu.dma_semaphore, #tpu.memory_space<semaphore_mem>>) {add = true}
      %dma_wait3A_665 = arith.constant 0 : i32
      %dma_wait3A_666 = arith.constant 0 : i32
      %dma_wait3A_667 = tpu.memref_slice %arg22[%dma_wait3A_665, %dma_wait3A_666] : memref<1000x128xf32, #tpu.memory_space<vmem_shared>> -> memref<1000x128xf32, #tpu.memory_space<vmem_shared>>
      tpu.wait_indirect_dma semaphore(%arg30 : memref<!tpu.dma_semaphore, #tpu.memory_space<semaphore_mem>>) src(%arg13 : memref<64x128xf32, #tpu.memory_space<vmem>>) dst(%dma_wait3A_667 : memref<1000x128xf32, #tpu.memory_space<vmem_shared>>)
      %dma_wait3A_668 = arith.constant 0 : i32
      %dma_wait3A_669 = arith.constant 0 : i32
      %dma_wait3A_670 = tpu.memref_slice %arg23[%dma_wait3A_668, %dma_wait3A_669] : memref<1000x128xf32, #tpu.memory_space<vmem_shared>> -> memref<1000x128xf32, #tpu.memory_space<vmem_shared>>
      tpu.wait_indirect_dma semaphore(%arg30 : memref<!tpu.dma_semaphore, #tpu.memory_space<semaphore_mem>>) src(%arg14 : memref<64x128xf32, #tpu.memory_space<vmem>>) dst(%dma_wait3A_670 : memref<1000x128xf32, #tpu.memory_space<vmem_shared>>)
      %add3A_671 = arith.constant 1 : i32
      %add3A_672 = arith.addi %add3A_551, %add3A_671 : i32
      %mul3A_673 = arith.constant 64 : i32
      %mul3A_674 = arith.muli %add3A_672, %mul3A_673 : i32
      %add3A_675 = arith.addi %mul3A_4, %mul3A_674 : i32
      %dma_start3A_676 = arith.constant 0 : i32
      %dma_start3A_677 = tpu.memref_slice %arg5[%add3A_675, %dma_start3A_676] : memref<65536x256xf32, #tpu.memory_space<hbm>> -> memref<64x128xf32, #tpu.memory_space<hbm>>
      %dma_start3A_678 = arith.constant 0 : i32
      %dma_start3A_679 = tpu.memref_slice %arg5[%add3A_675, %dma_start3A_678] : memref<65536x256xf32, #tpu.memory_space<hbm>> -> memref<64x128xf32, #tpu.memory_space<hbm>>
      tpu.enqueue_dma source(%dma_start3A_679 : memref<64x128xf32, #tpu.memory_space<hbm>>) target(%arg13 : memref<64x128xf32, #tpu.memory_space<vmem>>) target_semaphore(%arg29 : memref<!tpu.dma_semaphore, #tpu.memory_space<semaphore_mem>>)
      %mul3A_680 = arith.constant 64 : i32
      %mul3A_681 = arith.muli %add3A_672, %mul3A_680 : i32
      %add3A_682 = arith.addi %mul3A_4, %mul3A_681 : i32
      %dma_start3A_683 = arith.constant 128 : i32
      %dma_start3A_684 = tpu.memref_slice %arg5[%add3A_682, %dma_start3A_683] : memref<65536x256xf32, #tpu.memory_space<hbm>> -> memref<64x128xf32, #tpu.memory_space<hbm>>
      %dma_start3A_685 = arith.constant 128 : i32
      %dma_start3A_686 = tpu.memref_slice %arg5[%add3A_682, %dma_start3A_685] : memref<65536x256xf32, #tpu.memory_space<hbm>> -> memref<64x128xf32, #tpu.memory_space<hbm>>
      tpu.enqueue_dma source(%dma_start3A_686 : memref<64x128xf32, #tpu.memory_space<hbm>>) target(%arg14 : memref<64x128xf32, #tpu.memory_space<vmem>>) target_semaphore(%arg29 : memref<!tpu.dma_semaphore, #tpu.memory_space<semaphore_mem>>)
      %dma_wait3A_687 = arith.constant 0 : i32
      %dma_wait3A_688 = tpu.memref_slice %arg3[%dma_wait3A_687] : memref<65536xi32, #tpu.memory_space<hbm>> -> memref<64xi32, #tpu.memory_space<hbm>>
      %dma_wait3A_689 = arith.constant 0 : i32
      %dma_wait3A_690 = tpu.memref_slice %arg3[%dma_wait3A_689] : memref<65536xi32, #tpu.memory_space<hbm>> -> memref<64xi32, #tpu.memory_space<hbm>>
      tpu.wait_dma2 semaphore(%arg29 : memref<!tpu.dma_semaphore, #tpu.memory_space<semaphore_mem>>) src(%dma_wait3A_690 : memref<64xi32, #tpu.memory_space<hbm>>) dst(%arg12 : memref<64xi32, #tpu.memory_space<vmem>>)
      %dma_wait3A_691 = arith.constant 0 : i32
      %dma_wait3A_692 = arith.constant 0 : i32
      %dma_wait3A_693 = tpu.memref_slice %arg4[%dma_wait3A_691, %dma_wait3A_692] : memref<65536x256xf32, #tpu.memory_space<hbm>> -> memref<64x128xf32, #tpu.memory_space<hbm>>
      %dma_wait3A_694 = arith.constant 0 : i32
      %dma_wait3A_695 = arith.constant 0 : i32
      %dma_wait3A_696 = tpu.memref_slice %arg4[%dma_wait3A_694, %dma_wait3A_695] : memref<65536x256xf32, #tpu.memory_space<hbm>> -> memref<64x128xf32, #tpu.memory_space<hbm>>
      tpu.wait_dma2 semaphore(%arg29 : memref<!tpu.dma_semaphore, #tpu.memory_space<semaphore_mem>>) src(%dma_wait3A_696 : memref<64x128xf32, #tpu.memory_space<hbm>>) dst(%arg19 : memref<64x128xf32, #tpu.memory_space<vmem>>)
      %dma_wait3A_697 = arith.constant 0 : i32
      %dma_wait3A_698 = arith.constant 128 : i32
      %dma_wait3A_699 = tpu.memref_slice %arg4[%dma_wait3A_697, %dma_wait3A_698] : memref<65536x256xf32, #tpu.memory_space<hbm>> -> memref<64x128xf32, #tpu.memory_space<hbm>>
      %dma_wait3A_700 = arith.constant 0 : i32
      %dma_wait3A_701 = arith.constant 128 : i32
      %dma_wait3A_702 = tpu.memref_slice %arg4[%dma_wait3A_700, %dma_wait3A_701] : memref<65536x256xf32, #tpu.memory_space<hbm>> -> memref<64x128xf32, #tpu.memory_space<hbm>>
      tpu.wait_dma2 semaphore(%arg29 : memref<!tpu.dma_semaphore, #tpu.memory_space<semaphore_mem>>) src(%dma_wait3A_702 : memref<64x128xf32, #tpu.memory_space<hbm>>) dst(%arg20 : memref<64x128xf32, #tpu.memory_space<vmem>>)
      %dma_start3A_703 = arith.constant 0 : i32
      %dma_start3A_704 = arith.constant 0 : i32
      %dma_start3A_705 = tpu.memref_slice %arg22[%dma_start3A_703, %dma_start3A_704] : memref<1000x128xf32, #tpu.memory_space<vmem_shared>> -> memref<1000x128xf32, #tpu.memory_space<vmem_shared>>
      tpu.enqueue_indirect_dma source(%arg19 : memref<64x128xf32, #tpu.memory_space<vmem>>) target(%dma_start3A_705 : memref<1000x128xf32, #tpu.memory_space<vmem_shared>>) offsets(%arg12 : memref<64xi32, #tpu.memory_space<vmem>>) semaphore(%arg30 : memref<!tpu.dma_semaphore, #tpu.memory_space<semaphore_mem>>) {add = true}
      %dma_start3A_706 = arith.constant 0 : i32
      %dma_start3A_707 = arith.constant 0 : i32
      %dma_start3A_708 = tpu.memref_slice %arg23[%dma_start3A_706, %dma_start3A_707] : memref<1000x128xf32, #tpu.memory_space<vmem_shared>> -> memref<1000x128xf32, #tpu.memory_space<vmem_shared>>
      tpu.enqueue_indirect_dma source(%arg20 : memref<64x128xf32, #tpu.memory_space<vmem>>) target(%dma_start3A_708 : memref<1000x128xf32, #tpu.memory_space<vmem_shared>>) offsets(%arg12 : memref<64xi32, #tpu.memory_space<vmem>>) semaphore(%arg30 : memref<!tpu.dma_semaphore, #tpu.memory_space<semaphore_mem>>) {add = true}
      %dma_wait3A_709 = arith.constant 0 : i32
      %dma_wait3A_710 = arith.constant 0 : i32
      %dma_wait3A_711 = tpu.memref_slice %arg24[%dma_wait3A_709, %dma_wait3A_710] : memref<1000x128xf32, #tpu.memory_space<vmem_shared>> -> memref<1000x128xf32, #tpu.memory_space<vmem_shared>>
      tpu.wait_indirect_dma semaphore(%arg30 : memref<!tpu.dma_semaphore, #tpu.memory_space<semaphore_mem>>) src(%arg15 : memref<64x128xf32, #tpu.memory_space<vmem>>) dst(%dma_wait3A_711 : memref<1000x128xf32, #tpu.memory_space<vmem_shared>>)
      %dma_wait3A_712 = arith.constant 0 : i32
      %dma_wait3A_713 = arith.constant 0 : i32
      %dma_wait3A_714 = tpu.memref_slice %arg25[%dma_wait3A_712, %dma_wait3A_713] : memref<1000x128xf32, #tpu.memory_space<vmem_shared>> -> memref<1000x128xf32, #tpu.memory_space<vmem_shared>>
      tpu.wait_indirect_dma semaphore(%arg30 : memref<!tpu.dma_semaphore, #tpu.memory_space<semaphore_mem>>) src(%arg16 : memref<64x128xf32, #tpu.memory_space<vmem>>) dst(%dma_wait3A_714 : memref<1000x128xf32, #tpu.memory_space<vmem_shared>>)
      %add3A_715 = arith.constant 1 : i32
      %add3A_716 = arith.addi %add3A_551, %add3A_715 : i32
      %mul3A_717 = arith.constant 64 : i32
      %mul3A_718 = arith.muli %add3A_716, %mul3A_717 : i32
      %add3A_719 = arith.addi %mul3A_4, %mul3A_718 : i32
      %dma_start3A_720 = arith.constant 0 : i32
      %dma_start3A_721 = tpu.memref_slice %arg6[%add3A_719, %dma_start3A_720] : memref<65536x256xf32, #tpu.memory_space<hbm>> -> memref<64x128xf32, #tpu.memory_space<hbm>>
      %dma_start3A_722 = arith.constant 0 : i32
      %dma_start3A_723 = tpu.memref_slice %arg6[%add3A_719, %dma_start3A_722] : memref<65536x256xf32, #tpu.memory_space<hbm>> -> memref<64x128xf32, #tpu.memory_space<hbm>>
      tpu.enqueue_dma source(%dma_start3A_723 : memref<64x128xf32, #tpu.memory_space<hbm>>) target(%arg15 : memref<64x128xf32, #tpu.memory_space<vmem>>) target_semaphore(%arg29 : memref<!tpu.dma_semaphore, #tpu.memory_space<semaphore_mem>>)
      %mul3A_724 = arith.constant 64 : i32
      %mul3A_725 = arith.muli %add3A_716, %mul3A_724 : i32
      %add3A_726 = arith.addi %mul3A_4, %mul3A_725 : i32
      %dma_start3A_727 = arith.constant 128 : i32
      %dma_start3A_728 = tpu.memref_slice %arg6[%add3A_726, %dma_start3A_727] : memref<65536x256xf32, #tpu.memory_space<hbm>> -> memref<64x128xf32, #tpu.memory_space<hbm>>
      %dma_start3A_729 = arith.constant 128 : i32
      %dma_start3A_730 = tpu.memref_slice %arg6[%add3A_726, %dma_start3A_729] : memref<65536x256xf32, #tpu.memory_space<hbm>> -> memref<64x128xf32, #tpu.memory_space<hbm>>
      tpu.enqueue_dma source(%dma_start3A_730 : memref<64x128xf32, #tpu.memory_space<hbm>>) target(%arg16 : memref<64x128xf32, #tpu.memory_space<vmem>>) target_semaphore(%arg29 : memref<!tpu.dma_semaphore, #tpu.memory_space<semaphore_mem>>)
      %dma_wait3A_731 = arith.constant 0 : i32
      %dma_wait3A_732 = arith.constant 0 : i32
      %dma_wait3A_733 = tpu.memref_slice %arg5[%dma_wait3A_731, %dma_wait3A_732] : memref<65536x256xf32, #tpu.memory_space<hbm>> -> memref<64x128xf32, #tpu.memory_space<hbm>>
      %dma_wait3A_734 = arith.constant 0 : i32
      %dma_wait3A_735 = arith.constant 0 : i32
      %dma_wait3A_736 = tpu.memref_slice %arg5[%dma_wait3A_734, %dma_wait3A_735] : memref<65536x256xf32, #tpu.memory_space<hbm>> -> memref<64x128xf32, #tpu.memory_space<hbm>>
      tpu.wait_dma2 semaphore(%arg29 : memref<!tpu.dma_semaphore, #tpu.memory_space<semaphore_mem>>) src(%dma_wait3A_736 : memref<64x128xf32, #tpu.memory_space<hbm>>) dst(%arg13 : memref<64x128xf32, #tpu.memory_space<vmem>>)
      %dma_wait3A_737 = arith.constant 0 : i32
      %dma_wait3A_738 = arith.constant 128 : i32
      %dma_wait3A_739 = tpu.memref_slice %arg5[%dma_wait3A_737, %dma_wait3A_738] : memref<65536x256xf32, #tpu.memory_space<hbm>> -> memref<64x128xf32, #tpu.memory_space<hbm>>
      %dma_wait3A_740 = arith.constant 0 : i32
      %dma_wait3A_741 = arith.constant 128 : i32
      %dma_wait3A_742 = tpu.memref_slice %arg5[%dma_wait3A_740, %dma_wait3A_741] : memref<65536x256xf32, #tpu.memory_space<hbm>> -> memref<64x128xf32, #tpu.memory_space<hbm>>
      tpu.wait_dma2 semaphore(%arg29 : memref<!tpu.dma_semaphore, #tpu.memory_space<semaphore_mem>>) src(%dma_wait3A_742 : memref<64x128xf32, #tpu.memory_space<hbm>>) dst(%arg14 : memref<64x128xf32, #tpu.memory_space<vmem>>)
      %dma_start3A_743 = arith.constant 0 : i32
      %dma_start3A_744 = arith.constant 0 : i32
      %dma_start3A_745 = tpu.memref_slice %arg24[%dma_start3A_743, %dma_start3A_744] : memref<1000x128xf32, #tpu.memory_space<vmem_shared>> -> memref<1000x128xf32, #tpu.memory_space<vmem_shared>>
      tpu.enqueue_indirect_dma source(%arg13 : memref<64x128xf32, #tpu.memory_space<vmem>>) target(%dma_start3A_745 : memref<1000x128xf32, #tpu.memory_space<vmem_shared>>) offsets(%arg12 : memref<64xi32, #tpu.memory_space<vmem>>) semaphore(%arg30 : memref<!tpu.dma_semaphore, #tpu.memory_space<semaphore_mem>>) {add = true}
      %dma_start3A_746 = arith.constant 0 : i32
      %dma_start3A_747 = arith.constant 0 : i32
      %dma_start3A_748 = tpu.memref_slice %arg25[%dma_start3A_746, %dma_start3A_747] : memref<1000x128xf32, #tpu.memory_space<vmem_shared>> -> memref<1000x128xf32, #tpu.memory_space<vmem_shared>>
      tpu.enqueue_indirect_dma source(%arg14 : memref<64x128xf32, #tpu.memory_space<vmem>>) target(%dma_start3A_748 : memref<1000x128xf32, #tpu.memory_space<vmem_shared>>) offsets(%arg12 : memref<64xi32, #tpu.memory_space<vmem>>) semaphore(%arg30 : memref<!tpu.dma_semaphore, #tpu.memory_space<semaphore_mem>>) {add = true}
      %dma_wait3A_749 = arith.constant 0 : i32
      %dma_wait3A_750 = arith.constant 0 : i32
      %dma_wait3A_751 = tpu.memref_slice %arg26[%dma_wait3A_749, %dma_wait3A_750] : memref<1000x128xf32, #tpu.memory_space<vmem_shared>> -> memref<1000x128xf32, #tpu.memory_space<vmem_shared>>
      tpu.wait_indirect_dma semaphore(%arg30 : memref<!tpu.dma_semaphore, #tpu.memory_space<semaphore_mem>>) src(%arg17 : memref<64x128xf32, #tpu.memory_space<vmem>>) dst(%dma_wait3A_751 : memref<1000x128xf32, #tpu.memory_space<vmem_shared>>)
      %dma_wait3A_752 = arith.constant 0 : i32
      %dma_wait3A_753 = arith.constant 0 : i32
      %dma_wait3A_754 = tpu.memref_slice %arg27[%dma_wait3A_752, %dma_wait3A_753] : memref<1000x128xf32, #tpu.memory_space<vmem_shared>> -> memref<1000x128xf32, #tpu.memory_space<vmem_shared>>
      tpu.wait_indirect_dma semaphore(%arg30 : memref<!tpu.dma_semaphore, #tpu.memory_space<semaphore_mem>>) src(%arg18 : memref<64x128xf32, #tpu.memory_space<vmem>>) dst(%dma_wait3A_754 : memref<1000x128xf32, #tpu.memory_space<vmem_shared>>)
      %dma_wait3A_755 = arith.constant 0 : i32
      %dma_wait3A_756 = arith.constant 0 : i32
      %dma_wait3A_757 = tpu.memref_slice %arg28[%dma_wait3A_755, %dma_wait3A_756] : memref<1000x128xf32, #tpu.memory_space<vmem_shared>> -> memref<1000x128xf32, #tpu.memory_space<vmem_shared>>
      tpu.wait_indirect_dma semaphore(%arg30 : memref<!tpu.dma_semaphore, #tpu.memory_space<semaphore_mem>>) src(%arg21 : memref<64x128xf32, #tpu.memory_space<vmem>>) dst(%dma_wait3A_757 : memref<1000x128xf32, #tpu.memory_space<vmem_shared>>)
      %add3A_758 = arith.constant 2 : i32
      %add3A_759 = arith.addi %add3A_551, %add3A_758 : i32
      %mul3A_760 = arith.constant 64 : i32
      %mul3A_761 = arith.muli %add3A_759, %mul3A_760 : i32
      %add3A_762 = arith.addi %mul3A_4, %mul3A_761 : i32
      %dma_start3A_763 = tpu.memref_slice %arg3[%add3A_762] : memref<65536xi32, #tpu.memory_space<hbm>> -> memref<64xi32, #tpu.memory_space<hbm>>
      %dma_start3A_764 = tpu.memref_slice %arg3[%add3A_762] : memref<65536xi32, #tpu.memory_space<hbm>> -> memref<64xi32, #tpu.memory_space<hbm>>
      tpu.enqueue_dma source(%dma_start3A_764 : memref<64xi32, #tpu.memory_space<hbm>>) target(%arg11 : memref<64xi32, #tpu.memory_space<vmem>>) target_semaphore(%arg29 : memref<!tpu.dma_semaphore, #tpu.memory_space<semaphore_mem>>)
      %mul3A_765 = arith.constant 64 : i32
      %mul3A_766 = arith.muli %add3A_759, %mul3A_765 : i32
      %add3A_767 = arith.addi %mul3A_4, %mul3A_766 : i32
      %dma_start3A_768 = arith.constant 0 : i32
      %dma_start3A_769 = tpu.memref_slice %arg4[%add3A_767, %dma_start3A_768] : memref<65536x256xf32, #tpu.memory_space<hbm>> -> memref<64x128xf32, #tpu.memory_space<hbm>>
      %dma_start3A_770 = arith.constant 0 : i32
      %dma_start3A_771 = tpu.memref_slice %arg4[%add3A_767, %dma_start3A_770] : memref<65536x256xf32, #tpu.memory_space<hbm>> -> memref<64x128xf32, #tpu.memory_space<hbm>>
      tpu.enqueue_dma source(%dma_start3A_771 : memref<64x128xf32, #tpu.memory_space<hbm>>) target(%arg17 : memref<64x128xf32, #tpu.memory_space<vmem>>) target_semaphore(%arg29 : memref<!tpu.dma_semaphore, #tpu.memory_space<semaphore_mem>>)
      %mul3A_772 = arith.constant 64 : i32
      %mul3A_773 = arith.muli %add3A_759, %mul3A_772 : i32
      %add3A_774 = arith.addi %mul3A_4, %mul3A_773 : i32
      %dma_start3A_775 = arith.constant 128 : i32
      %dma_start3A_776 = tpu.memref_slice %arg4[%add3A_774, %dma_start3A_775] : memref<65536x256xf32, #tpu.memory_space<hbm>> -> memref<64x128xf32, #tpu.memory_space<hbm>>
      %dma_start3A_777 = arith.constant 128 : i32
      %dma_start3A_778 = tpu.memref_slice %arg4[%add3A_774, %dma_start3A_777] : memref<65536x256xf32, #tpu.memory_space<hbm>> -> memref<64x128xf32, #tpu.memory_space<hbm>>
      tpu.enqueue_dma source(%dma_start3A_778 : memref<64x128xf32, #tpu.memory_space<hbm>>) target(%arg18 : memref<64x128xf32, #tpu.memory_space<vmem>>) target_semaphore(%arg29 : memref<!tpu.dma_semaphore, #tpu.memory_space<semaphore_mem>>)
      %dma_wait3A_779 = arith.constant 0 : i32
      %dma_wait3A_780 = arith.constant 0 : i32
      %dma_wait3A_781 = tpu.memref_slice %arg6[%dma_wait3A_779, %dma_wait3A_780] : memref<65536x256xf32, #tpu.memory_space<hbm>> -> memref<64x128xf32, #tpu.memory_space<hbm>>
      %dma_wait3A_782 = arith.constant 0 : i32
      %dma_wait3A_783 = arith.constant 0 : i32
      %dma_wait3A_784 = tpu.memref_slice %arg6[%dma_wait3A_782, %dma_wait3A_783] : memref<65536x256xf32, #tpu.memory_space<hbm>> -> memref<64x128xf32, #tpu.memory_space<hbm>>
      tpu.wait_dma2 semaphore(%arg29 : memref<!tpu.dma_semaphore, #tpu.memory_space<semaphore_mem>>) src(%dma_wait3A_784 : memref<64x128xf32, #tpu.memory_space<hbm>>) dst(%arg15 : memref<64x128xf32, #tpu.memory_space<vmem>>)
      %dma_wait3A_785 = arith.constant 0 : i32
      %dma_wait3A_786 = arith.constant 128 : i32
      %dma_wait3A_787 = tpu.memref_slice %arg6[%dma_wait3A_785, %dma_wait3A_786] : memref<65536x256xf32, #tpu.memory_space<hbm>> -> memref<64x128xf32, #tpu.memory_space<hbm>>
      %dma_wait3A_788 = arith.constant 0 : i32
      %dma_wait3A_789 = arith.constant 128 : i32
      %dma_wait3A_790 = tpu.memref_slice %arg6[%dma_wait3A_788, %dma_wait3A_789] : memref<65536x256xf32, #tpu.memory_space<hbm>> -> memref<64x128xf32, #tpu.memory_space<hbm>>
      tpu.wait_dma2 semaphore(%arg29 : memref<!tpu.dma_semaphore, #tpu.memory_space<semaphore_mem>>) src(%dma_wait3A_790 : memref<64x128xf32, #tpu.memory_space<hbm>>) dst(%arg16 : memref<64x128xf32, #tpu.memory_space<vmem>>)
      %dma_start3A_791 = arith.constant 0 : i32
      %dma_start3A_792 = arith.constant 0 : i32
      %dma_start3A_793 = tpu.memref_slice %arg26[%dma_start3A_791, %dma_start3A_792] : memref<1000x128xf32, #tpu.memory_space<vmem_shared>> -> memref<1000x128xf32, #tpu.memory_space<vmem_shared>>
      tpu.enqueue_indirect_dma source(%arg15 : memref<64x128xf32, #tpu.memory_space<vmem>>) target(%dma_start3A_793 : memref<1000x128xf32, #tpu.memory_space<vmem_shared>>) offsets(%arg12 : memref<64xi32, #tpu.memory_space<vmem>>) semaphore(%arg30 : memref<!tpu.dma_semaphore, #tpu.memory_space<semaphore_mem>>) {add = true}
      %dma_start3A_794 = arith.constant 0 : i32
      %dma_start3A_795 = arith.constant 0 : i32
      %dma_start3A_796 = tpu.memref_slice %arg27[%dma_start3A_794, %dma_start3A_795] : memref<1000x128xf32, #tpu.memory_space<vmem_shared>> -> memref<1000x128xf32, #tpu.memory_space<vmem_shared>>
      tpu.enqueue_indirect_dma source(%arg16 : memref<64x128xf32, #tpu.memory_space<vmem>>) target(%dma_start3A_796 : memref<1000x128xf32, #tpu.memory_space<vmem_shared>>) offsets(%arg12 : memref<64xi32, #tpu.memory_space<vmem>>) semaphore(%arg30 : memref<!tpu.dma_semaphore, #tpu.memory_space<semaphore_mem>>) {add = true}
      %dma_start3A_797 = arith.constant 0 : i32
      %dma_start3A_798 = arith.constant 0 : i32
      %dma_start3A_799 = tpu.memref_slice %arg28[%dma_start3A_797, %dma_start3A_798] : memref<1000x128xf32, #tpu.memory_space<vmem_shared>> -> memref<1000x128xf32, #tpu.memory_space<vmem_shared>>
      tpu.enqueue_indirect_dma source(%arg21 : memref<64x128xf32, #tpu.memory_space<vmem>>) target(%dma_start3A_799 : memref<1000x128xf32, #tpu.memory_space<vmem_shared>>) offsets(%arg12 : memref<64xi32, #tpu.memory_space<vmem>>) semaphore(%arg30 : memref<!tpu.dma_semaphore, #tpu.memory_space<semaphore_mem>>) {add = true}
      %dma_wait3A_800 = arith.constant 0 : i32
      %dma_wait3A_801 = arith.constant 0 : i32
      %dma_wait3A_802 = tpu.memref_slice %arg22[%dma_wait3A_800, %dma_wait3A_801] : memref<1000x128xf32, #tpu.memory_space<vmem_shared>> -> memref<1000x128xf32, #tpu.memory_space<vmem_shared>>
      tpu.wait_indirect_dma semaphore(%arg30 : memref<!tpu.dma_semaphore, #tpu.memory_space<semaphore_mem>>) src(%arg19 : memref<64x128xf32, #tpu.memory_space<vmem>>) dst(%dma_wait3A_802 : memref<1000x128xf32, #tpu.memory_space<vmem_shared>>)
      %dma_wait3A_803 = arith.constant 0 : i32
      %dma_wait3A_804 = arith.constant 0 : i32
      %dma_wait3A_805 = tpu.memref_slice %arg23[%dma_wait3A_803, %dma_wait3A_804] : memref<1000x128xf32, #tpu.memory_space<vmem_shared>> -> memref<1000x128xf32, #tpu.memory_space<vmem_shared>>
      tpu.wait_indirect_dma semaphore(%arg30 : memref<!tpu.dma_semaphore, #tpu.memory_space<semaphore_mem>>) src(%arg20 : memref<64x128xf32, #tpu.memory_space<vmem>>) dst(%dma_wait3A_805 : memref<1000x128xf32, #tpu.memory_space<vmem_shared>>)
      %add3A_806 = arith.constant 2 : i32
      %add3A_807 = arith.addi %add3A_551, %add3A_806 : i32
      %mul3A_808 = arith.constant 64 : i32
      %mul3A_809 = arith.muli %add3A_807, %mul3A_808 : i32
      %add3A_810 = arith.addi %mul3A_4, %mul3A_809 : i32
      %dma_start3A_811 = arith.constant 0 : i32
      %dma_start3A_812 = tpu.memref_slice %arg5[%add3A_810, %dma_start3A_811] : memref<65536x256xf32, #tpu.memory_space<hbm>> -> memref<64x128xf32, #tpu.memory_space<hbm>>
      %dma_start3A_813 = arith.constant 0 : i32
      %dma_start3A_814 = tpu.memref_slice %arg5[%add3A_810, %dma_start3A_813] : memref<65536x256xf32, #tpu.memory_space<hbm>> -> memref<64x128xf32, #tpu.memory_space<hbm>>
      tpu.enqueue_dma source(%dma_start3A_814 : memref<64x128xf32, #tpu.memory_space<hbm>>) target(%arg19 : memref<64x128xf32, #tpu.memory_space<vmem>>) target_semaphore(%arg29 : memref<!tpu.dma_semaphore, #tpu.memory_space<semaphore_mem>>)
      %mul3A_815 = arith.constant 64 : i32
      %mul3A_816 = arith.muli %add3A_807, %mul3A_815 : i32
      %add3A_817 = arith.addi %mul3A_4, %mul3A_816 : i32
      %dma_start3A_818 = arith.constant 128 : i32
      %dma_start3A_819 = tpu.memref_slice %arg5[%add3A_817, %dma_start3A_818] : memref<65536x256xf32, #tpu.memory_space<hbm>> -> memref<64x128xf32, #tpu.memory_space<hbm>>
      %dma_start3A_820 = arith.constant 128 : i32
      %dma_start3A_821 = tpu.memref_slice %arg5[%add3A_817, %dma_start3A_820] : memref<65536x256xf32, #tpu.memory_space<hbm>> -> memref<64x128xf32, #tpu.memory_space<hbm>>
      tpu.enqueue_dma source(%dma_start3A_821 : memref<64x128xf32, #tpu.memory_space<hbm>>) target(%arg20 : memref<64x128xf32, #tpu.memory_space<vmem>>) target_semaphore(%arg29 : memref<!tpu.dma_semaphore, #tpu.memory_space<semaphore_mem>>)
      %dma_wait3A_822 = arith.constant 0 : i32
      %dma_wait3A_823 = tpu.memref_slice %arg3[%dma_wait3A_822] : memref<65536xi32, #tpu.memory_space<hbm>> -> memref<64xi32, #tpu.memory_space<hbm>>
      %dma_wait3A_824 = arith.constant 0 : i32
      %dma_wait3A_825 = tpu.memref_slice %arg3[%dma_wait3A_824] : memref<65536xi32, #tpu.memory_space<hbm>> -> memref<64xi32, #tpu.memory_space<hbm>>
      tpu.wait_dma2 semaphore(%arg29 : memref<!tpu.dma_semaphore, #tpu.memory_space<semaphore_mem>>) src(%dma_wait3A_825 : memref<64xi32, #tpu.memory_space<hbm>>) dst(%arg11 : memref<64xi32, #tpu.memory_space<vmem>>)
      %dma_wait3A_826 = arith.constant 0 : i32
      %dma_wait3A_827 = arith.constant 0 : i32
      %dma_wait3A_828 = tpu.memref_slice %arg4[%dma_wait3A_826, %dma_wait3A_827] : memref<65536x256xf32, #tpu.memory_space<hbm>> -> memref<64x128xf32, #tpu.memory_space<hbm>>
      %dma_wait3A_829 = arith.constant 0 : i32
      %dma_wait3A_830 = arith.constant 0 : i32
      %dma_wait3A_831 = tpu.memref_slice %arg4[%dma_wait3A_829, %dma_wait3A_830] : memref<65536x256xf32, #tpu.memory_space<hbm>> -> memref<64x128xf32, #tpu.memory_space<hbm>>
      tpu.wait_dma2 semaphore(%arg29 : memref<!tpu.dma_semaphore, #tpu.memory_space<semaphore_mem>>) src(%dma_wait3A_831 : memref<64x128xf32, #tpu.memory_space<hbm>>) dst(%arg17 : memref<64x128xf32, #tpu.memory_space<vmem>>)
      %dma_wait3A_832 = arith.constant 0 : i32
      %dma_wait3A_833 = arith.constant 128 : i32
      %dma_wait3A_834 = tpu.memref_slice %arg4[%dma_wait3A_832, %dma_wait3A_833] : memref<65536x256xf32, #tpu.memory_space<hbm>> -> memref<64x128xf32, #tpu.memory_space<hbm>>
      %dma_wait3A_835 = arith.constant 0 : i32
      %dma_wait3A_836 = arith.constant 128 : i32
      %dma_wait3A_837 = tpu.memref_slice %arg4[%dma_wait3A_835, %dma_wait3A_836] : memref<65536x256xf32, #tpu.memory_space<hbm>> -> memref<64x128xf32, #tpu.memory_space<hbm>>
      tpu.wait_dma2 semaphore(%arg29 : memref<!tpu.dma_semaphore, #tpu.memory_space<semaphore_mem>>) src(%dma_wait3A_837 : memref<64x128xf32, #tpu.memory_space<hbm>>) dst(%arg18 : memref<64x128xf32, #tpu.memory_space<vmem>>)
      %dma_start3A_838 = arith.constant 0 : i32
      %dma_start3A_839 = arith.constant 0 : i32
      %dma_start3A_840 = tpu.memref_slice %arg22[%dma_start3A_838, %dma_start3A_839] : memref<1000x128xf32, #tpu.memory_space<vmem_shared>> -> memref<1000x128xf32, #tpu.memory_space<vmem_shared>>
      tpu.enqueue_indirect_dma source(%arg17 : memref<64x128xf32, #tpu.memory_space<vmem>>) target(%dma_start3A_840 : memref<1000x128xf32, #tpu.memory_space<vmem_shared>>) offsets(%arg11 : memref<64xi32, #tpu.memory_space<vmem>>) semaphore(%arg30 : memref<!tpu.dma_semaphore, #tpu.memory_space<semaphore_mem>>) {add = true}
      %dma_start3A_841 = arith.constant 0 : i32
      %dma_start3A_842 = arith.constant 0 : i32
      %dma_start3A_843 = tpu.memref_slice %arg23[%dma_start3A_841, %dma_start3A_842] : memref<1000x128xf32, #tpu.memory_space<vmem_shared>> -> memref<1000x128xf32, #tpu.memory_space<vmem_shared>>
      tpu.enqueue_indirect_dma source(%arg18 : memref<64x128xf32, #tpu.memory_space<vmem>>) target(%dma_start3A_843 : memref<1000x128xf32, #tpu.memory_space<vmem_shared>>) offsets(%arg11 : memref<64xi32, #tpu.memory_space<vmem>>) semaphore(%arg30 : memref<!tpu.dma_semaphore, #tpu.memory_space<semaphore_mem>>) {add = true}
      %dma_wait3A_844 = arith.constant 0 : i32
      %dma_wait3A_845 = arith.constant 0 : i32
      %dma_wait3A_846 = tpu.memref_slice %arg24[%dma_wait3A_844, %dma_wait3A_845] : memref<1000x128xf32, #tpu.memory_space<vmem_shared>> -> memref<1000x128xf32, #tpu.memory_space<vmem_shared>>
      tpu.wait_indirect_dma semaphore(%arg30 : memref<!tpu.dma_semaphore, #tpu.memory_space<semaphore_mem>>) src(%arg13 : memref<64x128xf32, #tpu.memory_space<vmem>>) dst(%dma_wait3A_846 : memref<1000x128xf32, #tpu.memory_space<vmem_shared>>)
      %dma_wait3A_847 = arith.constant 0 : i32
      %dma_wait3A_848 = arith.constant 0 : i32
      %dma_wait3A_849 = tpu.memref_slice %arg25[%dma_wait3A_847, %dma_wait3A_848] : memref<1000x128xf32, #tpu.memory_space<vmem_shared>> -> memref<1000x128xf32, #tpu.memory_space<vmem_shared>>
      tpu.wait_indirect_dma semaphore(%arg30 : memref<!tpu.dma_semaphore, #tpu.memory_space<semaphore_mem>>) src(%arg14 : memref<64x128xf32, #tpu.memory_space<vmem>>) dst(%dma_wait3A_849 : memref<1000x128xf32, #tpu.memory_space<vmem_shared>>)
      %add3A_850 = arith.constant 2 : i32
      %add3A_851 = arith.addi %add3A_551, %add3A_850 : i32
      %mul3A_852 = arith.constant 64 : i32
      %mul3A_853 = arith.muli %add3A_851, %mul3A_852 : i32
      %add3A_854 = arith.addi %mul3A_4, %mul3A_853 : i32
      %dma_start3A_855 = arith.constant 0 : i32
      %dma_start3A_856 = tpu.memref_slice %arg6[%add3A_854, %dma_start3A_855] : memref<65536x256xf32, #tpu.memory_space<hbm>> -> memref<64x128xf32, #tpu.memory_space<hbm>>
      %dma_start3A_857 = arith.constant 0 : i32
      %dma_start3A_858 = tpu.memref_slice %arg6[%add3A_854, %dma_start3A_857] : memref<65536x256xf32, #tpu.memory_space<hbm>> -> memref<64x128xf32, #tpu.memory_space<hbm>>
      tpu.enqueue_dma source(%dma_start3A_858 : memref<64x128xf32, #tpu.memory_space<hbm>>) target(%arg13 : memref<64x128xf32, #tpu.memory_space<vmem>>) target_semaphore(%arg29 : memref<!tpu.dma_semaphore, #tpu.memory_space<semaphore_mem>>)
      %mul3A_859 = arith.constant 64 : i32
      %mul3A_860 = arith.muli %add3A_851, %mul3A_859 : i32
      %add3A_861 = arith.addi %mul3A_4, %mul3A_860 : i32
      %dma_start3A_862 = arith.constant 128 : i32
      %dma_start3A_863 = tpu.memref_slice %arg6[%add3A_861, %dma_start3A_862] : memref<65536x256xf32, #tpu.memory_space<hbm>> -> memref<64x128xf32, #tpu.memory_space<hbm>>
      %dma_start3A_864 = arith.constant 128 : i32
      %dma_start3A_865 = tpu.memref_slice %arg6[%add3A_861, %dma_start3A_864] : memref<65536x256xf32, #tpu.memory_space<hbm>> -> memref<64x128xf32, #tpu.memory_space<hbm>>
      tpu.enqueue_dma source(%dma_start3A_865 : memref<64x128xf32, #tpu.memory_space<hbm>>) target(%arg14 : memref<64x128xf32, #tpu.memory_space<vmem>>) target_semaphore(%arg29 : memref<!tpu.dma_semaphore, #tpu.memory_space<semaphore_mem>>)
      %dma_wait3A_866 = arith.constant 0 : i32
      %dma_wait3A_867 = arith.constant 0 : i32
      %dma_wait3A_868 = tpu.memref_slice %arg5[%dma_wait3A_866, %dma_wait3A_867] : memref<65536x256xf32, #tpu.memory_space<hbm>> -> memref<64x128xf32, #tpu.memory_space<hbm>>
      %dma_wait3A_869 = arith.constant 0 : i32
      %dma_wait3A_870 = arith.constant 0 : i32
      %dma_wait3A_871 = tpu.memref_slice %arg5[%dma_wait3A_869, %dma_wait3A_870] : memref<65536x256xf32, #tpu.memory_space<hbm>> -> memref<64x128xf32, #tpu.memory_space<hbm>>
      tpu.wait_dma2 semaphore(%arg29 : memref<!tpu.dma_semaphore, #tpu.memory_space<semaphore_mem>>) src(%dma_wait3A_871 : memref<64x128xf32, #tpu.memory_space<hbm>>) dst(%arg19 : memref<64x128xf32, #tpu.memory_space<vmem>>)
      %dma_wait3A_872 = arith.constant 0 : i32
      %dma_wait3A_873 = arith.constant 128 : i32
      %dma_wait3A_874 = tpu.memref_slice %arg5[%dma_wait3A_872, %dma_wait3A_873] : memref<65536x256xf32, #tpu.memory_space<hbm>> -> memref<64x128xf32, #tpu.memory_space<hbm>>
      %dma_wait3A_875 = arith.constant 0 : i32
      %dma_wait3A_876 = arith.constant 128 : i32
      %dma_wait3A_877 = tpu.memref_slice %arg5[%dma_wait3A_875, %dma_wait3A_876] : memref<65536x256xf32, #tpu.memory_space<hbm>> -> memref<64x128xf32, #tpu.memory_space<hbm>>
      tpu.wait_dma2 semaphore(%arg29 : memref<!tpu.dma_semaphore, #tpu.memory_space<semaphore_mem>>) src(%dma_wait3A_877 : memref<64x128xf32, #tpu.memory_space<hbm>>) dst(%arg20 : memref<64x128xf32, #tpu.memory_space<vmem>>)
      %dma_start3A_878 = arith.constant 0 : i32
      %dma_start3A_879 = arith.constant 0 : i32
      %dma_start3A_880 = tpu.memref_slice %arg24[%dma_start3A_878, %dma_start3A_879] : memref<1000x128xf32, #tpu.memory_space<vmem_shared>> -> memref<1000x128xf32, #tpu.memory_space<vmem_shared>>
      tpu.enqueue_indirect_dma source(%arg19 : memref<64x128xf32, #tpu.memory_space<vmem>>) target(%dma_start3A_880 : memref<1000x128xf32, #tpu.memory_space<vmem_shared>>) offsets(%arg11 : memref<64xi32, #tpu.memory_space<vmem>>) semaphore(%arg30 : memref<!tpu.dma_semaphore, #tpu.memory_space<semaphore_mem>>) {add = true}
      %dma_start3A_881 = arith.constant 0 : i32
      %dma_start3A_882 = arith.constant 0 : i32
      %dma_start3A_883 = tpu.memref_slice %arg25[%dma_start3A_881, %dma_start3A_882] : memref<1000x128xf32, #tpu.memory_space<vmem_shared>> -> memref<1000x128xf32, #tpu.memory_space<vmem_shared>>
      tpu.enqueue_indirect_dma source(%arg20 : memref<64x128xf32, #tpu.memory_space<vmem>>) target(%dma_start3A_883 : memref<1000x128xf32, #tpu.memory_space<vmem_shared>>) offsets(%arg11 : memref<64xi32, #tpu.memory_space<vmem>>) semaphore(%arg30 : memref<!tpu.dma_semaphore, #tpu.memory_space<semaphore_mem>>) {add = true}
      %dma_wait3A_884 = arith.constant 0 : i32
      %dma_wait3A_885 = arith.constant 0 : i32
      %dma_wait3A_886 = tpu.memref_slice %arg26[%dma_wait3A_884, %dma_wait3A_885] : memref<1000x128xf32, #tpu.memory_space<vmem_shared>> -> memref<1000x128xf32, #tpu.memory_space<vmem_shared>>
      tpu.wait_indirect_dma semaphore(%arg30 : memref<!tpu.dma_semaphore, #tpu.memory_space<semaphore_mem>>) src(%arg15 : memref<64x128xf32, #tpu.memory_space<vmem>>) dst(%dma_wait3A_886 : memref<1000x128xf32, #tpu.memory_space<vmem_shared>>)
      %dma_wait3A_887 = arith.constant 0 : i32
      %dma_wait3A_888 = arith.constant 0 : i32
      %dma_wait3A_889 = tpu.memref_slice %arg27[%dma_wait3A_887, %dma_wait3A_888] : memref<1000x128xf32, #tpu.memory_space<vmem_shared>> -> memref<1000x128xf32, #tpu.memory_space<vmem_shared>>
      tpu.wait_indirect_dma semaphore(%arg30 : memref<!tpu.dma_semaphore, #tpu.memory_space<semaphore_mem>>) src(%arg16 : memref<64x128xf32, #tpu.memory_space<vmem>>) dst(%dma_wait3A_889 : memref<1000x128xf32, #tpu.memory_space<vmem_shared>>)
      %dma_wait3A_890 = arith.constant 0 : i32
      %dma_wait3A_891 = arith.constant 0 : i32
      %dma_wait3A_892 = tpu.memref_slice %arg28[%dma_wait3A_890, %dma_wait3A_891] : memref<1000x128xf32, #tpu.memory_space<vmem_shared>> -> memref<1000x128xf32, #tpu.memory_space<vmem_shared>>
      tpu.wait_indirect_dma semaphore(%arg30 : memref<!tpu.dma_semaphore, #tpu.memory_space<semaphore_mem>>) src(%arg21 : memref<64x128xf32, #tpu.memory_space<vmem>>) dst(%dma_wait3A_892 : memref<1000x128xf32, #tpu.memory_space<vmem_shared>>)
      %add3A_893 = arith.constant 3 : i32
      %add3A_894 = arith.addi %add3A_551, %add3A_893 : i32
      %mul3A_895 = arith.constant 64 : i32
      %mul3A_896 = arith.muli %add3A_894, %mul3A_895 : i32
      %add3A_897 = arith.addi %mul3A_4, %mul3A_896 : i32
      %dma_start3A_898 = tpu.memref_slice %arg3[%add3A_897] : memref<65536xi32, #tpu.memory_space<hbm>> -> memref<64xi32, #tpu.memory_space<hbm>>
      %dma_start3A_899 = tpu.memref_slice %arg3[%add3A_897] : memref<65536xi32, #tpu.memory_space<hbm>> -> memref<64xi32, #tpu.memory_space<hbm>>
      tpu.enqueue_dma source(%dma_start3A_899 : memref<64xi32, #tpu.memory_space<hbm>>) target(%arg12 : memref<64xi32, #tpu.memory_space<vmem>>) target_semaphore(%arg29 : memref<!tpu.dma_semaphore, #tpu.memory_space<semaphore_mem>>)
      %mul3A_900 = arith.constant 64 : i32
      %mul3A_901 = arith.muli %add3A_894, %mul3A_900 : i32
      %add3A_902 = arith.addi %mul3A_4, %mul3A_901 : i32
      %dma_start3A_903 = arith.constant 0 : i32
      %dma_start3A_904 = tpu.memref_slice %arg4[%add3A_902, %dma_start3A_903] : memref<65536x256xf32, #tpu.memory_space<hbm>> -> memref<64x128xf32, #tpu.memory_space<hbm>>
      %dma_start3A_905 = arith.constant 0 : i32
      %dma_start3A_906 = tpu.memref_slice %arg4[%add3A_902, %dma_start3A_905] : memref<65536x256xf32, #tpu.memory_space<hbm>> -> memref<64x128xf32, #tpu.memory_space<hbm>>
      tpu.enqueue_dma source(%dma_start3A_906 : memref<64x128xf32, #tpu.memory_space<hbm>>) target(%arg15 : memref<64x128xf32, #tpu.memory_space<vmem>>) target_semaphore(%arg29 : memref<!tpu.dma_semaphore, #tpu.memory_space<semaphore_mem>>)
      %mul3A_907 = arith.constant 64 : i32
      %mul3A_908 = arith.muli %add3A_894, %mul3A_907 : i32
      %add3A_909 = arith.addi %mul3A_4, %mul3A_908 : i32
      %dma_start3A_910 = arith.constant 128 : i32
      %dma_start3A_911 = tpu.memref_slice %arg4[%add3A_909, %dma_start3A_910] : memref<65536x256xf32, #tpu.memory_space<hbm>> -> memref<64x128xf32, #tpu.memory_space<hbm>>
      %dma_start3A_912 = arith.constant 128 : i32
      %dma_start3A_913 = tpu.memref_slice %arg4[%add3A_909, %dma_start3A_912] : memref<65536x256xf32, #tpu.memory_space<hbm>> -> memref<64x128xf32, #tpu.memory_space<hbm>>
      tpu.enqueue_dma source(%dma_start3A_913 : memref<64x128xf32, #tpu.memory_space<hbm>>) target(%arg16 : memref<64x128xf32, #tpu.memory_space<vmem>>) target_semaphore(%arg29 : memref<!tpu.dma_semaphore, #tpu.memory_space<semaphore_mem>>)
      %dma_wait3A_914 = arith.constant 0 : i32
      %dma_wait3A_915 = arith.constant 0 : i32
      %dma_wait3A_916 = tpu.memref_slice %arg6[%dma_wait3A_914, %dma_wait3A_915] : memref<65536x256xf32, #tpu.memory_space<hbm>> -> memref<64x128xf32, #tpu.memory_space<hbm>>
      %dma_wait3A_917 = arith.constant 0 : i32
      %dma_wait3A_918 = arith.constant 0 : i32
      %dma_wait3A_919 = tpu.memref_slice %arg6[%dma_wait3A_917, %dma_wait3A_918] : memref<65536x256xf32, #tpu.memory_space<hbm>> -> memref<64x128xf32, #tpu.memory_space<hbm>>
      tpu.wait_dma2 semaphore(%arg29 : memref<!tpu.dma_semaphore, #tpu.memory_space<semaphore_mem>>) src(%dma_wait3A_919 : memref<64x128xf32, #tpu.memory_space<hbm>>) dst(%arg13 : memref<64x128xf32, #tpu.memory_space<vmem>>)
      %dma_wait3A_920 = arith.constant 0 : i32
      %dma_wait3A_921 = arith.constant 128 : i32
      %dma_wait3A_922 = tpu.memref_slice %arg6[%dma_wait3A_920, %dma_wait3A_921] : memref<65536x256xf32, #tpu.memory_space<hbm>> -> memref<64x128xf32, #tpu.memory_space<hbm>>
      %dma_wait3A_923 = arith.constant 0 : i32
      %dma_wait3A_924 = arith.constant 128 : i32
      %dma_wait3A_925 = tpu.memref_slice %arg6[%dma_wait3A_923, %dma_wait3A_924] : memref<65536x256xf32, #tpu.memory_space<hbm>> -> memref<64x128xf32, #tpu.memory_space<hbm>>
      tpu.wait_dma2 semaphore(%arg29 : memref<!tpu.dma_semaphore, #tpu.memory_space<semaphore_mem>>) src(%dma_wait3A_925 : memref<64x128xf32, #tpu.memory_space<hbm>>) dst(%arg14 : memref<64x128xf32, #tpu.memory_space<vmem>>)
      %dma_start3A_926 = arith.constant 0 : i32
      %dma_start3A_927 = arith.constant 0 : i32
      %dma_start3A_928 = tpu.memref_slice %arg26[%dma_start3A_926, %dma_start3A_927] : memref<1000x128xf32, #tpu.memory_space<vmem_shared>> -> memref<1000x128xf32, #tpu.memory_space<vmem_shared>>
      tpu.enqueue_indirect_dma source(%arg13 : memref<64x128xf32, #tpu.memory_space<vmem>>) target(%dma_start3A_928 : memref<1000x128xf32, #tpu.memory_space<vmem_shared>>) offsets(%arg11 : memref<64xi32, #tpu.memory_space<vmem>>) semaphore(%arg30 : memref<!tpu.dma_semaphore, #tpu.memory_space<semaphore_mem>>) {add = true}
      %dma_start3A_929 = arith.constant 0 : i32
      %dma_start3A_930 = arith.constant 0 : i32
      %dma_start3A_931 = tpu.memref_slice %arg27[%dma_start3A_929, %dma_start3A_930] : memref<1000x128xf32, #tpu.memory_space<vmem_shared>> -> memref<1000x128xf32, #tpu.memory_space<vmem_shared>>
      tpu.enqueue_indirect_dma source(%arg14 : memref<64x128xf32, #tpu.memory_space<vmem>>) target(%dma_start3A_931 : memref<1000x128xf32, #tpu.memory_space<vmem_shared>>) offsets(%arg11 : memref<64xi32, #tpu.memory_space<vmem>>) semaphore(%arg30 : memref<!tpu.dma_semaphore, #tpu.memory_space<semaphore_mem>>) {add = true}
      %dma_start3A_932 = arith.constant 0 : i32
      %dma_start3A_933 = arith.constant 0 : i32
      %dma_start3A_934 = tpu.memref_slice %arg28[%dma_start3A_932, %dma_start3A_933] : memref<1000x128xf32, #tpu.memory_space<vmem_shared>> -> memref<1000x128xf32, #tpu.memory_space<vmem_shared>>
      tpu.enqueue_indirect_dma source(%arg21 : memref<64x128xf32, #tpu.memory_space<vmem>>) target(%dma_start3A_934 : memref<1000x128xf32, #tpu.memory_space<vmem_shared>>) offsets(%arg11 : memref<64xi32, #tpu.memory_space<vmem>>) semaphore(%arg30 : memref<!tpu.dma_semaphore, #tpu.memory_space<semaphore_mem>>) {add = true}
      %dma_wait3A_935 = arith.constant 0 : i32
      %dma_wait3A_936 = arith.constant 0 : i32
      %dma_wait3A_937 = tpu.memref_slice %arg22[%dma_wait3A_935, %dma_wait3A_936] : memref<1000x128xf32, #tpu.memory_space<vmem_shared>> -> memref<1000x128xf32, #tpu.memory_space<vmem_shared>>
      tpu.wait_indirect_dma semaphore(%arg30 : memref<!tpu.dma_semaphore, #tpu.memory_space<semaphore_mem>>) src(%arg17 : memref<64x128xf32, #tpu.memory_space<vmem>>) dst(%dma_wait3A_937 : memref<1000x128xf32, #tpu.memory_space<vmem_shared>>)
      %dma_wait3A_938 = arith.constant 0 : i32
      %dma_wait3A_939 = arith.constant 0 : i32
      %dma_wait3A_940 = tpu.memref_slice %arg23[%dma_wait3A_938, %dma_wait3A_939] : memref<1000x128xf32, #tpu.memory_space<vmem_shared>> -> memref<1000x128xf32, #tpu.memory_space<vmem_shared>>
      tpu.wait_indirect_dma semaphore(%arg30 : memref<!tpu.dma_semaphore, #tpu.memory_space<semaphore_mem>>) src(%arg18 : memref<64x128xf32, #tpu.memory_space<vmem>>) dst(%dma_wait3A_940 : memref<1000x128xf32, #tpu.memory_space<vmem_shared>>)
      %add3A_941 = arith.constant 3 : i32
      %add3A_942 = arith.addi %add3A_551, %add3A_941 : i32
      %mul3A_943 = arith.constant 64 : i32
      %mul3A_944 = arith.muli %add3A_942, %mul3A_943 : i32
      %add3A_945 = arith.addi %mul3A_4, %mul3A_944 : i32
      %dma_start3A_946 = arith.constant 0 : i32
      %dma_start3A_947 = tpu.memref_slice %arg5[%add3A_945, %dma_start3A_946] : memref<65536x256xf32, #tpu.memory_space<hbm>> -> memref<64x128xf32, #tpu.memory_space<hbm>>
      %dma_start3A_948 = arith.constant 0 : i32
      %dma_start3A_949 = tpu.memref_slice %arg5[%add3A_945, %dma_start3A_948] : memref<65536x256xf32, #tpu.memory_space<hbm>> -> memref<64x128xf32, #tpu.memory_space<hbm>>
      tpu.enqueue_dma source(%dma_start3A_949 : memref<64x128xf32, #tpu.memory_space<hbm>>) target(%arg17 : memref<64x128xf32, #tpu.memory_space<vmem>>) target_semaphore(%arg29 : memref<!tpu.dma_semaphore, #tpu.memory_space<semaphore_mem>>)
      %mul3A_950 = arith.constant 64 : i32
      %mul3A_951 = arith.muli %add3A_942, %mul3A_950 : i32
      %add3A_952 = arith.addi %mul3A_4, %mul3A_951 : i32
      %dma_start3A_953 = arith.constant 128 : i32
      %dma_start3A_954 = tpu.memref_slice %arg5[%add3A_952, %dma_start3A_953] : memref<65536x256xf32, #tpu.memory_space<hbm>> -> memref<64x128xf32, #tpu.memory_space<hbm>>
      %dma_start3A_955 = arith.constant 128 : i32
      %dma_start3A_956 = tpu.memref_slice %arg5[%add3A_952, %dma_start3A_955] : memref<65536x256xf32, #tpu.memory_space<hbm>> -> memref<64x128xf32, #tpu.memory_space<hbm>>
      tpu.enqueue_dma source(%dma_start3A_956 : memref<64x128xf32, #tpu.memory_space<hbm>>) target(%arg18 : memref<64x128xf32, #tpu.memory_space<vmem>>) target_semaphore(%arg29 : memref<!tpu.dma_semaphore, #tpu.memory_space<semaphore_mem>>)
      %dma_wait3A_957 = arith.constant 0 : i32
      %dma_wait3A_958 = tpu.memref_slice %arg3[%dma_wait3A_957] : memref<65536xi32, #tpu.memory_space<hbm>> -> memref<64xi32, #tpu.memory_space<hbm>>
      %dma_wait3A_959 = arith.constant 0 : i32
      %dma_wait3A_960 = tpu.memref_slice %arg3[%dma_wait3A_959] : memref<65536xi32, #tpu.memory_space<hbm>> -> memref<64xi32, #tpu.memory_space<hbm>>
      tpu.wait_dma2 semaphore(%arg29 : memref<!tpu.dma_semaphore, #tpu.memory_space<semaphore_mem>>) src(%dma_wait3A_960 : memref<64xi32, #tpu.memory_space<hbm>>) dst(%arg12 : memref<64xi32, #tpu.memory_space<vmem>>)
      %dma_wait3A_961 = arith.constant 0 : i32
      %dma_wait3A_962 = arith.constant 0 : i32
      %dma_wait3A_963 = tpu.memref_slice %arg4[%dma_wait3A_961, %dma_wait3A_962] : memref<65536x256xf32, #tpu.memory_space<hbm>> -> memref<64x128xf32, #tpu.memory_space<hbm>>
      %dma_wait3A_964 = arith.constant 0 : i32
      %dma_wait3A_965 = arith.constant 0 : i32
      %dma_wait3A_966 = tpu.memref_slice %arg4[%dma_wait3A_964, %dma_wait3A_965] : memref<65536x256xf32, #tpu.memory_space<hbm>> -> memref<64x128xf32, #tpu.memory_space<hbm>>
      tpu.wait_dma2 semaphore(%arg29 : memref<!tpu.dma_semaphore, #tpu.memory_space<semaphore_mem>>) src(%dma_wait3A_966 : memref<64x128xf32, #tpu.memory_space<hbm>>) dst(%arg15 : memref<64x128xf32, #tpu.memory_space<vmem>>)
      %dma_wait3A_967 = arith.constant 0 : i32
      %dma_wait3A_968 = arith.constant 128 : i32
      %dma_wait3A_969 = tpu.memref_slice %arg4[%dma_wait3A_967, %dma_wait3A_968] : memref<65536x256xf32, #tpu.memory_space<hbm>> -> memref<64x128xf32, #tpu.memory_space<hbm>>
      %dma_wait3A_970 = arith.constant 0 : i32
      %dma_wait3A_971 = arith.constant 128 : i32
      %dma_wait3A_972 = tpu.memref_slice %arg4[%dma_wait3A_970, %dma_wait3A_971] : memref<65536x256xf32, #tpu.memory_space<hbm>> -> memref<64x128xf32, #tpu.memory_space<hbm>>
      tpu.wait_dma2 semaphore(%arg29 : memref<!tpu.dma_semaphore, #tpu.memory_space<semaphore_mem>>) src(%dma_wait3A_972 : memref<64x128xf32, #tpu.memory_space<hbm>>) dst(%arg16 : memref<64x128xf32, #tpu.memory_space<vmem>>)
      %dma_start3A_973 = arith.constant 0 : i32
      %dma_start3A_974 = arith.constant 0 : i32
      %dma_start3A_975 = tpu.memref_slice %arg22[%dma_start3A_973, %dma_start3A_974] : memref<1000x128xf32, #tpu.memory_space<vmem_shared>> -> memref<1000x128xf32, #tpu.memory_space<vmem_shared>>
      tpu.enqueue_indirect_dma source(%arg15 : memref<64x128xf32, #tpu.memory_space<vmem>>) target(%dma_start3A_975 : memref<1000x128xf32, #tpu.memory_space<vmem_shared>>) offsets(%arg12 : memref<64xi32, #tpu.memory_space<vmem>>) semaphore(%arg30 : memref<!tpu.dma_semaphore, #tpu.memory_space<semaphore_mem>>) {add = true}
      %dma_start3A_976 = arith.constant 0 : i32
      %dma_start3A_977 = arith.constant 0 : i32
      %dma_start3A_978 = tpu.memref_slice %arg23[%dma_start3A_976, %dma_start3A_977] : memref<1000x128xf32, #tpu.memory_space<vmem_shared>> -> memref<1000x128xf32, #tpu.memory_space<vmem_shared>>
      tpu.enqueue_indirect_dma source(%arg16 : memref<64x128xf32, #tpu.memory_space<vmem>>) target(%dma_start3A_978 : memref<1000x128xf32, #tpu.memory_space<vmem_shared>>) offsets(%arg12 : memref<64xi32, #tpu.memory_space<vmem>>) semaphore(%arg30 : memref<!tpu.dma_semaphore, #tpu.memory_space<semaphore_mem>>) {add = true}
      %dma_wait3A_979 = arith.constant 0 : i32
      %dma_wait3A_980 = arith.constant 0 : i32
      %dma_wait3A_981 = tpu.memref_slice %arg24[%dma_wait3A_979, %dma_wait3A_980] : memref<1000x128xf32, #tpu.memory_space<vmem_shared>> -> memref<1000x128xf32, #tpu.memory_space<vmem_shared>>
      tpu.wait_indirect_dma semaphore(%arg30 : memref<!tpu.dma_semaphore, #tpu.memory_space<semaphore_mem>>) src(%arg19 : memref<64x128xf32, #tpu.memory_space<vmem>>) dst(%dma_wait3A_981 : memref<1000x128xf32, #tpu.memory_space<vmem_shared>>)
      %dma_wait3A_982 = arith.constant 0 : i32
      %dma_wait3A_983 = arith.constant 0 : i32
      %dma_wait3A_984 = tpu.memref_slice %arg25[%dma_wait3A_982, %dma_wait3A_983] : memref<1000x128xf32, #tpu.memory_space<vmem_shared>> -> memref<1000x128xf32, #tpu.memory_space<vmem_shared>>
      tpu.wait_indirect_dma semaphore(%arg30 : memref<!tpu.dma_semaphore, #tpu.memory_space<semaphore_mem>>) src(%arg20 : memref<64x128xf32, #tpu.memory_space<vmem>>) dst(%dma_wait3A_984 : memref<1000x128xf32, #tpu.memory_space<vmem_shared>>)
      %add3A_985 = arith.constant 3 : i32
      %add3A_986 = arith.addi %add3A_551, %add3A_985 : i32
      %mul3A_987 = arith.constant 64 : i32
      %mul3A_988 = arith.muli %add3A_986, %mul3A_987 : i32
      %add3A_989 = arith.addi %mul3A_4, %mul3A_988 : i32
      %dma_start3A_990 = arith.constant 0 : i32
      %dma_start3A_991 = tpu.memref_slice %arg6[%add3A_989, %dma_start3A_990] : memref<65536x256xf32, #tpu.memory_space<hbm>> -> memref<64x128xf32, #tpu.memory_space<hbm>>
      %dma_start3A_992 = arith.constant 0 : i32
      %dma_start3A_993 = tpu.memref_slice %arg6[%add3A_989, %dma_start3A_992] : memref<65536x256xf32, #tpu.memory_space<hbm>> -> memref<64x128xf32, #tpu.memory_space<hbm>>
      tpu.enqueue_dma source(%dma_start3A_993 : memref<64x128xf32, #tpu.memory_space<hbm>>) target(%arg19 : memref<64x128xf32, #tpu.memory_space<vmem>>) target_semaphore(%arg29 : memref<!tpu.dma_semaphore, #tpu.memory_space<semaphore_mem>>)
      %mul3A_994 = arith.constant 64 : i32
      %mul3A_995 = arith.muli %add3A_986, %mul3A_994 : i32
      %add3A_996 = arith.addi %mul3A_4, %mul3A_995 : i32
      %dma_start3A_997 = arith.constant 128 : i32
      %dma_start3A_998 = tpu.memref_slice %arg6[%add3A_996, %dma_start3A_997] : memref<65536x256xf32, #tpu.memory_space<hbm>> -> memref<64x128xf32, #tpu.memory_space<hbm>>
      %dma_start3A_999 = arith.constant 128 : i32
      %dma_start3A_1000 = tpu.memref_slice %arg6[%add3A_996, %dma_start3A_999] : memref<65536x256xf32, #tpu.memory_space<hbm>> -> memref<64x128xf32, #tpu.memory_space<hbm>>
      tpu.enqueue_dma source(%dma_start3A_1000 : memref<64x128xf32, #tpu.memory_space<hbm>>) target(%arg20 : memref<64x128xf32, #tpu.memory_space<vmem>>) target_semaphore(%arg29 : memref<!tpu.dma_semaphore, #tpu.memory_space<semaphore_mem>>)
      %dma_wait3A_1001 = arith.constant 0 : i32
      %dma_wait3A_1002 = arith.constant 0 : i32
      %dma_wait3A_1003 = tpu.memref_slice %arg5[%dma_wait3A_1001, %dma_wait3A_1002] : memref<65536x256xf32, #tpu.memory_space<hbm>> -> memref<64x128xf32, #tpu.memory_space<hbm>>
      %dma_wait3A_1004 = arith.constant 0 : i32
      %dma_wait3A_1005 = arith.constant 0 : i32
      %dma_wait3A_1006 = tpu.memref_slice %arg5[%dma_wait3A_1004, %dma_wait3A_1005] : memref<65536x256xf32, #tpu.memory_space<hbm>> -> memref<64x128xf32, #tpu.memory_space<hbm>>
      tpu.wait_dma2 semaphore(%arg29 : memref<!tpu.dma_semaphore, #tpu.memory_space<semaphore_mem>>) src(%dma_wait3A_1006 : memref<64x128xf32, #tpu.memory_space<hbm>>) dst(%arg17 : memref<64x128xf32, #tpu.memory_space<vmem>>)
      %dma_wait3A_1007 = arith.constant 0 : i32
      %dma_wait3A_1008 = arith.constant 128 : i32
      %dma_wait3A_1009 = tpu.memref_slice %arg5[%dma_wait3A_1007, %dma_wait3A_1008] : memref<65536x256xf32, #tpu.memory_space<hbm>> -> memref<64x128xf32, #tpu.memory_space<hbm>>
      %dma_wait3A_1010 = arith.constant 0 : i32
      %dma_wait3A_1011 = arith.constant 128 : i32
      %dma_wait3A_1012 = tpu.memref_slice %arg5[%dma_wait3A_1010, %dma_wait3A_1011] : memref<65536x256xf32, #tpu.memory_space<hbm>> -> memref<64x128xf32, #tpu.memory_space<hbm>>
      tpu.wait_dma2 semaphore(%arg29 : memref<!tpu.dma_semaphore, #tpu.memory_space<semaphore_mem>>) src(%dma_wait3A_1012 : memref<64x128xf32, #tpu.memory_space<hbm>>) dst(%arg18 : memref<64x128xf32, #tpu.memory_space<vmem>>)
      %dma_start3A_1013 = arith.constant 0 : i32
      %dma_start3A_1014 = arith.constant 0 : i32
      %dma_start3A_1015 = tpu.memref_slice %arg24[%dma_start3A_1013, %dma_start3A_1014] : memref<1000x128xf32, #tpu.memory_space<vmem_shared>> -> memref<1000x128xf32, #tpu.memory_space<vmem_shared>>
      tpu.enqueue_indirect_dma source(%arg17 : memref<64x128xf32, #tpu.memory_space<vmem>>) target(%dma_start3A_1015 : memref<1000x128xf32, #tpu.memory_space<vmem_shared>>) offsets(%arg12 : memref<64xi32, #tpu.memory_space<vmem>>) semaphore(%arg30 : memref<!tpu.dma_semaphore, #tpu.memory_space<semaphore_mem>>) {add = true}
      %dma_start3A_1016 = arith.constant 0 : i32
      %dma_start3A_1017 = arith.constant 0 : i32
      %dma_start3A_1018 = tpu.memref_slice %arg25[%dma_start3A_1016, %dma_start3A_1017] : memref<1000x128xf32, #tpu.memory_space<vmem_shared>> -> memref<1000x128xf32, #tpu.memory_space<vmem_shared>>
      tpu.enqueue_indirect_dma source(%arg18 : memref<64x128xf32, #tpu.memory_space<vmem>>) target(%dma_start3A_1018 : memref<1000x128xf32, #tpu.memory_space<vmem_shared>>) offsets(%arg12 : memref<64xi32, #tpu.memory_space<vmem>>) semaphore(%arg30 : memref<!tpu.dma_semaphore, #tpu.memory_space<semaphore_mem>>) {add = true}
      %dma_wait3A_1019 = arith.constant 0 : i32
      %dma_wait3A_1020 = arith.constant 0 : i32
      %dma_wait3A_1021 = tpu.memref_slice %arg26[%dma_wait3A_1019, %dma_wait3A_1020] : memref<1000x128xf32, #tpu.memory_space<vmem_shared>> -> memref<1000x128xf32, #tpu.memory_space<vmem_shared>>
      tpu.wait_indirect_dma semaphore(%arg30 : memref<!tpu.dma_semaphore, #tpu.memory_space<semaphore_mem>>) src(%arg13 : memref<64x128xf32, #tpu.memory_space<vmem>>) dst(%dma_wait3A_1021 : memref<1000x128xf32, #tpu.memory_space<vmem_shared>>)
      %dma_wait3A_1022 = arith.constant 0 : i32
      %dma_wait3A_1023 = arith.constant 0 : i32
      %dma_wait3A_1024 = tpu.memref_slice %arg27[%dma_wait3A_1022, %dma_wait3A_1023] : memref<1000x128xf32, #tpu.memory_space<vmem_shared>> -> memref<1000x128xf32, #tpu.memory_space<vmem_shared>>
      tpu.wait_indirect_dma semaphore(%arg30 : memref<!tpu.dma_semaphore, #tpu.memory_space<semaphore_mem>>) src(%arg14 : memref<64x128xf32, #tpu.memory_space<vmem>>) dst(%dma_wait3A_1024 : memref<1000x128xf32, #tpu.memory_space<vmem_shared>>)
      %dma_wait3A_1025 = arith.constant 0 : i32
      %dma_wait3A_1026 = arith.constant 0 : i32
      %dma_wait3A_1027 = tpu.memref_slice %arg28[%dma_wait3A_1025, %dma_wait3A_1026] : memref<1000x128xf32, #tpu.memory_space<vmem_shared>> -> memref<1000x128xf32, #tpu.memory_space<vmem_shared>>
      tpu.wait_indirect_dma semaphore(%arg30 : memref<!tpu.dma_semaphore, #tpu.memory_space<semaphore_mem>>) src(%arg21 : memref<64x128xf32, #tpu.memory_space<vmem>>) dst(%dma_wait3A_1027 : memref<1000x128xf32, #tpu.memory_space<vmem_shared>>)
      %add3A_1028 = arith.constant 4 : i32
      %add3A_1029 = arith.addi %add3A_551, %add3A_1028 : i32
      %lt3A_1030 = arith.constant 32 : i32
      %lt3A_1031 = arith.cmpi slt, %add3A_1029, %lt3A_1030 : i32
      %convert_element_type3A_1032 = arith.extui %lt3A_1031 : i1 to i32
      %cond3A_1033 = arith.constant 0 : i32
      %cond3A_1034 = arith.cmpi ne, %convert_element_type3A_1032, %cond3A_1033 : i32
      scf.if %cond3A_1034 {
        %add3A_1069 = arith.constant 4 : i32
        %add3A_1070 = arith.addi %add3A_551, %add3A_1069 : i32
        %add3A_1071 = arith.constant 0 : i32
        %add3A_1072 = arith.addi %add3A_1070, %add3A_1071 : i32
        %mul3A_1073 = arith.constant 64 : i32
        %mul3A_1074 = arith.muli %add3A_1072, %mul3A_1073 : i32
        %add3A_1075 = arith.addi %mul3A_4, %mul3A_1074 : i32
        %dma_start3A_1076 = tpu.memref_slice %arg3[%add3A_1075] : memref<65536xi32, #tpu.memory_space<hbm>> -> memref<64xi32, #tpu.memory_space<hbm>>
        %dma_start3A_1077 = tpu.memref_slice %arg3[%add3A_1075] : memref<65536xi32, #tpu.memory_space<hbm>> -> memref<64xi32, #tpu.memory_space<hbm>>
        tpu.enqueue_dma source(%dma_start3A_1077 : memref<64xi32, #tpu.memory_space<hbm>>) target(%arg11 : memref<64xi32, #tpu.memory_space<vmem>>) target_semaphore(%arg29 : memref<!tpu.dma_semaphore, #tpu.memory_space<semaphore_mem>>)
        %mul3A_1078 = arith.constant 64 : i32
        %mul3A_1079 = arith.muli %add3A_1072, %mul3A_1078 : i32
        %add3A_1080 = arith.addi %mul3A_4, %mul3A_1079 : i32
        %dma_start3A_1081 = arith.constant 0 : i32
        %dma_start3A_1082 = tpu.memref_slice %arg4[%add3A_1080, %dma_start3A_1081] : memref<65536x256xf32, #tpu.memory_space<hbm>> -> memref<64x128xf32, #tpu.memory_space<hbm>>
        %dma_start3A_1083 = arith.constant 0 : i32
        %dma_start3A_1084 = tpu.memref_slice %arg4[%add3A_1080, %dma_start3A_1083] : memref<65536x256xf32, #tpu.memory_space<hbm>> -> memref<64x128xf32, #tpu.memory_space<hbm>>
        tpu.enqueue_dma source(%dma_start3A_1084 : memref<64x128xf32, #tpu.memory_space<hbm>>) target(%arg13 : memref<64x128xf32, #tpu.memory_space<vmem>>) target_semaphore(%arg29 : memref<!tpu.dma_semaphore, #tpu.memory_space<semaphore_mem>>)
        %mul3A_1085 = arith.constant 64 : i32
        %mul3A_1086 = arith.muli %add3A_1072, %mul3A_1085 : i32
        %add3A_1087 = arith.addi %mul3A_4, %mul3A_1086 : i32
        %dma_start3A_1088 = arith.constant 128 : i32
        %dma_start3A_1089 = tpu.memref_slice %arg4[%add3A_1087, %dma_start3A_1088] : memref<65536x256xf32, #tpu.memory_space<hbm>> -> memref<64x128xf32, #tpu.memory_space<hbm>>
        %dma_start3A_1090 = arith.constant 128 : i32
        %dma_start3A_1091 = tpu.memref_slice %arg4[%add3A_1087, %dma_start3A_1090] : memref<65536x256xf32, #tpu.memory_space<hbm>> -> memref<64x128xf32, #tpu.memory_space<hbm>>
        tpu.enqueue_dma source(%dma_start3A_1091 : memref<64x128xf32, #tpu.memory_space<hbm>>) target(%arg14 : memref<64x128xf32, #tpu.memory_space<vmem>>) target_semaphore(%arg29 : memref<!tpu.dma_semaphore, #tpu.memory_space<semaphore_mem>>)
      } else {
      }
      %dma_wait3A_1035 = arith.constant 0 : i32
      %dma_wait3A_1036 = arith.constant 0 : i32
      %dma_wait3A_1037 = tpu.memref_slice %arg6[%dma_wait3A_1035, %dma_wait3A_1036] : memref<65536x256xf32, #tpu.memory_space<hbm>> -> memref<64x128xf32, #tpu.memory_space<hbm>>
      %dma_wait3A_1038 = arith.constant 0 : i32
      %dma_wait3A_1039 = arith.constant 0 : i32
      %dma_wait3A_1040 = tpu.memref_slice %arg6[%dma_wait3A_1038, %dma_wait3A_1039] : memref<65536x256xf32, #tpu.memory_space<hbm>> -> memref<64x128xf32, #tpu.memory_space<hbm>>
      tpu.wait_dma2 semaphore(%arg29 : memref<!tpu.dma_semaphore, #tpu.memory_space<semaphore_mem>>) src(%dma_wait3A_1040 : memref<64x128xf32, #tpu.memory_space<hbm>>) dst(%arg19 : memref<64x128xf32, #tpu.memory_space<vmem>>)
      %dma_wait3A_1041 = arith.constant 0 : i32
      %dma_wait3A_1042 = arith.constant 128 : i32
      %dma_wait3A_1043 = tpu.memref_slice %arg6[%dma_wait3A_1041, %dma_wait3A_1042] : memref<65536x256xf32, #tpu.memory_space<hbm>> -> memref<64x128xf32, #tpu.memory_space<hbm>>
      %dma_wait3A_1044 = arith.constant 0 : i32
      %dma_wait3A_1045 = arith.constant 128 : i32
      %dma_wait3A_1046 = tpu.memref_slice %arg6[%dma_wait3A_1044, %dma_wait3A_1045] : memref<65536x256xf32, #tpu.memory_space<hbm>> -> memref<64x128xf32, #tpu.memory_space<hbm>>
      tpu.wait_dma2 semaphore(%arg29 : memref<!tpu.dma_semaphore, #tpu.memory_space<semaphore_mem>>) src(%dma_wait3A_1046 : memref<64x128xf32, #tpu.memory_space<hbm>>) dst(%arg20 : memref<64x128xf32, #tpu.memory_space<vmem>>)
      %dma_start3A_1047 = arith.constant 0 : i32
      %dma_start3A_1048 = arith.constant 0 : i32
      %dma_start3A_1049 = tpu.memref_slice %arg26[%dma_start3A_1047, %dma_start3A_1048] : memref<1000x128xf32, #tpu.memory_space<vmem_shared>> -> memref<1000x128xf32, #tpu.memory_space<vmem_shared>>
      tpu.enqueue_indirect_dma source(%arg19 : memref<64x128xf32, #tpu.memory_space<vmem>>) target(%dma_start3A_1049 : memref<1000x128xf32, #tpu.memory_space<vmem_shared>>) offsets(%arg12 : memref<64xi32, #tpu.memory_space<vmem>>) semaphore(%arg30 : memref<!tpu.dma_semaphore, #tpu.memory_space<semaphore_mem>>) {add = true}
      %dma_start3A_1050 = arith.constant 0 : i32
      %dma_start3A_1051 = arith.constant 0 : i32
      %dma_start3A_1052 = tpu.memref_slice %arg27[%dma_start3A_1050, %dma_start3A_1051] : memref<1000x128xf32, #tpu.memory_space<vmem_shared>> -> memref<1000x128xf32, #tpu.memory_space<vmem_shared>>
      tpu.enqueue_indirect_dma source(%arg20 : memref<64x128xf32, #tpu.memory_space<vmem>>) target(%dma_start3A_1052 : memref<1000x128xf32, #tpu.memory_space<vmem_shared>>) offsets(%arg12 : memref<64xi32, #tpu.memory_space<vmem>>) semaphore(%arg30 : memref<!tpu.dma_semaphore, #tpu.memory_space<semaphore_mem>>) {add = true}
      %dma_start3A_1053 = arith.constant 0 : i32
      %dma_start3A_1054 = arith.constant 0 : i32
      %dma_start3A_1055 = tpu.memref_slice %arg28[%dma_start3A_1053, %dma_start3A_1054] : memref<1000x128xf32, #tpu.memory_space<vmem_shared>> -> memref<1000x128xf32, #tpu.memory_space<vmem_shared>>
      tpu.enqueue_indirect_dma source(%arg21 : memref<64x128xf32, #tpu.memory_space<vmem>>) target(%dma_start3A_1055 : memref<1000x128xf32, #tpu.memory_space<vmem_shared>>) offsets(%arg12 : memref<64xi32, #tpu.memory_space<vmem>>) semaphore(%arg30 : memref<!tpu.dma_semaphore, #tpu.memory_space<semaphore_mem>>) {add = true}
      %dma_wait3A_1056 = arith.constant 0 : i32
      %dma_wait3A_1057 = arith.constant 0 : i32
      %dma_wait3A_1058 = tpu.memref_slice %arg22[%dma_wait3A_1056, %dma_wait3A_1057] : memref<1000x128xf32, #tpu.memory_space<vmem_shared>> -> memref<1000x128xf32, #tpu.memory_space<vmem_shared>>
      tpu.wait_indirect_dma semaphore(%arg30 : memref<!tpu.dma_semaphore, #tpu.memory_space<semaphore_mem>>) src(%arg15 : memref<64x128xf32, #tpu.memory_space<vmem>>) dst(%dma_wait3A_1058 : memref<1000x128xf32, #tpu.memory_space<vmem_shared>>)
      %dma_wait3A_1059 = arith.constant 0 : i32
      %dma_wait3A_1060 = arith.constant 0 : i32
      %dma_wait3A_1061 = tpu.memref_slice %arg23[%dma_wait3A_1059, %dma_wait3A_1060] : memref<1000x128xf32, #tpu.memory_space<vmem_shared>> -> memref<1000x128xf32, #tpu.memory_space<vmem_shared>>
      tpu.wait_indirect_dma semaphore(%arg30 : memref<!tpu.dma_semaphore, #tpu.memory_space<semaphore_mem>>) src(%arg16 : memref<64x128xf32, #tpu.memory_space<vmem>>) dst(%dma_wait3A_1061 : memref<1000x128xf32, #tpu.memory_space<vmem_shared>>)
      %add3A_1062 = arith.constant 4 : i32
      %add3A_1063 = arith.addi %add3A_551, %add3A_1062 : i32
      %lt3A_1064 = arith.constant 32 : i32
      %lt3A_1065 = arith.cmpi slt, %add3A_1063, %lt3A_1064 : i32
      %convert_element_type3A_1066 = arith.extui %lt3A_1065 : i1 to i32
      %cond3A_1067 = arith.constant 0 : i32
      %cond3A_1068 = arith.cmpi ne, %convert_element_type3A_1066, %cond3A_1067 : i32
      scf.if %cond3A_1068 {
        %add3A_1069 = arith.constant 4 : i32
        %add3A_1070 = arith.addi %add3A_551, %add3A_1069 : i32
        %add3A_1071 = arith.constant 0 : i32
        %add3A_1072 = arith.addi %add3A_1070, %add3A_1071 : i32
        %mul3A_1073 = arith.constant 64 : i32
        %mul3A_1074 = arith.muli %add3A_1072, %mul3A_1073 : i32
        %add3A_1075 = arith.addi %mul3A_4, %mul3A_1074 : i32
        %dma_start3A_1076 = arith.constant 0 : i32
        %dma_start3A_1077 = tpu.memref_slice %arg5[%add3A_1075, %dma_start3A_1076] : memref<65536x256xf32, #tpu.memory_space<hbm>> -> memref<64x128xf32, #tpu.memory_space<hbm>>
        %dma_start3A_1078 = arith.constant 0 : i32
        %dma_start3A_1079 = tpu.memref_slice %arg5[%add3A_1075, %dma_start3A_1078] : memref<65536x256xf32, #tpu.memory_space<hbm>> -> memref<64x128xf32, #tpu.memory_space<hbm>>
        tpu.enqueue_dma source(%dma_start3A_1079 : memref<64x128xf32, #tpu.memory_space<hbm>>) target(%arg15 : memref<64x128xf32, #tpu.memory_space<vmem>>) target_semaphore(%arg29 : memref<!tpu.dma_semaphore, #tpu.memory_space<semaphore_mem>>)
        %mul3A_1080 = arith.constant 64 : i32
        %mul3A_1081 = arith.muli %add3A_1072, %mul3A_1080 : i32
        %add3A_1082 = arith.addi %mul3A_4, %mul3A_1081 : i32
        %dma_start3A_1083 = arith.constant 128 : i32
        %dma_start3A_1084 = tpu.memref_slice %arg5[%add3A_1082, %dma_start3A_1083] : memref<65536x256xf32, #tpu.memory_space<hbm>> -> memref<64x128xf32, #tpu.memory_space<hbm>>
        %dma_start3A_1085 = arith.constant 128 : i32
        %dma_start3A_1086 = tpu.memref_slice %arg5[%add3A_1082, %dma_start3A_1085] : memref<65536x256xf32, #tpu.memory_space<hbm>> -> memref<64x128xf32, #tpu.memory_space<hbm>>
        tpu.enqueue_dma source(%dma_start3A_1086 : memref<64x128xf32, #tpu.memory_space<hbm>>) target(%arg16 : memref<64x128xf32, #tpu.memory_space<vmem>>) target_semaphore(%arg29 : memref<!tpu.dma_semaphore, #tpu.memory_space<semaphore_mem>>)
      } else {
      }
    }
    %scan3A_520 = arith.constant 7 : i32
    %dma_wait3A_521 = arith.constant 0 : i32
    %dma_wait3A_522 = arith.constant 0 : i32
    %dma_wait3A_523 = tpu.memref_slice %arg24[%dma_wait3A_521, %dma_wait3A_522] : memref<1000x128xf32, #tpu.memory_space<vmem_shared>> -> memref<1000x128xf32, #tpu.memory_space<vmem_shared>>
    tpu.wait_indirect_dma semaphore(%arg30 : memref<!tpu.dma_semaphore, #tpu.memory_space<semaphore_mem>>) src(%arg17 : memref<64x128xf32, #tpu.memory_space<vmem>>) dst(%dma_wait3A_523 : memref<1000x128xf32, #tpu.memory_space<vmem_shared>>)
    %dma_wait3A_524 = arith.constant 0 : i32
    %dma_wait3A_525 = arith.constant 0 : i32
    %dma_wait3A_526 = tpu.memref_slice %arg25[%dma_wait3A_524, %dma_wait3A_525] : memref<1000x128xf32, #tpu.memory_space<vmem_shared>> -> memref<1000x128xf32, #tpu.memory_space<vmem_shared>>
    tpu.wait_indirect_dma semaphore(%arg30 : memref<!tpu.dma_semaphore, #tpu.memory_space<semaphore_mem>>) src(%arg18 : memref<64x128xf32, #tpu.memory_space<vmem>>) dst(%dma_wait3A_526 : memref<1000x128xf32, #tpu.memory_space<vmem_shared>>)
    %dma_wait3A_527 = arith.constant 0 : i32
    %dma_wait3A_528 = arith.constant 0 : i32
    %dma_wait3A_529 = tpu.memref_slice %arg26[%dma_wait3A_527, %dma_wait3A_528] : memref<1000x128xf32, #tpu.memory_space<vmem_shared>> -> memref<1000x128xf32, #tpu.memory_space<vmem_shared>>
    tpu.wait_indirect_dma semaphore(%arg30 : memref<!tpu.dma_semaphore, #tpu.memory_space<semaphore_mem>>) src(%arg19 : memref<64x128xf32, #tpu.memory_space<vmem>>) dst(%dma_wait3A_529 : memref<1000x128xf32, #tpu.memory_space<vmem_shared>>)
    %dma_wait3A_530 = arith.constant 0 : i32
    %dma_wait3A_531 = arith.constant 0 : i32
    %dma_wait3A_532 = tpu.memref_slice %arg27[%dma_wait3A_530, %dma_wait3A_531] : memref<1000x128xf32, #tpu.memory_space<vmem_shared>> -> memref<1000x128xf32, #tpu.memory_space<vmem_shared>>
    tpu.wait_indirect_dma semaphore(%arg30 : memref<!tpu.dma_semaphore, #tpu.memory_space<semaphore_mem>>) src(%arg20 : memref<64x128xf32, #tpu.memory_space<vmem>>) dst(%dma_wait3A_532 : memref<1000x128xf32, #tpu.memory_space<vmem_shared>>)
    %dma_wait3A_533 = arith.constant 0 : i32
    %dma_wait3A_534 = arith.constant 0 : i32
    %dma_wait3A_535 = tpu.memref_slice %arg28[%dma_wait3A_533, %dma_wait3A_534] : memref<1000x128xf32, #tpu.memory_space<vmem_shared>> -> memref<1000x128xf32, #tpu.memory_space<vmem_shared>>
    tpu.wait_indirect_dma semaphore(%arg30 : memref<!tpu.dma_semaphore, #tpu.memory_space<semaphore_mem>>) src(%arg21 : memref<64x128xf32, #tpu.memory_space<vmem>>) dst(%dma_wait3A_535 : memref<1000x128xf32, #tpu.memory_space<vmem_shared>>)
    %barrier3A_536 = arith.constant 0 : index
    tpu.barrier barrier_id(%barrier3A_536)
    %lt3A_537 = arith.constant 15 : i32
    %lt3A_538 = arith.cmpi slt, %arg1, %lt3A_537 : i32
    %convert_element_type3A_539 = arith.extui %lt3A_538 : i1 to i32
    %cond3A_540 = arith.constant 0 : i32
    %cond3A_541 = arith.cmpi ne, %convert_element_type3A_539, %cond3A_540 : i32
    scf.if %cond3A_541 {
      "tpu.region"() ({
        %run_scoped3A = tpu.sem_alloc : memref<!tpu.dma_semaphore, #tpu.memory_space<semaphore_mem>>
        %dma_start3A_547 = arith.constant 0 : i32
        %dma_start3A_548 = tpu.memref_slice %arg7[%arg0, %mul3A_2, %dma_start3A_547] : memref<2x1000x256xf32, #tpu.memory_space<hbm>> -> memref<1x64x128xf32, #tpu.memory_space<hbm>>
        %dma_start3A_549 = tpu.memref_squeeze %dma_start3A_548 : memref<1x64x128xf32, #tpu.memory_space<hbm>> -> memref<64x128xf32, #tpu.memory_space<hbm>>
        %dma_start3A_550 = arith.constant 0 : i32
        %dma_start3A_551 = tpu.memref_slice %arg22[%mul3A_2, %dma_start3A_550] : memref<1000x128xf32, #tpu.memory_space<vmem_shared>> -> memref<64x128xf32, #tpu.memory_space<vmem_shared>>
        tpu.enqueue_dma source(%dma_start3A_551 : memref<64x128xf32, #tpu.memory_space<vmem_shared>>) target(%dma_start3A_549 : memref<64x128xf32, #tpu.memory_space<hbm>>) target_semaphore(%run_scoped3A : memref<!tpu.dma_semaphore, #tpu.memory_space<semaphore_mem>>)
        %dma_wait3A_552 = arith.constant 0 : i32
        %dma_wait3A_553 = tpu.memref_slice %arg7[%arg0, %mul3A_2, %dma_wait3A_552] : memref<2x1000x256xf32, #tpu.memory_space<hbm>> -> memref<1x64x128xf32, #tpu.memory_space<hbm>>
        %dma_wait3A_554 = tpu.memref_squeeze %dma_wait3A_553 : memref<1x64x128xf32, #tpu.memory_space<hbm>> -> memref<64x128xf32, #tpu.memory_space<hbm>>
        %dma_wait3A_555 = arith.constant 0 : i32
        %dma_wait3A_556 = tpu.memref_slice %arg22[%mul3A_2, %dma_wait3A_555] : memref<1000x128xf32, #tpu.memory_space<vmem_shared>> -> memref<64x128xf32, #tpu.memory_space<vmem_shared>>
        tpu.wait_dma2 semaphore(%run_scoped3A : memref<!tpu.dma_semaphore, #tpu.memory_space<semaphore_mem>>) src(%dma_wait3A_556 : memref<64x128xf32, #tpu.memory_space<vmem_shared>>) dst(%dma_wait3A_554 : memref<64x128xf32, #tpu.memory_space<hbm>>)
        tpu.yield
      }) : () -> ()
      "tpu.region"() ({
        %run_scoped3A = tpu.sem_alloc : memref<!tpu.dma_semaphore, #tpu.memory_space<semaphore_mem>>
        %dma_start3A_547 = arith.constant 128 : i32
        %dma_start3A_548 = tpu.memref_slice %arg7[%arg0, %mul3A_2, %dma_start3A_547] : memref<2x1000x256xf32, #tpu.memory_space<hbm>> -> memref<1x64x128xf32, #tpu.memory_space<hbm>>
        %dma_start3A_549 = tpu.memref_squeeze %dma_start3A_548 : memref<1x64x128xf32, #tpu.memory_space<hbm>> -> memref<64x128xf32, #tpu.memory_space<hbm>>
        %dma_start3A_550 = arith.constant 0 : i32
        %dma_start3A_551 = tpu.memref_slice %arg23[%mul3A_2, %dma_start3A_550] : memref<1000x128xf32, #tpu.memory_space<vmem_shared>> -> memref<64x128xf32, #tpu.memory_space<vmem_shared>>
        tpu.enqueue_dma source(%dma_start3A_551 : memref<64x128xf32, #tpu.memory_space<vmem_shared>>) target(%dma_start3A_549 : memref<64x128xf32, #tpu.memory_space<hbm>>) target_semaphore(%run_scoped3A : memref<!tpu.dma_semaphore, #tpu.memory_space<semaphore_mem>>)
        %dma_wait3A_552 = arith.constant 128 : i32
        %dma_wait3A_553 = tpu.memref_slice %arg7[%arg0, %mul3A_2, %dma_wait3A_552] : memref<2x1000x256xf32, #tpu.memory_space<hbm>> -> memref<1x64x128xf32, #tpu.memory_space<hbm>>
        %dma_wait3A_554 = tpu.memref_squeeze %dma_wait3A_553 : memref<1x64x128xf32, #tpu.memory_space<hbm>> -> memref<64x128xf32, #tpu.memory_space<hbm>>
        %dma_wait3A_555 = arith.constant 0 : i32
        %dma_wait3A_556 = tpu.memref_slice %arg23[%mul3A_2, %dma_wait3A_555] : memref<1000x128xf32, #tpu.memory_space<vmem_shared>> -> memref<64x128xf32, #tpu.memory_space<vmem_shared>>
        tpu.wait_dma2 semaphore(%run_scoped3A : memref<!tpu.dma_semaphore, #tpu.memory_space<semaphore_mem>>) src(%dma_wait3A_556 : memref<64x128xf32, #tpu.memory_space<vmem_shared>>) dst(%dma_wait3A_554 : memref<64x128xf32, #tpu.memory_space<hbm>>)
        tpu.yield
      }) : () -> ()
      "tpu.region"() ({
        %run_scoped3A = tpu.sem_alloc : memref<!tpu.dma_semaphore, #tpu.memory_space<semaphore_mem>>
        %dma_start3A_547 = arith.constant 0 : i32
        %dma_start3A_548 = tpu.memref_slice %arg8[%arg0, %mul3A_2, %dma_start3A_547] : memref<2x1000x256xf32, #tpu.memory_space<hbm>> -> memref<1x64x128xf32, #tpu.memory_space<hbm>>
        %dma_start3A_549 = tpu.memref_squeeze %dma_start3A_548 : memref<1x64x128xf32, #tpu.memory_space<hbm>> -> memref<64x128xf32, #tpu.memory_space<hbm>>
        %dma_start3A_550 = arith.constant 0 : i32
        %dma_start3A_551 = tpu.memref_slice %arg24[%mul3A_2, %dma_start3A_550] : memref<1000x128xf32, #tpu.memory_space<vmem_shared>> -> memref<64x128xf32, #tpu.memory_space<vmem_shared>>
        tpu.enqueue_dma source(%dma_start3A_551 : memref<64x128xf32, #tpu.memory_space<vmem_shared>>) target(%dma_start3A_549 : memref<64x128xf32, #tpu.memory_space<hbm>>) target_semaphore(%run_scoped3A : memref<!tpu.dma_semaphore, #tpu.memory_space<semaphore_mem>>)
        %dma_wait3A_552 = arith.constant 0 : i32
        %dma_wait3A_553 = tpu.memref_slice %arg8[%arg0, %mul3A_2, %dma_wait3A_552] : memref<2x1000x256xf32, #tpu.memory_space<hbm>> -> memref<1x64x128xf32, #tpu.memory_space<hbm>>
        %dma_wait3A_554 = tpu.memref_squeeze %dma_wait3A_553 : memref<1x64x128xf32, #tpu.memory_space<hbm>> -> memref<64x128xf32, #tpu.memory_space<hbm>>
        %dma_wait3A_555 = arith.constant 0 : i32
        %dma_wait3A_556 = tpu.memref_slice %arg24[%mul3A_2, %dma_wait3A_555] : memref<1000x128xf32, #tpu.memory_space<vmem_shared>> -> memref<64x128xf32, #tpu.memory_space<vmem_shared>>
        tpu.wait_dma2 semaphore(%run_scoped3A : memref<!tpu.dma_semaphore, #tpu.memory_space<semaphore_mem>>) src(%dma_wait3A_556 : memref<64x128xf32, #tpu.memory_space<vmem_shared>>) dst(%dma_wait3A_554 : memref<64x128xf32, #tpu.memory_space<hbm>>)
        tpu.yield
      }) : () -> ()
      "tpu.region"() ({
        %run_scoped3A = tpu.sem_alloc : memref<!tpu.dma_semaphore, #tpu.memory_space<semaphore_mem>>
        %dma_start3A_547 = arith.constant 128 : i32
        %dma_start3A_548 = tpu.memref_slice %arg8[%arg0, %mul3A_2, %dma_start3A_547] : memref<2x1000x256xf32, #tpu.memory_space<hbm>> -> memref<1x64x128xf32, #tpu.memory_space<hbm>>
        %dma_start3A_549 = tpu.memref_squeeze %dma_start3A_548 : memref<1x64x128xf32, #tpu.memory_space<hbm>> -> memref<64x128xf32, #tpu.memory_space<hbm>>
        %dma_start3A_550 = arith.constant 0 : i32
        %dma_start3A_551 = tpu.memref_slice %arg25[%mul3A_2, %dma_start3A_550] : memref<1000x128xf32, #tpu.memory_space<vmem_shared>> -> memref<64x128xf32, #tpu.memory_space<vmem_shared>>
        tpu.enqueue_dma source(%dma_start3A_551 : memref<64x128xf32, #tpu.memory_space<vmem_shared>>) target(%dma_start3A_549 : memref<64x128xf32, #tpu.memory_space<hbm>>) target_semaphore(%run_scoped3A : memref<!tpu.dma_semaphore, #tpu.memory_space<semaphore_mem>>)
        %dma_wait3A_552 = arith.constant 128 : i32
        %dma_wait3A_553 = tpu.memref_slice %arg8[%arg0, %mul3A_2, %dma_wait3A_552] : memref<2x1000x256xf32, #tpu.memory_space<hbm>> -> memref<1x64x128xf32, #tpu.memory_space<hbm>>
        %dma_wait3A_554 = tpu.memref_squeeze %dma_wait3A_553 : memref<1x64x128xf32, #tpu.memory_space<hbm>> -> memref<64x128xf32, #tpu.memory_space<hbm>>
        %dma_wait3A_555 = arith.constant 0 : i32
        %dma_wait3A_556 = tpu.memref_slice %arg25[%mul3A_2, %dma_wait3A_555] : memref<1000x128xf32, #tpu.memory_space<vmem_shared>> -> memref<64x128xf32, #tpu.memory_space<vmem_shared>>
        tpu.wait_dma2 semaphore(%run_scoped3A : memref<!tpu.dma_semaphore, #tpu.memory_space<semaphore_mem>>) src(%dma_wait3A_556 : memref<64x128xf32, #tpu.memory_space<vmem_shared>>) dst(%dma_wait3A_554 : memref<64x128xf32, #tpu.memory_space<hbm>>)
        tpu.yield
      }) : () -> ()
      "tpu.region"() ({
        %run_scoped3A = tpu.sem_alloc : memref<!tpu.dma_semaphore, #tpu.memory_space<semaphore_mem>>
        %dma_start3A_547 = arith.constant 0 : i32
        %dma_start3A_548 = tpu.memref_slice %arg9[%arg0, %mul3A_2, %dma_start3A_547] : memref<2x1000x256xf32, #tpu.memory_space<hbm>> -> memref<1x64x128xf32, #tpu.memory_space<hbm>>
        %dma_start3A_549 = tpu.memref_squeeze %dma_start3A_548 : memref<1x64x128xf32, #tpu.memory_space<hbm>> -> memref<64x128xf32, #tpu.memory_space<hbm>>
        %dma_start3A_550 = arith.constant 0 : i32
        %dma_start3A_551 = tpu.memref_slice %arg26[%mul3A_2, %dma_start3A_550] : memref<1000x128xf32, #tpu.memory_space<vmem_shared>> -> memref<64x128xf32, #tpu.memory_space<vmem_shared>>
        tpu.enqueue_dma source(%dma_start3A_551 : memref<64x128xf32, #tpu.memory_space<vmem_shared>>) target(%dma_start3A_549 : memref<64x128xf32, #tpu.memory_space<hbm>>) target_semaphore(%run_scoped3A : memref<!tpu.dma_semaphore, #tpu.memory_space<semaphore_mem>>)
        %dma_wait3A_552 = arith.constant 0 : i32
        %dma_wait3A_553 = tpu.memref_slice %arg9[%arg0, %mul3A_2, %dma_wait3A_552] : memref<2x1000x256xf32, #tpu.memory_space<hbm>> -> memref<1x64x128xf32, #tpu.memory_space<hbm>>
        %dma_wait3A_554 = tpu.memref_squeeze %dma_wait3A_553 : memref<1x64x128xf32, #tpu.memory_space<hbm>> -> memref<64x128xf32, #tpu.memory_space<hbm>>
        %dma_wait3A_555 = arith.constant 0 : i32
        %dma_wait3A_556 = tpu.memref_slice %arg26[%mul3A_2, %dma_wait3A_555] : memref<1000x128xf32, #tpu.memory_space<vmem_shared>> -> memref<64x128xf32, #tpu.memory_space<vmem_shared>>
        tpu.wait_dma2 semaphore(%run_scoped3A : memref<!tpu.dma_semaphore, #tpu.memory_space<semaphore_mem>>) src(%dma_wait3A_556 : memref<64x128xf32, #tpu.memory_space<vmem_shared>>) dst(%dma_wait3A_554 : memref<64x128xf32, #tpu.memory_space<hbm>>)
        tpu.yield
      }) : () -> ()
      "tpu.region"() ({
        %run_scoped3A = tpu.sem_alloc : memref<!tpu.dma_semaphore, #tpu.memory_space<semaphore_mem>>
        %dma_start3A_547 = arith.constant 128 : i32
        %dma_start3A_548 = tpu.memref_slice %arg9[%arg0, %mul3A_2, %dma_start3A_547] : memref<2x1000x256xf32, #tpu.memory_space<hbm>> -> memref<1x64x128xf32, #tpu.memory_space<hbm>>
        %dma_start3A_549 = tpu.memref_squeeze %dma_start3A_548 : memref<1x64x128xf32, #tpu.memory_space<hbm>> -> memref<64x128xf32, #tpu.memory_space<hbm>>
        %dma_start3A_550 = arith.constant 0 : i32
        %dma_start3A_551 = tpu.memref_slice %arg27[%mul3A_2, %dma_start3A_550] : memref<1000x128xf32, #tpu.memory_space<vmem_shared>> -> memref<64x128xf32, #tpu.memory_space<vmem_shared>>
        tpu.enqueue_dma source(%dma_start3A_551 : memref<64x128xf32, #tpu.memory_space<vmem_shared>>) target(%dma_start3A_549 : memref<64x128xf32, #tpu.memory_space<hbm>>) target_semaphore(%run_scoped3A : memref<!tpu.dma_semaphore, #tpu.memory_space<semaphore_mem>>)
        %dma_wait3A_552 = arith.constant 128 : i32
        %dma_wait3A_553 = tpu.memref_slice %arg9[%arg0, %mul3A_2, %dma_wait3A_552] : memref<2x1000x256xf32, #tpu.memory_space<hbm>> -> memref<1x64x128xf32, #tpu.memory_space<hbm>>
        %dma_wait3A_554 = tpu.memref_squeeze %dma_wait3A_553 : memref<1x64x128xf32, #tpu.memory_space<hbm>> -> memref<64x128xf32, #tpu.memory_space<hbm>>
        %dma_wait3A_555 = arith.constant 0 : i32
        %dma_wait3A_556 = tpu.memref_slice %arg27[%mul3A_2, %dma_wait3A_555] : memref<1000x128xf32, #tpu.memory_space<vmem_shared>> -> memref<64x128xf32, #tpu.memory_space<vmem_shared>>
        tpu.wait_dma2 semaphore(%run_scoped3A : memref<!tpu.dma_semaphore, #tpu.memory_space<semaphore_mem>>) src(%dma_wait3A_556 : memref<64x128xf32, #tpu.memory_space<vmem_shared>>) dst(%dma_wait3A_554 : memref<64x128xf32, #tpu.memory_space<hbm>>)
        tpu.yield
      }) : () -> ()
      "tpu.region"() ({
        %run_scoped3A = tpu.sem_alloc : memref<!tpu.dma_semaphore, #tpu.memory_space<semaphore_mem>>
        %dma_start3A_547 = arith.constant 0 : i32
        %dma_start3A_548 = tpu.memref_slice %arg10[%arg0, %mul3A_2, %dma_start3A_547] : memref<2x1000x128xf32, #tpu.memory_space<hbm>> -> memref<1x64x128xf32, #tpu.memory_space<hbm>>
        %dma_start3A_549 = tpu.memref_squeeze %dma_start3A_548 : memref<1x64x128xf32, #tpu.memory_space<hbm>> -> memref<64x128xf32, #tpu.memory_space<hbm>>
        %dma_start3A_550 = arith.constant 0 : i32
        %dma_start3A_551 = tpu.memref_slice %arg28[%mul3A_2, %dma_start3A_550] : memref<1000x128xf32, #tpu.memory_space<vmem_shared>> -> memref<64x128xf32, #tpu.memory_space<vmem_shared>>
        tpu.enqueue_dma source(%dma_start3A_551 : memref<64x128xf32, #tpu.memory_space<vmem_shared>>) target(%dma_start3A_549 : memref<64x128xf32, #tpu.memory_space<hbm>>) target_semaphore(%run_scoped3A : memref<!tpu.dma_semaphore, #tpu.memory_space<semaphore_mem>>)
        %dma_wait3A_552 = arith.constant 0 : i32
        %dma_wait3A_553 = tpu.memref_slice %arg10[%arg0, %mul3A_2, %dma_wait3A_552] : memref<2x1000x128xf32, #tpu.memory_space<hbm>> -> memref<1x64x128xf32, #tpu.memory_space<hbm>>
        %dma_wait3A_554 = tpu.memref_squeeze %dma_wait3A_553 : memref<1x64x128xf32, #tpu.memory_space<hbm>> -> memref<64x128xf32, #tpu.memory_space<hbm>>
        %dma_wait3A_555 = arith.constant 0 : i32
        %dma_wait3A_556 = tpu.memref_slice %arg28[%mul3A_2, %dma_wait3A_555] : memref<1000x128xf32, #tpu.memory_space<vmem_shared>> -> memref<64x128xf32, #tpu.memory_space<vmem_shared>>
        tpu.wait_dma2 semaphore(%run_scoped3A : memref<!tpu.dma_semaphore, #tpu.memory_space<semaphore_mem>>) src(%dma_wait3A_556 : memref<64x128xf32, #tpu.memory_space<vmem_shared>>) dst(%dma_wait3A_554 : memref<64x128xf32, #tpu.memory_space<hbm>>)
        tpu.yield
      }) : () -> ()
    } else {
    }
    %eq3A_542 = arith.constant 15 : i32
    %eq3A_543 = arith.cmpi eq, %arg1, %eq3A_542 : i32
    %convert_element_type3A_544 = arith.extui %eq3A_543 : i1 to i32
    %cond3A_545 = arith.constant 0 : i32
    %cond3A_546 = arith.cmpi ne, %convert_element_type3A_544, %cond3A_545 : i32
    scf.if %cond3A_546 {
      "tpu.region"() ({
        %run_scoped3A = tpu.sem_alloc : memref<!tpu.dma_semaphore, #tpu.memory_space<semaphore_mem>>
        %dma_start3A_547 = arith.constant 960 : i32
        %dma_start3A_548 = arith.constant 0 : i32
        %dma_start3A_549 = tpu.memref_slice %arg7[%arg0, %dma_start3A_547, %dma_start3A_548] : memref<2x1000x256xf32, #tpu.memory_space<hbm>> -> memref<1x40x128xf32, #tpu.memory_space<hbm>>
        %dma_start3A_550 = tpu.memref_squeeze %dma_start3A_549 : memref<1x40x128xf32, #tpu.memory_space<hbm>> -> memref<40x128xf32, #tpu.memory_space<hbm>>
        %dma_start3A_551 = arith.constant 960 : i32
        %dma_start3A_552 = arith.constant 0 : i32
        %dma_start3A_553 = tpu.memref_slice %arg22[%dma_start3A_551, %dma_start3A_552] : memref<1000x128xf32, #tpu.memory_space<vmem_shared>> -> memref<40x128xf32, #tpu.memory_space<vmem_shared>>
        tpu.enqueue_dma source(%dma_start3A_553 : memref<40x128xf32, #tpu.memory_space<vmem_shared>>) target(%dma_start3A_550 : memref<40x128xf32, #tpu.memory_space<hbm>>) target_semaphore(%run_scoped3A : memref<!tpu.dma_semaphore, #tpu.memory_space<semaphore_mem>>)
        %dma_wait3A_554 = arith.constant 960 : i32
        %dma_wait3A_555 = arith.constant 0 : i32
        %dma_wait3A_556 = tpu.memref_slice %arg7[%arg0, %dma_wait3A_554, %dma_wait3A_555] : memref<2x1000x256xf32, #tpu.memory_space<hbm>> -> memref<1x40x128xf32, #tpu.memory_space<hbm>>
        %dma_wait3A_557 = tpu.memref_squeeze %dma_wait3A_556 : memref<1x40x128xf32, #tpu.memory_space<hbm>> -> memref<40x128xf32, #tpu.memory_space<hbm>>
        %dma_wait3A_558 = arith.constant 960 : i32
        %dma_wait3A_559 = arith.constant 0 : i32
        %dma_wait3A_560 = tpu.memref_slice %arg22[%dma_wait3A_558, %dma_wait3A_559] : memref<1000x128xf32, #tpu.memory_space<vmem_shared>> -> memref<40x128xf32, #tpu.memory_space<vmem_shared>>
        tpu.wait_dma2 semaphore(%run_scoped3A : memref<!tpu.dma_semaphore, #tpu.memory_space<semaphore_mem>>) src(%dma_wait3A_560 : memref<40x128xf32, #tpu.memory_space<vmem_shared>>) dst(%dma_wait3A_557 : memref<40x128xf32, #tpu.memory_space<hbm>>)
        tpu.yield
      }) : () -> ()
      "tpu.region"() ({
        %run_scoped3A = tpu.sem_alloc : memref<!tpu.dma_semaphore, #tpu.memory_space<semaphore_mem>>
        %dma_start3A_547 = arith.constant 960 : i32
        %dma_start3A_548 = arith.constant 128 : i32
        %dma_start3A_549 = tpu.memref_slice %arg7[%arg0, %dma_start3A_547, %dma_start3A_548] : memref<2x1000x256xf32, #tpu.memory_space<hbm>> -> memref<1x40x128xf32, #tpu.memory_space<hbm>>
        %dma_start3A_550 = tpu.memref_squeeze %dma_start3A_549 : memref<1x40x128xf32, #tpu.memory_space<hbm>> -> memref<40x128xf32, #tpu.memory_space<hbm>>
        %dma_start3A_551 = arith.constant 960 : i32
        %dma_start3A_552 = arith.constant 0 : i32
        %dma_start3A_553 = tpu.memref_slice %arg23[%dma_start3A_551, %dma_start3A_552] : memref<1000x128xf32, #tpu.memory_space<vmem_shared>> -> memref<40x128xf32, #tpu.memory_space<vmem_shared>>
        tpu.enqueue_dma source(%dma_start3A_553 : memref<40x128xf32, #tpu.memory_space<vmem_shared>>) target(%dma_start3A_550 : memref<40x128xf32, #tpu.memory_space<hbm>>) target_semaphore(%run_scoped3A : memref<!tpu.dma_semaphore, #tpu.memory_space<semaphore_mem>>)
        %dma_wait3A_554 = arith.constant 960 : i32
        %dma_wait3A_555 = arith.constant 128 : i32
        %dma_wait3A_556 = tpu.memref_slice %arg7[%arg0, %dma_wait3A_554, %dma_wait3A_555] : memref<2x1000x256xf32, #tpu.memory_space<hbm>> -> memref<1x40x128xf32, #tpu.memory_space<hbm>>
        %dma_wait3A_557 = tpu.memref_squeeze %dma_wait3A_556 : memref<1x40x128xf32, #tpu.memory_space<hbm>> -> memref<40x128xf32, #tpu.memory_space<hbm>>
        %dma_wait3A_558 = arith.constant 960 : i32
        %dma_wait3A_559 = arith.constant 0 : i32
        %dma_wait3A_560 = tpu.memref_slice %arg23[%dma_wait3A_558, %dma_wait3A_559] : memref<1000x128xf32, #tpu.memory_space<vmem_shared>> -> memref<40x128xf32, #tpu.memory_space<vmem_shared>>
        tpu.wait_dma2 semaphore(%run_scoped3A : memref<!tpu.dma_semaphore, #tpu.memory_space<semaphore_mem>>) src(%dma_wait3A_560 : memref<40x128xf32, #tpu.memory_space<vmem_shared>>) dst(%dma_wait3A_557 : memref<40x128xf32, #tpu.memory_space<hbm>>)
        tpu.yield
      }) : () -> ()
      "tpu.region"() ({
        %run_scoped3A = tpu.sem_alloc : memref<!tpu.dma_semaphore, #tpu.memory_space<semaphore_mem>>
        %dma_start3A_547 = arith.constant 960 : i32
        %dma_start3A_548 = arith.constant 0 : i32
        %dma_start3A_549 = tpu.memref_slice %arg8[%arg0, %dma_start3A_547, %dma_start3A_548] : memref<2x1000x256xf32, #tpu.memory_space<hbm>> -> memref<1x40x128xf32, #tpu.memory_space<hbm>>
        %dma_start3A_550 = tpu.memref_squeeze %dma_start3A_549 : memref<1x40x128xf32, #tpu.memory_space<hbm>> -> memref<40x128xf32, #tpu.memory_space<hbm>>
        %dma_start3A_551 = arith.constant 960 : i32
        %dma_start3A_552 = arith.constant 0 : i32
        %dma_start3A_553 = tpu.memref_slice %arg24[%dma_start3A_551, %dma_start3A_552] : memref<1000x128xf32, #tpu.memory_space<vmem_shared>> -> memref<40x128xf32, #tpu.memory_space<vmem_shared>>
        tpu.enqueue_dma source(%dma_start3A_553 : memref<40x128xf32, #tpu.memory_space<vmem_shared>>) target(%dma_start3A_550 : memref<40x128xf32, #tpu.memory_space<hbm>>) target_semaphore(%run_scoped3A : memref<!tpu.dma_semaphore, #tpu.memory_space<semaphore_mem>>)
        %dma_wait3A_554 = arith.constant 960 : i32
        %dma_wait3A_555 = arith.constant 0 : i32
        %dma_wait3A_556 = tpu.memref_slice %arg8[%arg0, %dma_wait3A_554, %dma_wait3A_555] : memref<2x1000x256xf32, #tpu.memory_space<hbm>> -> memref<1x40x128xf32, #tpu.memory_space<hbm>>
        %dma_wait3A_557 = tpu.memref_squeeze %dma_wait3A_556 : memref<1x40x128xf32, #tpu.memory_space<hbm>> -> memref<40x128xf32, #tpu.memory_space<hbm>>
        %dma_wait3A_558 = arith.constant 960 : i32
        %dma_wait3A_559 = arith.constant 0 : i32
        %dma_wait3A_560 = tpu.memref_slice %arg24[%dma_wait3A_558, %dma_wait3A_559] : memref<1000x128xf32, #tpu.memory_space<vmem_shared>> -> memref<40x128xf32, #tpu.memory_space<vmem_shared>>
        tpu.wait_dma2 semaphore(%run_scoped3A : memref<!tpu.dma_semaphore, #tpu.memory_space<semaphore_mem>>) src(%dma_wait3A_560 : memref<40x128xf32, #tpu.memory_space<vmem_shared>>) dst(%dma_wait3A_557 : memref<40x128xf32, #tpu.memory_space<hbm>>)
        tpu.yield
      }) : () -> ()
      "tpu.region"() ({
        %run_scoped3A = tpu.sem_alloc : memref<!tpu.dma_semaphore, #tpu.memory_space<semaphore_mem>>
        %dma_start3A_547 = arith.constant 960 : i32
        %dma_start3A_548 = arith.constant 128 : i32
        %dma_start3A_549 = tpu.memref_slice %arg8[%arg0, %dma_start3A_547, %dma_start3A_548] : memref<2x1000x256xf32, #tpu.memory_space<hbm>> -> memref<1x40x128xf32, #tpu.memory_space<hbm>>
        %dma_start3A_550 = tpu.memref_squeeze %dma_start3A_549 : memref<1x40x128xf32, #tpu.memory_space<hbm>> -> memref<40x128xf32, #tpu.memory_space<hbm>>
        %dma_start3A_551 = arith.constant 960 : i32
        %dma_start3A_552 = arith.constant 0 : i32
        %dma_start3A_553 = tpu.memref_slice %arg25[%dma_start3A_551, %dma_start3A_552] : memref<1000x128xf32, #tpu.memory_space<vmem_shared>> -> memref<40x128xf32, #tpu.memory_space<vmem_shared>>
        tpu.enqueue_dma source(%dma_start3A_553 : memref<40x128xf32, #tpu.memory_space<vmem_shared>>) target(%dma_start3A_550 : memref<40x128xf32, #tpu.memory_space<hbm>>) target_semaphore(%run_scoped3A : memref<!tpu.dma_semaphore, #tpu.memory_space<semaphore_mem>>)
        %dma_wait3A_554 = arith.constant 960 : i32
        %dma_wait3A_555 = arith.constant 128 : i32
        %dma_wait3A_556 = tpu.memref_slice %arg8[%arg0, %dma_wait3A_554, %dma_wait3A_555] : memref<2x1000x256xf32, #tpu.memory_space<hbm>> -> memref<1x40x128xf32, #tpu.memory_space<hbm>>
        %dma_wait3A_557 = tpu.memref_squeeze %dma_wait3A_556 : memref<1x40x128xf32, #tpu.memory_space<hbm>> -> memref<40x128xf32, #tpu.memory_space<hbm>>
        %dma_wait3A_558 = arith.constant 960 : i32
        %dma_wait3A_559 = arith.constant 0 : i32
        %dma_wait3A_560 = tpu.memref_slice %arg25[%dma_wait3A_558, %dma_wait3A_559] : memref<1000x128xf32, #tpu.memory_space<vmem_shared>> -> memref<40x128xf32, #tpu.memory_space<vmem_shared>>
        tpu.wait_dma2 semaphore(%run_scoped3A : memref<!tpu.dma_semaphore, #tpu.memory_space<semaphore_mem>>) src(%dma_wait3A_560 : memref<40x128xf32, #tpu.memory_space<vmem_shared>>) dst(%dma_wait3A_557 : memref<40x128xf32, #tpu.memory_space<hbm>>)
        tpu.yield
      }) : () -> ()
      "tpu.region"() ({
        %run_scoped3A = tpu.sem_alloc : memref<!tpu.dma_semaphore, #tpu.memory_space<semaphore_mem>>
        %dma_start3A_547 = arith.constant 960 : i32
        %dma_start3A_548 = arith.constant 0 : i32
        %dma_start3A_549 = tpu.memref_slice %arg9[%arg0, %dma_start3A_547, %dma_start3A_548] : memref<2x1000x256xf32, #tpu.memory_space<hbm>> -> memref<1x40x128xf32, #tpu.memory_space<hbm>>
        %dma_start3A_550 = tpu.memref_squeeze %dma_start3A_549 : memref<1x40x128xf32, #tpu.memory_space<hbm>> -> memref<40x128xf32, #tpu.memory_space<hbm>>
        %dma_start3A_551 = arith.constant 960 : i32
        %dma_start3A_552 = arith.constant 0 : i32
        %dma_start3A_553 = tpu.memref_slice %arg26[%dma_start3A_551, %dma_start3A_552] : memref<1000x128xf32, #tpu.memory_space<vmem_shared>> -> memref<40x128xf32, #tpu.memory_space<vmem_shared>>
        tpu.enqueue_dma source(%dma_start3A_553 : memref<40x128xf32, #tpu.memory_space<vmem_shared>>) target(%dma_start3A_550 : memref<40x128xf32, #tpu.memory_space<hbm>>) target_semaphore(%run_scoped3A : memref<!tpu.dma_semaphore, #tpu.memory_space<semaphore_mem>>)
        %dma_wait3A_554 = arith.constant 960 : i32
        %dma_wait3A_555 = arith.constant 0 : i32
        %dma_wait3A_556 = tpu.memref_slice %arg9[%arg0, %dma_wait3A_554, %dma_wait3A_555] : memref<2x1000x256xf32, #tpu.memory_space<hbm>> -> memref<1x40x128xf32, #tpu.memory_space<hbm>>
        %dma_wait3A_557 = tpu.memref_squeeze %dma_wait3A_556 : memref<1x40x128xf32, #tpu.memory_space<hbm>> -> memref<40x128xf32, #tpu.memory_space<hbm>>
        %dma_wait3A_558 = arith.constant 960 : i32
        %dma_wait3A_559 = arith.constant 0 : i32
        %dma_wait3A_560 = tpu.memref_slice %arg26[%dma_wait3A_558, %dma_wait3A_559] : memref<1000x128xf32, #tpu.memory_space<vmem_shared>> -> memref<40x128xf32, #tpu.memory_space<vmem_shared>>
        tpu.wait_dma2 semaphore(%run_scoped3A : memref<!tpu.dma_semaphore, #tpu.memory_space<semaphore_mem>>) src(%dma_wait3A_560 : memref<40x128xf32, #tpu.memory_space<vmem_shared>>) dst(%dma_wait3A_557 : memref<40x128xf32, #tpu.memory_space<hbm>>)
        tpu.yield
      }) : () -> ()
      "tpu.region"() ({
        %run_scoped3A = tpu.sem_alloc : memref<!tpu.dma_semaphore, #tpu.memory_space<semaphore_mem>>
        %dma_start3A_547 = arith.constant 960 : i32
        %dma_start3A_548 = arith.constant 128 : i32
        %dma_start3A_549 = tpu.memref_slice %arg9[%arg0, %dma_start3A_547, %dma_start3A_548] : memref<2x1000x256xf32, #tpu.memory_space<hbm>> -> memref<1x40x128xf32, #tpu.memory_space<hbm>>
        %dma_start3A_550 = tpu.memref_squeeze %dma_start3A_549 : memref<1x40x128xf32, #tpu.memory_space<hbm>> -> memref<40x128xf32, #tpu.memory_space<hbm>>
        %dma_start3A_551 = arith.constant 960 : i32
        %dma_start3A_552 = arith.constant 0 : i32
        %dma_start3A_553 = tpu.memref_slice %arg27[%dma_start3A_551, %dma_start3A_552] : memref<1000x128xf32, #tpu.memory_space<vmem_shared>> -> memref<40x128xf32, #tpu.memory_space<vmem_shared>>
        tpu.enqueue_dma source(%dma_start3A_553 : memref<40x128xf32, #tpu.memory_space<vmem_shared>>) target(%dma_start3A_550 : memref<40x128xf32, #tpu.memory_space<hbm>>) target_semaphore(%run_scoped3A : memref<!tpu.dma_semaphore, #tpu.memory_space<semaphore_mem>>)
        %dma_wait3A_554 = arith.constant 960 : i32
        %dma_wait3A_555 = arith.constant 128 : i32
        %dma_wait3A_556 = tpu.memref_slice %arg9[%arg0, %dma_wait3A_554, %dma_wait3A_555] : memref<2x1000x256xf32, #tpu.memory_space<hbm>> -> memref<1x40x128xf32, #tpu.memory_space<hbm>>
        %dma_wait3A_557 = tpu.memref_squeeze %dma_wait3A_556 : memref<1x40x128xf32, #tpu.memory_space<hbm>> -> memref<40x128xf32, #tpu.memory_space<hbm>>
        %dma_wait3A_558 = arith.constant 960 : i32
        %dma_wait3A_559 = arith.constant 0 : i32
        %dma_wait3A_560 = tpu.memref_slice %arg27[%dma_wait3A_558, %dma_wait3A_559] : memref<1000x128xf32, #tpu.memory_space<vmem_shared>> -> memref<40x128xf32, #tpu.memory_space<vmem_shared>>
        tpu.wait_dma2 semaphore(%run_scoped3A : memref<!tpu.dma_semaphore, #tpu.memory_space<semaphore_mem>>) src(%dma_wait3A_560 : memref<40x128xf32, #tpu.memory_space<vmem_shared>>) dst(%dma_wait3A_557 : memref<40x128xf32, #tpu.memory_space<hbm>>)
        tpu.yield
      }) : () -> ()
      "tpu.region"() ({
        %run_scoped3A = tpu.sem_alloc : memref<!tpu.dma_semaphore, #tpu.memory_space<semaphore_mem>>
        %dma_start3A_547 = arith.constant 960 : i32
        %dma_start3A_548 = arith.constant 0 : i32
        %dma_start3A_549 = tpu.memref_slice %arg10[%arg0, %dma_start3A_547, %dma_start3A_548] : memref<2x1000x128xf32, #tpu.memory_space<hbm>> -> memref<1x40x128xf32, #tpu.memory_space<hbm>>
        %dma_start3A_550 = tpu.memref_squeeze %dma_start3A_549 : memref<1x40x128xf32, #tpu.memory_space<hbm>> -> memref<40x128xf32, #tpu.memory_space<hbm>>
        %dma_start3A_551 = arith.constant 960 : i32
        %dma_start3A_552 = arith.constant 0 : i32
        %dma_start3A_553 = tpu.memref_slice %arg28[%dma_start3A_551, %dma_start3A_552] : memref<1000x128xf32, #tpu.memory_space<vmem_shared>> -> memref<40x128xf32, #tpu.memory_space<vmem_shared>>
        tpu.enqueue_dma source(%dma_start3A_553 : memref<40x128xf32, #tpu.memory_space<vmem_shared>>) target(%dma_start3A_550 : memref<40x128xf32, #tpu.memory_space<hbm>>) target_semaphore(%run_scoped3A : memref<!tpu.dma_semaphore, #tpu.memory_space<semaphore_mem>>)
        %dma_wait3A_554 = arith.constant 960 : i32
        %dma_wait3A_555 = arith.constant 0 : i32
        %dma_wait3A_556 = tpu.memref_slice %arg10[%arg0, %dma_wait3A_554, %dma_wait3A_555] : memref<2x1000x128xf32, #tpu.memory_space<hbm>> -> memref<1x40x128xf32, #tpu.memory_space<hbm>>
        %dma_wait3A_557 = tpu.memref_squeeze %dma_wait3A_556 : memref<1x40x128xf32, #tpu.memory_space<hbm>> -> memref<40x128xf32, #tpu.memory_space<hbm>>
        %dma_wait3A_558 = arith.constant 960 : i32
        %dma_wait3A_559 = arith.constant 0 : i32
        %dma_wait3A_560 = tpu.memref_slice %arg28[%dma_wait3A_558, %dma_wait3A_559] : memref<1000x128xf32, #tpu.memory_space<vmem_shared>> -> memref<40x128xf32, #tpu.memory_space<vmem_shared>>
        tpu.wait_dma2 semaphore(%run_scoped3A : memref<!tpu.dma_semaphore, #tpu.memory_space<semaphore_mem>>) src(%dma_wait3A_560 : memref<40x128xf32, #tpu.memory_space<vmem_shared>>) dst(%dma_wait3A_557 : memref<40x128xf32, #tpu.memory_space<hbm>>)
        tpu.yield
      }) : () -> ()
    } else {
    }
    return
  }
}

module attributes {stable_mosaic.version = 14 : i64} {
  func.func @_tc_combine_body(%arg0: memref<2x1000x256xf32, #tpu.memory_space<vmem>>, %arg1: memref<2x1000x256xf32, #tpu.memory_space<vmem>>, %arg2: memref<2x1000x256xf32, #tpu.memory_space<vmem>>, %arg3: memref<2x1000x128xf32, #tpu.memory_space<vmem>>, %arg4: memref<1000x256xf32, #tpu.memory_space<vmem>>, %arg5: memref<1000x256xf32, #tpu.memory_space<vmem>>, %arg6: memref<1000x256xf32, #tpu.memory_space<vmem>>, %arg7: memref<3x1000x256xf32, #tpu.memory_space<vmem>>) attributes {dimension_semantics = [], scalar_prefetch = 0 : i64, scratch_operands = 0 : i64, tpu.core_type = #tpu.core_type<tc>} {
    %get3A = arith.constant 0 : index
    %get3A_0 = arith.constant 0 : index
    %get3A_1 = arith.constant 0 : index
    %get3A_2 = vector.load %arg3[%get3A, %get3A_0, %get3A_1] : memref<2x1000x128xf32, #tpu.memory_space<vmem>>, vector<1x1000x128xf32>
    %get3A_3 = vector.shape_cast %get3A_2 : vector<1x1000x128xf32> to vector<1000x128xf32>
    %get3A_4 = arith.constant 1 : index
    %get3A_5 = arith.constant 0 : index
    %get3A_6 = arith.constant 0 : index
    %get3A_7 = vector.load %arg3[%get3A_4, %get3A_5, %get3A_6] : memref<2x1000x128xf32, #tpu.memory_space<vmem>>, vector<1x1000x128xf32>
    %get3A_8 = vector.shape_cast %get3A_7 : vector<1x1000x128xf32> to vector<1000x128xf32>
    %add3A = arith.addf %get3A_3, %get3A_8 : vector<1000x128xf32>
    %slice3A = vector.extract_strided_slice %add3A {offsets = [0, 0], sizes = [1000, 1], strides = [1, 1]} : vector<1000x128xf32> to vector<1000x1xf32>
    %max3A = arith.constant 1.000000e+00 : f32
    %max3A_9 = vector.broadcast %max3A : f32 to vector<1000x1xf32>
    %max3A_10 = arith.maximumf %slice3A, %max3A_9 : vector<1000x1xf32>
    %get3A_11 = arith.constant 0 : index
    %get3A_12 = arith.constant 0 : index
    %get3A_13 = arith.constant 0 : index
    %get3A_14 = vector.load %arg0[%get3A_11, %get3A_12, %get3A_13] : memref<2x1000x256xf32, #tpu.memory_space<vmem>>, vector<1x1000x256xf32>
    %get3A_15 = vector.shape_cast %get3A_14 : vector<1x1000x256xf32> to vector<1000x256xf32>
    %get3A_16 = arith.constant 1 : index
    %get3A_17 = arith.constant 0 : index
    %get3A_18 = arith.constant 0 : index
    %get3A_19 = vector.load %arg0[%get3A_16, %get3A_17, %get3A_18] : memref<2x1000x256xf32, #tpu.memory_space<vmem>>, vector<1x1000x256xf32>
    %get3A_20 = vector.shape_cast %get3A_19 : vector<1x1000x256xf32> to vector<1000x256xf32>
    %add3A_21 = arith.addf %get3A_15, %get3A_20 : vector<1000x256xf32>
    %div3A = vector.broadcast %max3A_10 : vector<1000x1xf32> to vector<1000x256xf32>
    %div3A_22 = arith.divf %add3A_21, %div3A : vector<1000x256xf32>
    %mul3A = arith.constant 1.000000e-01 : f32
    %mul3A_23 = vector.broadcast %mul3A : f32 to vector<1000x256xf32>
    %mul3A_24 = arith.mulf %mul3A_23, %div3A_22 : vector<1000x256xf32>
    %get3A_25 = arith.constant 0 : index
    %get3A_26 = arith.constant 0 : index
    %get3A_27 = vector.load %arg4[%get3A_25, %get3A_26] : memref<1000x256xf32, #tpu.memory_space<vmem>>, vector<1000x256xf32>
    %mul3A_28 = arith.constant 0.899999976 : f32
    %mul3A_29 = vector.broadcast %mul3A_28 : f32 to vector<1000x256xf32>
    %mul3A_30 = arith.mulf %mul3A_29, %get3A_27 : vector<1000x256xf32>
    %add3A_31 = arith.addf %mul3A_24, %mul3A_30 : vector<1000x256xf32>
    %swap3A = arith.constant 0 : index
    %swap3A_32 = arith.constant 0 : index
    %swap3A_33 = arith.constant 0 : index
    %swap3A_34 = vector.load %arg7[%swap3A, %swap3A_32, %swap3A_33] : memref<3x1000x256xf32, #tpu.memory_space<vmem>>, vector<1x1000x256xf32>
    %swap3A_35 = vector.shape_cast %swap3A_34 : vector<1x1000x256xf32> to vector<1000x256xf32>
    %swap3A_36 = vector.shape_cast %add3A_31 : vector<1000x256xf32> to vector<1x1000x256xf32>
    tpu.vector_store %arg7[%swap3A, %swap3A_32, %swap3A_33], %swap3A_36 {strides = array<i32>} : memref<3x1000x256xf32, #tpu.memory_space<vmem>>, vector<1x1000x256xf32>,
    %get3A_37 = arith.constant 0 : index
    %get3A_38 = arith.constant 0 : index
    %get3A_39 = arith.constant 0 : index
    %get3A_40 = vector.load %arg1[%get3A_37, %get3A_38, %get3A_39] : memref<2x1000x256xf32, #tpu.memory_space<vmem>>, vector<1x1000x256xf32>
    %get3A_41 = vector.shape_cast %get3A_40 : vector<1x1000x256xf32> to vector<1000x256xf32>
    %get3A_42 = arith.constant 1 : index
    %get3A_43 = arith.constant 0 : index
    %get3A_44 = arith.constant 0 : index
    %get3A_45 = vector.load %arg1[%get3A_42, %get3A_43, %get3A_44] : memref<2x1000x256xf32, #tpu.memory_space<vmem>>, vector<1x1000x256xf32>
    %get3A_46 = vector.shape_cast %get3A_45 : vector<1x1000x256xf32> to vector<1000x256xf32>
    %add3A_47 = arith.addf %get3A_41, %get3A_46 : vector<1000x256xf32>
    %div3A_48 = vector.broadcast %max3A_10 : vector<1000x1xf32> to vector<1000x256xf32>
    %div3A_49 = arith.divf %add3A_47, %div3A_48 : vector<1000x256xf32>
    %mul3A_50 = arith.constant 1.000000e-01 : f32
    %mul3A_51 = vector.broadcast %mul3A_50 : f32 to vector<1000x256xf32>
    %mul3A_52 = arith.mulf %mul3A_51, %div3A_49 : vector<1000x256xf32>
    %get3A_53 = arith.constant 0 : index
    %get3A_54 = arith.constant 0 : index
    %get3A_55 = vector.load %arg5[%get3A_53, %get3A_54] : memref<1000x256xf32, #tpu.memory_space<vmem>>, vector<1000x256xf32>
    %mul3A_56 = arith.constant 0.899999976 : f32
    %mul3A_57 = vector.broadcast %mul3A_56 : f32 to vector<1000x256xf32>
    %mul3A_58 = arith.mulf %mul3A_57, %get3A_55 : vector<1000x256xf32>
    %add3A_59 = arith.addf %mul3A_52, %mul3A_58 : vector<1000x256xf32>
    %swap3A_60 = arith.constant 1 : index
    %swap3A_61 = arith.constant 0 : index
    %swap3A_62 = arith.constant 0 : index
    %swap3A_63 = vector.load %arg7[%swap3A_60, %swap3A_61, %swap3A_62] : memref<3x1000x256xf32, #tpu.memory_space<vmem>>, vector<1x1000x256xf32>
    %swap3A_64 = vector.shape_cast %swap3A_63 : vector<1x1000x256xf32> to vector<1000x256xf32>
    %swap3A_65 = vector.shape_cast %add3A_59 : vector<1000x256xf32> to vector<1x1000x256xf32>
    tpu.vector_store %arg7[%swap3A_60, %swap3A_61, %swap3A_62], %swap3A_65 {strides = array<i32>} : memref<3x1000x256xf32, #tpu.memory_space<vmem>>, vector<1x1000x256xf32>,
    %get3A_66 = arith.constant 0 : index
    %get3A_67 = arith.constant 0 : index
    %get3A_68 = arith.constant 0 : index
    %get3A_69 = vector.load %arg2[%get3A_66, %get3A_67, %get3A_68] : memref<2x1000x256xf32, #tpu.memory_space<vmem>>, vector<1x1000x256xf32>
    %get3A_70 = vector.shape_cast %get3A_69 : vector<1x1000x256xf32> to vector<1000x256xf32>
    %get3A_71 = arith.constant 1 : index
    %get3A_72 = arith.constant 0 : index
    %get3A_73 = arith.constant 0 : index
    %get3A_74 = vector.load %arg2[%get3A_71, %get3A_72, %get3A_73] : memref<2x1000x256xf32, #tpu.memory_space<vmem>>, vector<1x1000x256xf32>
    %get3A_75 = vector.shape_cast %get3A_74 : vector<1x1000x256xf32> to vector<1000x256xf32>
    %add3A_76 = arith.addf %get3A_70, %get3A_75 : vector<1000x256xf32>
    %div3A_77 = vector.broadcast %max3A_10 : vector<1000x1xf32> to vector<1000x256xf32>
    %div3A_78 = arith.divf %add3A_76, %div3A_77 : vector<1000x256xf32>
    %mul3A_79 = arith.constant 1.000000e-01 : f32
    %mul3A_80 = vector.broadcast %mul3A_79 : f32 to vector<1000x256xf32>
    %mul3A_81 = arith.mulf %mul3A_80, %div3A_78 : vector<1000x256xf32>
    %get3A_82 = arith.constant 0 : index
    %get3A_83 = arith.constant 0 : index
    %get3A_84 = vector.load %arg6[%get3A_82, %get3A_83] : memref<1000x256xf32, #tpu.memory_space<vmem>>, vector<1000x256xf32>
    %mul3A_85 = arith.constant 0.899999976 : f32
    %mul3A_86 = vector.broadcast %mul3A_85 : f32 to vector<1000x256xf32>
    %mul3A_87 = arith.mulf %mul3A_86, %get3A_84 : vector<1000x256xf32>
    %add3A_88 = arith.addf %mul3A_81, %mul3A_87 : vector<1000x256xf32>
    %swap3A_89 = arith.constant 2 : index
    %swap3A_90 = arith.constant 0 : index
    %swap3A_91 = arith.constant 0 : index
    %swap3A_92 = vector.load %arg7[%swap3A_89, %swap3A_90, %swap3A_91] : memref<3x1000x256xf32, #tpu.memory_space<vmem>>, vector<1x1000x256xf32>
    %swap3A_93 = vector.shape_cast %swap3A_92 : vector<1x1000x256xf32> to vector<1000x256xf32>
    %swap3A_94 = vector.shape_cast %add3A_88 : vector<1000x256xf32> to vector<1x1000x256xf32>
    tpu.vector_store %arg7[%swap3A_89, %swap3A_90, %swap3A_91], %swap3A_94 {strides = array<i32>} : memref<3x1000x256xf32, #tpu.memory_space<vmem>>, vector<1x1000x256xf32>,
    return
  }
}

</mosaic_0001>

<sc_bundles>
// kernel: kernel.4.cloned.1.call-start
scs
__scs_entry_jumppad:
0x0: {  	(pc) =	sbr.rel $0x88, $3  }
0x1: {  	(tag) =	ssettag $0x0;
	lr =	simm.s32 $0x1  }
0x2: {  	[smem:$0x3F9A] =	sst lr;
	_ =	strace $0xD0000000  }
0x3: {  	_ = 	snop  }
0x4: {  	_ = 	snop  }
0x5: {  	_ = 	snop  }
0x6: {  	_ = 	snop  }
0x7: {  	_ = 	snop  }
__scs_overlays_trampoline_lowered:
0x8: {  	[smem:$0x3FA9] =	sst s0  }
0x9: {  	[smem:$0x3FAA] =	sst s1  }
0xa: {  	[smem:$0x3FAB] =	sst s2  }
0xb: {  	[smem:$0x3FAC] =	sst s3  }
0xc: {  	[smem:$0x3FAD] =	sst s4  }
0xd: {  	[smem:$0x3FAE] =	sst s5  }
0xe: {  	[smem:$0x3FAF] =	sst s6  }
0xf: {  	[smem:$0x3FB0] =	sst s7  }
0x10: {  	[smem:$0x3FB1] =	sst s8  }
0x11: {  	[smem:$0x3FB2] =	sst s9;
	s0 =	simm.s32 @!p0 $0x0  }
0x12: {  	s1 =	sld [smem:$0x3F98];
	s0 =	simm.s32 @p0 $0x1  }
0x13: {  	[smem:$0x3FB3] =	sst s0;
	s0 =	simm.s32 @!p1 $0x0  }
0x14: {  	s2 =	sld [smem:$0x3F97];
	s0 =	simm.s32 @p1 $0x1  }
0x15: {  	[smem:$0x3FB4] =	sst s0;
	s0 =	simm.s32 @!p2 $0x0  }
0x16: {  	s3 =	sld [smem:$0x3FDB];
	s0 =	simm.s32 @p2 $0x1  }
0x17: {  	s4 =	simm.s32 $0x1BF5;
	[smem:$0x3FB6] =	sst s0  }
0x18: {  	s0 =	sld [smem:$0x3F99];
	_ =	swait.ge [sflag:s4], $0x0  }
0x19: {  	s7 =	sld [smem:$0x3F9A]  }
0x1a: {  	s8 =	sadd.s32 $0xFFFFE003, lr  }
0x1b: {  	s9 =	sadd.s32 $0xFFFFFEF7, lr;
	s5 =	simm.s32 $0xFFFFFFFF;
	p2 =	slt.u32 s8, $0xFFFFF086  }
0x1c: {  	p1 =	slt.u32 s9, $0xF7A;
	s5 =	simm.s32 @!p2 $0x0  }
0x1d: {  	s5 =	simm.s32 @p1 $0x1;
	p0 =	seq.s32 s7, s2  }
0x1e: {  	s7 =	smul.u32 @!p0 $0xF7A, s2;
	p2 =	seq.s32 @!p0 s5, $0x0  }
0x1f: {  	s9 =	smul.u32 $0xF7A, s1;
	s8 =	simm.s32 @!p0 $0x1BF5;
	p2 =	por !p2, p0  }
0x20: {  	[sflag:s8] =	ssyncset.s32 @!p0 $0xFFFFF086;
	s6 =	sadd.s32 @!p0 s3, s7;
	s7 =	simm.s32 @!p0 $0x108  }
0x21: {  	s3 =	sadd.s32 s3, s9;
	s6 =	sadd.s32 @!p0 $0x88, s6;
	s7 =	simm.s32 @p2 $0x1082  }
0x22: {  	[simem:s7], [sflag:s8] =	dma.local @!p0 [hbm:s6], $0xF7A  }
0x23: {  	s9 =	sor.u32 $0xD0000000, s2;
	s6 =	simm.s32 $0x108;
	_ =	swait.ge @!p0 [sflag:s8], $0x0  }
0x24: {  	s3 =	sadd.s32 $0x88, s3;
	s6 =	simm.s32 @!p1 $0x1082;
	[sflag:s4] =	ssyncset.s32 $0xFFFFF086  }
0x25: {  	[simem:s6], [sflag:s4] =	dma.local [hbm:s3], $0xF7A  }
0x26: {  	[smem:$0x3F9A] =	sst s1;
	(tag) =	ssettag s2;
	_ =	strace s9  }
0x27: {  	s1 =	sld [smem:$0x3FAA]  }
0x28: {  	s2 =	sld [smem:$0x3FAB]  }
0x29: {  	s4 =	sld [smem:$0x3FAD]  }
0x2a: {  	p0 =	seq.s32 s5, $0x0;
	s5 =	sld [smem:$0x3FAE]  }
0x2b: {  	s6 =	sld [smem:$0x3FAF]  }
0x2c: {  	s7 =	sld [smem:$0x3FB0]  }
0x2d: {  	s3 =	simm.s32 $0x108;
	s8 =	sld [smem:$0x3FB1]  }
0x2e: {  	s3 =	simm.s32 @!p0 $0x1082;
	s9 =	sld [smem:$0x3FB2]  }
0x2f: {  	lr =	sadd.s32 s0, s3;
	s0 =	sld [smem:$0x3FA9]  }
0x30: {  	s3 =	sld [smem:$0x3FAC]  }
0x31: {  	[smem:$0x3FB5] =	sst s10  }
0x32: {  	s10 =	sld [smem:$0x3FB3];
	_ =	sdelay $0x3  }
0x33: {  	p0 =	seq.s32 s10, $0x1;
	s10 =	sld [smem:$0x3FB5];
	_ =	sdelay $0x3  }
0x34: {  	[smem:$0x3FB5] =	sst s10  }
0x35: {  	s10 =	sld [smem:$0x3FB4];
	_ =	sdelay $0x3  }
0x36: {  	p1 =	seq.s32 s10, $0x1;
	s10 =	sld [smem:$0x3FB5];
	_ =	sdelay $0x3  }
0x37: {  	[smem:$0x3FB5] =	sst s10  }
0x38: {  	s10 =	sld [smem:$0x3FB6]  }
0x39: {  	_ = 	snop;
	(pc) =	sbr.ind lr, $3  }
0x3a: {  	_ = 	snop  }
0x3b: {  	_ = 	snop  }
0x3c: {  	p2 =	seq.s32 s10, $0x1;
	s10 =	sld [smem:$0x3FB5]  }
0x3d: {  	_ =	shalt  }
0x3e: {  	_ =	shalt  }
0x3f: {  	_ =	shalt  }
0x40: {  	_ =	shalt  }
0x41: {  	_ =	shalt  }
0x42: {  	_ =	shalt  }
0x43: {  	_ =	shalt  }
0x44: {  	_ =	shalt  }
0x45: {  	_ =	shalt  }
0x46: {  	_ =	shalt  }
0x47: {  	_ =	shalt  }
0x48: {  	_ =	shalt  }
0x49: {  	_ =	shalt  }
0x4a: {  	_ =	shalt  }
0x4b: {  	_ =	shalt  }
0x4c: {  	_ =	shalt  }
0x4d: {  	_ =	shalt  }
0x4e: {  	_ =	shalt  }
0x4f: {  	_ =	shalt  }
0x50: {  	_ =	shalt  }
0x51: {  	_ =	shalt  }
0x52: {  	_ =	shalt  }
0x53: {  	_ =	shalt  }
0x54: {  	_ =	shalt  }
0x55: {  	_ =	shalt  }
0x56: {  	_ =	shalt  }
0x57: {  	_ =	shalt  }
0x58: {  	_ =	shalt  }
0x59: {  	_ =	shalt  }
0x5a: {  	_ =	shalt  }
0x5b: {  	_ =	shalt  }
0x5c: {  	_ =	shalt  }
0x5d: {  	_ =	shalt  }
0x5e: {  	_ =	shalt  }
0x5f: {  	_ =	shalt  }
0x60: {  	_ =	shalt  }
0x61: {  	_ =	shalt  }
0x62: {  	_ =	shalt  }
0x63: {  	_ =	shalt  }
0x64: {  	_ =	shalt  }
0x65: {  	_ =	shalt  }
0x66: {  	_ =	shalt  }
0x67: {  	_ =	shalt  }
0x68: {  	_ =	shalt  }
0x69: {  	_ =	shalt  }
0x6a: {  	_ =	shalt  }
0x6b: {  	_ =	shalt  }
0x6c: {  	_ =	shalt  }
0x6d: {  	_ =	shalt  }
0x6e: {  	_ =	shalt  }
0x6f: {  	_ =	shalt  }
0x70: {  	_ =	shalt  }
0x71: {  	_ =	shalt  }
0x72: {  	_ =	shalt  }
0x73: {  	_ =	shalt  }
0x74: {  	_ =	shalt  }
0x75: {  	_ =	shalt  }
0x76: {  	_ =	shalt  }
0x77: {  	_ =	shalt  }
0x78: {  	_ =	shalt  }
0x79: {  	_ =	shalt  }
0x7a: {  	_ =	shalt  }
0x7b: {  	_ =	shalt  }
0x7c: {  	_ =	shalt  }
0x7d: {  	_ =	shalt  }
0x7e: {  	_ =	shalt  }
0x7f: {  	_ =	shalt  }
0x80: {  	_ =	shalt  }
0x81: {  	_ =	shalt  }
0x82: {  	_ =	shalt  }
0x83: {  	_ =	shalt  }
0x84: {  	_ =	shalt  }
0x85: {  	_ =	shalt  }
0x86: {  	_ =	shalt  }
0x87: {  	_ =	shalt  }
.Lfunc_end0:
.L_simem_size_0:
called_computation_lowered:
.L_overlay_start_0:
0x88: {  	s2 =	sld [smem:$0x3FD9]  }
0x89: {  	s3 =	sld [smem:$0x3FFE];
	_ =	sdelay $0x1  }
0x8a: {  	s1 =	srdreg.scid  }
0x8b: {  	s0 =	sand.u32 $0x1, s1  }
0x8c: {  	s17 =	sshll.u32 s0, $0xA;
	s2 =	sadd.s32 s3, s2  }
0x8d: {  	s2 =	sadd.s32 s2, s17  }
0x8e: {  	[smem:$0x3FC1] =	sst s2  }
0x8f: {  	_ = 	snop  }
0x90: {  	s2 =	sld [smem:$0x3FC9]  }
0x91: {  	s18 =	sld [smem:$0x3FC8]  }
0x92: {  	s4 =	sld [smem:$0x3FC7]  }
0x93: {  	s5 =	sld [smem:$0x3FC6]  }
0x94: {  	s6 =	sld [smem:$0x3FD0];
	(tm) =	ssettm $0x1  }
0x95: {  	s7 =	sld [smem:$0x3FFB];
	_ =	sdelay $0x3  }
0x96: {  	_ =	strace s7  }
0x97: {  	s7 =	sld [smem:$0x3FFC];
	_ =	sdelay $0x3  }
0x98: {  	_ =	strace s7  }
0x99: {  	s7 =	sld [smem:$0x3FFD];
	_ =	sdelay $0x3  }
0x9a: {  	_ =	strace s7  }
0x9b: {  	_ =	strace $0x8FFFFFFF  }
0x9c: {  	s19 =	sld [smem:$0x3FDB];
	_ =	sdelay $0x1  }
0x9d: {  	s8 =	simm.s32 $_scs_section_size  }
0x9e: {  	s9 =	simm.s32 $_size__tile_overlayer_lowered;
	s10 =	simm.s32 $_tile_overlayer_lowered  }
0x9f: {  	s22 =	simm.s32 $0x1BFF;
	s21 =	sshll.u32 s10, $0x1;
	s7 =	sadd.s32 s8, s19  }
0xa0: {  	s11 =	simm.s32 $0x0;
	s20 =	sshll.u32 s9, $0x1;
	s9 =	sadd.s32 s21, s7  }
0xa1: {  	[timem:s11], [sflag:s22] =	dma.local [hbm:s9], s20  }
0xa2: {  	_ =	swait.ge [sflag:s22], s20  }
0xa3: {  	s8 =	ssub.s32 $0x0, s20;
	[sflag:s22] =	ssyncset.done $0x0  }
0xa4: {  	[sflag:s22] =	ssyncadd.s32 s8;
	_ =	sdelay $0x1  }
0xa5: {  	s23 =	simm.s32 $0x1B8B  }
0xa6: {  	_ =	swait.ge [sflag:s23], $0x1  }
0xa7: {  	[sflag:s23] =	ssyncset.done $0x0  }
0xa8: {  	s25 =	simm.s32 $0x1B8E;
	s24 =	sld [smem:$0x3FFE];
	[sflag:s23] =	ssyncadd.s32 $0xFFFFFFFF  }
0xa9: {  	s26 =	simm.s32 $execute0_lowered;
	[smem:$0x3FD2] =	sst s25  }
0xaa: {  	s9 =	sshll.u32 s26, $0x1;
	_ =	strace $0x80000046;
	[dreg:$0x1] =	wrdreg $0xFFFFFFFF  }
0xab: {  	s28 =	simm.s32 $_size_execute0_lowered;
	s7 =	sadd.s32 s7, s9;
	[dreg:$0x0] =	wrdreg $0x0  }
0xac: {  	s9 =	sshll.u32 s28, $0x1;
	[dreg:$0x2] =	wrdreg s7  }
0xad: {  	[dreg:$0x3] =	wrdreg s9  }
0xae: {  	[dreg:$0x4] =	wrdreg $0xC0  }
0xaf: {  	_ =	task [dreg:s11], $0x5FFFF  }
0xb0: {  	[dreg:$0x1] =	wrdreg $0xFFFFFFFF  }
0xb1: {  	[dreg:$0x0] =	wrdreg $0x60  }
0xb2: {  	[dreg:$0x2] =	wrdreg s24  }
0xb3: {  	[dreg:$0x3] =	wrdreg s5  }
0xb4: {  	[dreg:$0x4] =	wrdreg s2  }
0xb5: {  	[dreg:$0x5] =	wrdreg s18  }
0xb6: {  	[dreg:$0x6] =	wrdreg s4  }
0xb7: {  	[dreg:$0x7] =	wrdreg s6  }
0xb8: {  	[dreg:$0x8] =	wrdreg $0x121000  }
0xb9: {  	[dreg:$0x9] =	wrdreg $0x140400  }
0xba: {  	[dreg:$0xa] =	wrdreg $0x15F800  }
0xbb: {  	[dreg:$0xb] =	wrdreg $0x17EC00  }
0xbc: {  	[dreg:$0xc] =	wrdreg $0x19E000  }
0xbd: {  	[dreg:$0xd] =	wrdreg $0x1BD400  }
0xbe: {  	[dreg:$0xe] =	wrdreg $0x1DC800  }
0xbf: {  	[dreg:$0xf] =	wrdreg $0x9  }
0xc0: {  	_ =	task.clear_ibuf [dreg:s11], $0x10FFFF;
	_ =	strace $0x90000046  }
0xc1: {  	s29 =	simm.s32 $0x9;
	_ =	strace $0x80000048  }
0xc2: {  	_ =	swait.ge [sflag:s29], $0x1  }
0xc3: {  	[sflag:s29] =	ssyncadd.s32 $0xFFFFFFFF  }
0xc4: {  	_ =	strace $0x90000048  }
0xc5: {  	_ =	sfence  }
0xc6: {  	s30 =	sld [smem:$0x0];
	_ =	sdelay $0x2  }
0xc7: {  	s31 =	sshll.u32 s1, $0xD;
	s1 =	sshrl.u32 s1, $0x2  }
0xc8: {  	s3 =	sand.u32 $0x4000, s31;
	s1 =	sadd.s32 s1, s30  }
0xc9: {  	s0 =	sor.u32 s3, s0;
	s1 =	sshll.u32 s1, $0x11  }
0xca: {  	s0 =	sor.u32 s1, s0  }
0xcb: {  	s0 =	sadd.s32 $0x8F2B, s0  }
0xcc: {  	[sflag:s0] =	ssyncadd.remote.s32 $0x1  }
0xcd: {  	_ =	sfence.sel $0xFFFF  }
0xce: {  	[dreg:$0x0] =	wrdreg $0xFFFFFFFF;
	(pc) =	sbr.abs _section_cstart, $3  }
0xcf: {  	[dreg:$0x1] =	wrdreg $0xFFFFFFFF  }
0xd0: {  	_ =	task.clear_ibuf [dreg:s11], $0x2FFFF;
	_ =	strace $0x9FFFFFFF  }
0xd1: {  	(tm) =	ssettm $0x7FFFFFFF  }
tec
execute0_lowered:
.L_overlay_start_1:
0x0: {  	(tag) =	ssettag $0x1  }
0x1: {  	s0 =	rddreg [dreg:$0x0]  }
0x2: {  	s6 =	rddreg [dreg:$0x2]  }
0x3: {  	s7 =	rddreg [dreg:$0x3];
	s1 =	srdreg.scid  }
0x4: {  	s5 =	rddreg [dreg:$0x4];
	s8 =	sand.u32 $0x1, s1  }
0x5: {  	s17 =	stileid.u32;
	s11 =	smul.u32 $0x3E800, s8  }
0x6: {  	s4 =	rddreg [dreg:$0x5];
	s3 =	sshll.u32 s17, $0xE  }
0x7: {  	s9 =	sadd.s32 $0x5600, s0;
	s10 =	sadd.s32 $0x15000, s0;
	s15 =	sadd.s32 s3, s11  }
0x8: {  	s14 =	sshll.u32 s17, $0xB;
	s13 =	sshll.u32 s8, $0xF;
	s25 =	sshrl.u32 s15, $0x3  }
0x9: {  	s12 =	sadd.s32 $0x24A00, s0;
	s3 =	sor.u32 s14, s13;
	s16 =	sadd.s32 s4, s25  }
0xa: {  	s11 =	sshrl.u32 s11, $0x3;
	s18 =	sadd.s32 s9, s25;
	[dreg:$0xe] =	wrdreg s16  }
0xb: {  	s19 =	sadd.s32 $0x7800, s11;
	s13 =	sadd.s32 s10, s25;
	[dreg:$0x10] =	wrdreg s18  }
0xc: {  	s1 =	ssub.s32 $0x2, s8;
	s20 =	sadd.s32 s4, s19;
	[dreg:$0x12] =	wrdreg s13  }
0xd: {  	s11 =	sadd.s32 $0x7880, s11;
	s21 =	sadd.s32 s9, s19;
	[dreg:$0x14] =	wrdreg s20  }
0xe: {  	s29 =	smul.u32 $0x1F400, s8;
	s22 =	sadd.s32 s9, s11;
	[dreg:$0x16] =	wrdreg s21  }
0xf: {  	s2 =	sshrl.u32 s1, $0x1;
	s23 =	sadd.s32 s10, s19;
	[dreg:$0x17] =	wrdreg s22  }
0x10: {  	s14 =	sshll.u32 s3, $0x5;
	s24 =	sadd.s32 s10, s11;
	[dreg:$0x18] =	wrdreg s23  }
0x11: {  	s15 =	sor.u32 $0x80, s25;
	s25 =	sadd.s32 s6, s14;
	[dreg:$0x19] =	wrdreg s24  }
0x12: {  	s1 =	ssub.s32 s1, s2;
	s26 =	sadd.s32 s4, s15;
	[dreg:$0x1a] =	wrdreg s25  }
0x13: {  	s2 =	sshll.u32 s17, $0xD;
	s30 =	sadd.s32 s9, s15;
	[dreg:$0xf] =	wrdreg s26  }
0x14: {  	s15 =	sadd.s32 s10, s15;
	s18 =	sadd.s32 s2, s29;
	[dreg:$0x11] =	wrdreg s30  }
0x15: {  	s4 =	sadd.s32 s4, s11;
	s29 =	sshrl.u32 s29, $0x3;
	[dreg:$0x13] =	wrdreg s15  }
0x16: {  	s11 =	sadd.s32 s7, s14;
	s13 =	sshrl.u32 s18, $0x3;
	[dreg:$0x15] =	wrdreg s4  }
0x17: {  	s4 =	sadd.s32 s12, s29;
	[dreg:$0x1c] =	wrdreg s11;
	s26 =	sadd.s32 s12, s13  }
0x18: {  	s30 =	sor.u32 $0x80, s14;
	s12 =	sadd.s32 s5, s14;
	[dreg:$0x1b] =	wrdreg s26  }
0x19: {  	s13 =	sadd.s32 s6, s30;
	[dreg:$0x1d] =	wrdreg s12  }
0x1a: {  	s10 =	sor.u32 $0x40, s3;
	s14 =	sadd.s32 s7, s30;
	[dreg:$0x1e] =	wrdreg s13  }
0x1b: {  	s15 =	sshll.u32 s10, $0x5;
	s9 =	sadd.s32 s5, s30;
	[dreg:$0x1f] =	wrdreg s14  }
0x1c: {  	s16 =	sadd.s32 s6, s15;
	[smem:$0x7C9] =	sst s9  }
0x1d: {  	s19 =	sadd.s32 s7, s15;
	[smem:$0x7CA] =	sst s16  }
0x1e: {  	s18 =	sor.u32 $0x80, s15;
	[smem:$0x7CB] =	sst s19  }
0x1f: {  	s9 =	sadd.s32 s5, s15;
	s14 =	sshrl.u32 s10, $0x3;
	s10 =	rddreg [dreg:$0x8]  }
0x20: {  	s20 =	sadd.s32 s6, s18;
	[smem:$0x7CC] =	sst s9  }
0x21: {  	s21 =	sadd.s32 s7, s18;
	[smem:$0x7CD] =	sst s20;
	s9 =	sor.u32 $0x80, s3  }
0x22: {  	s11 =	sadd.s32 s5, s18;
	[smem:$0x7CE] =	sst s21;
	s22 =	sshll.u32 s9, $0x5  }
0x23: {  	[smem:$0x7CF] =	sst s11;
	s23 =	sadd.s32 s6, s22  }
0x24: {  	s25 =	sadd.s32 s7, s22;
	[smem:$0x7D0] =	sst s23  }
0x25: {  	s24 =	sor.u32 $0x80, s22;
	s11 =	sadd.s32 s5, s22;
	[smem:$0x7D1] =	sst s25  }
0x26: {  	[smem:$0x7D2] =	sst s11;
	s26 =	sadd.s32 s6, s24  }
0x27: {  	s11 =	sor.u32 $0xC0, s3;
	s29 =	sadd.s32 s7, s24;
	[smem:$0x7D3] =	sst s26  }
0x28: {  	s12 =	sadd.s32 s5, s24;
	[smem:$0x7D4] =	sst s29;
	s30 =	sshll.u32 s11, $0x5  }
0x29: {  	[smem:$0x7D5] =	sst s12;
	s15 =	sadd.s32 s6, s30  }
0x2a: {  	s18 =	sadd.s32 s7, s30;
	[smem:$0x7D6] =	sst s15  }
0x2b: {  	s16 =	sor.u32 $0x80, s30;
	s12 =	sadd.s32 s5, s30;
	[smem:$0x7D7] =	sst s18  }
0x2c: {  	[smem:$0x7D8] =	sst s12;
	s19 =	sadd.s32 s6, s16  }
0x2d: {  	s20 =	sadd.s32 s7, s16;
	s15 =	sshrl.u32 s9, $0x3;
	s9 =	rddreg [dreg:$0x7]  }
0x2e: {  	s13 =	sadd.s32 s5, s16;
	s16 =	sshrl.u32 s11, $0x3;
	s11 =	rddreg [dreg:$0x9]  }
0x2f: {  	s8 =	sshll.u32 s8, $0x14;
	[smem:$0x7D9] =	sst s19  }
0x30: {  	s26 =	sshll.u32 s17, $0x10;
	s12 =	sor.u32 $0x100, s3;
	[smem:$0x7DA] =	sst s20  }
0x31: {  	s5 =	sadd.s32 s8, s5;
	[smem:$0x7DB] =	sst s13;
	s21 =	sshll.u32 s12, $0x5  }
0x32: {  	s5 =	sadd.s32 s26, s5;
	s20 =	sshrl.u32 s12, $0x3;
	s12 =	rddreg [dreg:$0xb]  }
0x33: {  	s22 =	sadd.s32 s6, s21;
	[smem:$0x7E2] =	sst s5  }
0x34: {  	s23 =	sor.u32 $0x80, s21;
	s13 =	sadd.s32 s7, s21;
	[smem:$0x7DC] =	sst s22  }
0x35: {  	[smem:$0x7DD] =	sst s13;
	s24 =	sadd.s32 s6, s23  }
0x36: {  	s25 =	sadd.s32 s7, s23;
	[smem:$0x7DE] =	sst s24  }
0x37: {  	s13 =	simm.s32 $0x0;
	[smem:$0x7DF] =	sst s25  }
0x38: {  	s6 =	sadd.s32 s8, s6;
	s7 =	sadd.s32 s8, s7;
	[smem:$0x7FF] =	sst s13  }
0x39: {  	s6 =	sadd.s32 s26, s6;
	s29 =	sadd.s32 s26, s7;
	s26 =	rddreg [dreg:$0xa]  }
0x3a: {  	[smem:$0x7E0] =	sst s6  }
0x3b: {  	[smem:$0x7E1] =	sst s29  }
0x3c: {  	s30 =	sshrl.u32 s3, $0x3;
	s6 =	rddreg [dreg:$0x1]  }
0x3d: {  	s8 =	sadd.s32 s6, s30;
	s5 =	sadd.s32 s6, s14;
	s14 =	rddreg [dreg:$0xc]  }
0x3e: {  	s21 =	sor.u32 $0x1C0, s3;
	[smem:$0x7E3] =	sst s8  }
0x3f: {  	s22 =	sshrl.u32 s21, $0x3;
	s18 =	sadd.s32 s6, s15;
	[smem:$0x7E4] =	sst s5  }
0x40: {  	s23 =	sor.u32 $0x180, s3;
	s19 =	sadd.s32 s6, s16;
	[smem:$0x7E5] =	sst s18  }
0x41: {  	s24 =	sor.u32 $0x140, s3;
	s3 =	sor.u32 $0x200, s3;
	[smem:$0x7E6] =	sst s19  }
0x42: {  	s25 =	sshrl.u32 s24, $0x3;
	s8 =	rddreg [dreg:$0x6];
	s5 =	sadd.s32 s6, s20  }
0x43: {  	s3 =	sshrl.u32 s3, $0x3;
	[smem:$0x7E7] =	sst s5;
	s5 =	sadd.s32 s22, s6  }
0x44: {  	s3 =	sadd.s32 s3, s6;
	[smem:$0x7E8] =	sst s5;
	s5 =	sshrl.u32 s23, $0x3  }
0x45: {  	s29 =	sshll.u32 s17, $0xA;
	[smem:$0x7EB] =	sst s3;
	s5 =	sadd.s32 s5, s6  }
0x46: {  	s30 =	sadd.s32 s29, s0;
	[smem:$0x7E9] =	sst s5;
	s5 =	sadd.s32 s25, s6  }
0x47: {  	s3 =	sadd.s32 $0x1600, s30;
	[smem:$0x7EA] =	sst s5  }
0x48: {  	s5 =	sadd.s32 s2, s8;
	_ =	strace $0x80000047;
	[smem:$0x7EC] =	sst s3  }
0x49: {  	s6 =	sadd.s32 s2, s9;
	[smem:$0x7ED] =	sst s5  }
0x4a: {  	s15 =	sadd.s32 s2, s10;
	[smem:$0x7EE] =	sst s6  }
0x4b: {  	s16 =	sadd.s32 s2, s11;
	[smem:$0x7EF] =	sst s15  }
0x4c: {  	s18 =	sadd.s32 s2, s26;
	[smem:$0x7F0] =	sst s16  }
0x4d: {  	s19 =	sadd.s32 s2, s12;
	[smem:$0x7F1] =	sst s18  }
0x4e: {  	s2 =	sadd.s32 s2, s14;
	[smem:$0x7F2] =	sst s19  }
0x4f: {  	s0 =	sadd.s32 $0x5200, s0;
	[smem:$0x7F3] =	sst s2  }
0x50: {  	s20 =	sadd.s32 $0x3C00, s4;
	[smem:$0x7F4] =	sst s0  }
0x51: {  	s21 =	smax.u32 s1, $0x1;
	[smem:$0x7F5] =	sst s20  }
0x52: {  	s28 =	simm.s32 $0x400;
	s22 =	sadd.s32 $0x1E000, s8;
	[smem:$0x7F6] =	sst s21  }
0x53: {  	s31 =	simm.s32 $0x2100;
	s23 =	sadd.s32 $0x1E000, s9;
	[smem:$0x7F7] =	sst s22  }
0x54: {  	p0 =	seq.s32 s17, $0xF;
	s24 =	sadd.s32 $0x1E000, s10;
	[smem:$0x7F8] =	sst s23  }
0x55: {  	s1 =	simm.s32 $0x800;
	s25 =	sadd.s32 $0x1E000, s11;
	[smem:$0x7F9] =	sst s24  }
.Ltmp0:
0x56: {  	s26 =	sadd.s32 $0x1E000, s26;
	[smem:$0x7FA] =	sst s25;
	(pc) =	sbr.rel .LBB2_1-.Ltmp0, $4  }
0x57: {  	s29 =	sadd.s32 $0x1E000, s12;
	s10 =	simm.s32 $0x80;
	[smem:$0x7FB] =	sst s26  }
0x58: {  	s30 =	sadd.s32 $0x1E000, s14;
	s4 =	simm.s32 $0x6100;
	[smem:$0x7FC] =	sst s29  }
0x59: {  	[smem:$0x7FD] =	sst s30;
	s21 =	simm.s32 $0x4100;
	s5 =	simm.s32 $0x1  }
0x5a: {  	v0 =	vimm.f32 $1.000000000e+00;
	s6 =	simm.s32 $0x40;
	s18 =	simm.s32 $0x2;
	s2 =	simm.s32 $0x0  }
.LBB2_6:
0x5b: {  	_ =	swait.ge [sflag:s18], $0x2000  }
0x5c: {  	[sflag:s18] =	ssyncset.done $0x0  }
0x5d: {  	[sflag:s18] =	ssyncadd.s32 $0xFFFFE000  }
0x5e: {  	_ =	swait.ge [sflag:s18], $0x2000  }
0x5f: {  	[sflag:s18] =	ssyncset.done $0x0  }
0x60: {  	[sflag:s18] =	ssyncadd.s32 $0xFFFFE000  }
0x61: {  	_ =	swait.ge [sflag:s18], $0x2000  }
0x62: {  	[sflag:s18] =	ssyncset.done $0x0  }
0x63: {  	[sflag:s18] =	ssyncadd.s32 $0xFFFFE000  }
0x64: {  	_ =	swait.ge [sflag:s18], $0x2000  }
0x65: {  	[sflag:s18] =	ssyncset.done $0x0  }
0x66: {  	[sflag:s18] =	ssyncadd.s32 $0xFFFFE000  }
0x67: {  	_ =	swait.ge [sflag:s18], $0x2000  }
0x68: {  	[sflag:s18] =	ssyncset.done $0x0  }
0x69: {  	[sflag:s18] =	ssyncadd.s32 $0xFFFFE000  }
0x6a: {  	[bflag:$0x0] =	sbarrier.arrive $0xFFFF  }
0x6b: {  	s2 =	sld [smem:$0x7BA]  }
0x6c: {  	s0 =	simm.s32 @p0 $0x8;
	s8 =	simm.s32 @p0 $0x100  }
0x6d: {  	s11 =	simm.s32 @p0 $0x80;
	s12 =	simm.s32 @p0 $0x1FC3;
	s14 =	rddreg [dreg:$0x14]  }
0x6e: {  	[hbm:s14@s8], [sflag:s12] =	dma.strided @p0 [spmem:s2@s11], $0x280, s0, $0x10   }
0x6f: {  	s14 =	simm.s32 @p0 $0x3  }
0x70: {  	_ =	swait.ge @p0 [sflag:s14], $0x280  }
0x71: {  	s2 =	sld [smem:$0x7BB]  }
0x72: {  	[sflag:s14] =	ssyncset.done @p0 $0x0  }
0x73: {  	s19 =	rddreg [dreg:$0x15];
	[sflag:s14] =	ssyncadd.s32 @p0 $0xFFFFFD80  }
0x74: {  	[hbm:s19@s8], [sflag:s12] =	dma.strided @p0 [spmem:s2@s11], $0x280, s0, $0x10   }
0x75: {  	_ =	swait.ge @p0 [sflag:s14], $0x280  }
0x76: {  	s2 =	sld [smem:$0x7BC]  }
0x77: {  	[sflag:s14] =	ssyncset.done @p0 $0x0  }
0x78: {  	s19 =	rddreg [dreg:$0x16];
	[sflag:s14] =	ssyncadd.s32 @p0 $0xFFFFFD80  }
0x79: {  	[hbm:s19@s8], [sflag:s12] =	dma.strided @p0 [spmem:s2@s11], $0x280, s0, $0x10   }
0x7a: {  	_ =	swait.ge @p0 [sflag:s14], $0x280  }
0x7b: {  	s2 =	sld [smem:$0x7BD]  }
0x7c: {  	[sflag:s14] =	ssyncset.done @p0 $0x0  }
0x7d: {  	s19 =	rddreg [dreg:$0x17];
	[sflag:s14] =	ssyncadd.s32 @p0 $0xFFFFFD80  }
0x7e: {  	[hbm:s19@s8], [sflag:s12] =	dma.strided @p0 [spmem:s2@s11], $0x280, s0, $0x10   }
0x7f: {  	_ =	swait.ge @p0 [sflag:s14], $0x280  }
0x80: {  	s2 =	sld [smem:$0x7BE]  }
0x81: {  	[sflag:s14] =	ssyncset.done @p0 $0x0  }
0x82: {  	s19 =	rddreg [dreg:$0x18];
	[sflag:s14] =	ssyncadd.s32 @p0 $0xFFFFFD80  }
0x83: {  	[hbm:s19@s8], [sflag:s12] =	dma.strided @p0 [spmem:s2@s11], $0x280, s0, $0x10   }
0x84: {  	_ =	swait.ge @p0 [sflag:s14], $0x280  }
0x85: {  	s2 =	sld [smem:$0x7BF]  }
0x86: {  	[sflag:s14] =	ssyncset.done @p0 $0x0  }
0x87: {  	s19 =	rddreg [dreg:$0x19];
	[sflag:s14] =	ssyncadd.s32 @p0 $0xFFFFFD80  }
0x88: {  	[hbm:s19@s8], [sflag:s12] =	dma.strided @p0 [spmem:s2@s11], $0x280, s0, $0x10   }
0x89: {  	_ =	swait.ge @p0 [sflag:s14], $0x280  }
0x8a: {  	s0 =	sld [smem:$0x7F5]  }
0x8b: {  	s2 =	sld [smem:$0x7C0]  }
0x8c: {  	[sflag:s14] =	ssyncset.done @p0 $0x0  }
0x8d: {  	[sflag:s14] =	ssyncadd.s32 @p0 $0xFFFFFD80  }
0x8e: {  	[hbm:s0], [sflag:s12] =	dma.local @p0 [spmem:s2], $0x280  }
0x8f: {  	_ =	swait.ge @p0 [sflag:s14], $0x280  }
0x90: {  	s2 =	sld [smem:$0x7C7]  }
0x91: {  	s3 =	sld [smem:$0x7C1]  }
0x92: {  	s8 =	simm.s32 @!p0 $0x100;
	s11 =	simm.s32 @!p0 $0x80;
	[sflag:s14] =	ssyncset.done @p0 $0x0  }
0x93: {  	s0 =	simm.s32 @!p0 $0x8;
	s12 =	rddreg [dreg:$0xe];
	[sflag:s14] =	ssyncadd.s32 @p0 $0xFFFFFD80  }
0x94: {  	[hbm:s12@s8], [sflag:s2] =	dma.strided @!p0 [spmem:s3@s11], $0x400, s0, $0x10   }
0x95: {  	s12 =	simm.s32 @!p0 $0x3  }
0x96: {  	_ =	swait.ge @!p0 [sflag:s12], $0x400  }
0x97: {  	s3 =	sld [smem:$0x7C2]  }
0x98: {  	[sflag:s12] =	ssyncset.done @!p0 $0x0  }
0x99: {  	s14 =	rddreg [dreg:$0xf];
	[sflag:s12] =	ssyncadd.s32 @!p0 $0xFFFFFC00  }
0x9a: {  	[hbm:s14@s8], [sflag:s2] =	dma.strided @!p0 [spmem:s3@s11], $0x400, s0, $0x10   }
0x9b: {  	_ =	swait.ge @!p0 [sflag:s12], $0x400  }
0x9c: {  	s3 =	sld [smem:$0x7C3]  }
0x9d: {  	[sflag:s12] =	ssyncset.done @!p0 $0x0  }
0x9e: {  	s14 =	rddreg [dreg:$0x10];
	[sflag:s12] =	ssyncadd.s32 @!p0 $0xFFFFFC00  }
0x9f: {  	[hbm:s14@s8], [sflag:s2] =	dma.strided @!p0 [spmem:s3@s11], $0x400, s0, $0x10   }
0xa0: {  	_ =	swait.ge @!p0 [sflag:s12], $0x400  }
0xa1: {  	s3 =	sld [smem:$0x7C4]  }
0xa2: {  	[sflag:s12] =	ssyncset.done @!p0 $0x0  }
0xa3: {  	s14 =	rddreg [dreg:$0x11];
	[sflag:s12] =	ssyncadd.s32 @!p0 $0xFFFFFC00  }
0xa4: {  	[hbm:s14@s8], [sflag:s2] =	dma.strided @!p0 [spmem:s3@s11], $0x400, s0, $0x10   }
0xa5: {  	_ =	swait.ge @!p0 [sflag:s12], $0x400  }
0xa6: {  	s3 =	sld [smem:$0x7C5]  }
0xa7: {  	[sflag:s12] =	ssyncset.done @!p0 $0x0  }
0xa8: {  	s14 =	rddreg [dreg:$0x12];
	[sflag:s12] =	ssyncadd.s32 @!p0 $0xFFFFFC00  }
0xa9: {  	[hbm:s14@s8], [sflag:s2] =	dma.strided @!p0 [spmem:s3@s11], $0x400, s0, $0x10   }
0xaa: {  	_ =	swait.ge @!p0 [sflag:s12], $0x400  }
0xab: {  	s3 =	sld [smem:$0x7C6]  }
0xac: {  	[sflag:s12] =	ssyncset.done @!p0 $0x0  }
0xad: {  	s14 =	rddreg [dreg:$0x13];
	[sflag:s12] =	ssyncadd.s32 @!p0 $0xFFFFFC00  }
0xae: {  	[hbm:s14@s8], [sflag:s2] =	dma.strided @!p0 [spmem:s3@s11], $0x400, s0, $0x10   }
0xaf: {  	_ =	swait.ge @!p0 [sflag:s12], $0x400  }
0xb0: {  	s3 =	sld [smem:$0x7C8]  }
0xb1: {  	[sflag:s12] =	ssyncset.done @!p0 $0x0  }
0xb2: {  	s0 =	rddreg [dreg:$0x1b];
	[sflag:s12] =	ssyncadd.s32 @!p0 $0xFFFFFC00  }
0xb3: {  	[hbm:s0], [sflag:s2] =	dma.local @!p0 [spmem:s3], $0x400  }
0xb4: {  	_ =	swait.ge @!p0 [sflag:s12], $0x400  }
0xb5: {  	s29 =	sld [smem:$0x7B9]  }
0xb6: {  	s30 =	sld [smem:$0x7F6];
	_ =	sdelay $0x1  }
0xb7: {  	s2 =	sadd.s32 $0x1, s29  }
0xb8: {  	p1 =	sne.s32 s2, s30  }
.Ltmp1:
0xb9: {  	_ = 	snop;
	(pc) =	sbr.rel @!p1 .LBB2_7-.Ltmp1, $3  }
0xba: {  	_ =	sdelay $0x1  }
0xbb: {  	[sflag:s12] =	ssyncset.done @!p0 $0x0  }
0xbc: {  	s21 =	simm.s32 $0x4100;
	s4 =	simm.s32 $0x6100;
	[sflag:s12] =	ssyncadd.s32 @!p0 $0xFFFFFC00  }
.LBB2_1:
0xbd: {  	s0 =	sld [smem:$0x7F7]  }
0xbe: {  	[smem:$0x7B9] =	sst s2  }
0xbf: {  	s2 =	sld [smem:$0x7F4]  }
0xc0: {  	s3 =	sshrl.u32 @p0 s0, $0x3  }
0xc1: {  	s8 =	simm.s32 @p0 $0x3;
	s0 =	simm.s32 @p0 $0x1FC3;
	[smem:$0x7BA] =	sst s3  }
0xc2: {  	[spmem:s3], [sflag:s0] =	dma.local @p0 [hbm:s2], $0x280  }
0xc3: {  	_ =	swait.ge @p0 [sflag:s8], $0x280  }
0xc4: {  	s11 =	sld [smem:$0x7F8];
	_ =	sdelay $0x2  }
0xc5: {  	[sflag:s8] =	ssyncset.done @p0 $0x0;
	s3 =	sshrl.u32 @p0 s11, $0x3  }
0xc6: {  	[sflag:s8] =	ssyncadd.s32 @p0 $0xFFFFFD80;
	[smem:$0x7BB] =	sst s3  }
0xc7: {  	[spmem:s3], [sflag:s0] =	dma.local @p0 [hbm:s2], $0x280  }
0xc8: {  	_ =	swait.ge @p0 [sflag:s8], $0x280  }
0xc9: {  	s11 =	sld [smem:$0x7F9];
	_ =	sdelay $0x2  }
0xca: {  	[sflag:s8] =	ssyncset.done @p0 $0x0;
	s3 =	sshrl.u32 @p0 s11, $0x3  }
0xcb: {  	[sflag:s8] =	ssyncadd.s32 @p0 $0xFFFFFD80;
	[smem:$0x7BC] =	sst s3  }
0xcc: {  	[spmem:s3], [sflag:s0] =	dma.local @p0 [hbm:s2], $0x280  }
0xcd: {  	_ =	swait.ge @p0 [sflag:s8], $0x280  }
0xce: {  	s11 =	sld [smem:$0x7FA];
	_ =	sdelay $0x2  }
0xcf: {  	[sflag:s8] =	ssyncset.done @p0 $0x0;
	s3 =	sshrl.u32 @p0 s11, $0x3  }
0xd0: {  	[sflag:s8] =	ssyncadd.s32 @p0 $0xFFFFFD80;
	[smem:$0x7BD] =	sst s3  }
0xd1: {  	[spmem:s3], [sflag:s0] =	dma.local @p0 [hbm:s2], $0x280  }
0xd2: {  	_ =	swait.ge @p0 [sflag:s8], $0x280  }
0xd3: {  	s11 =	sld [smem:$0x7FB];
	_ =	sdelay $0x2  }
0xd4: {  	[sflag:s8] =	ssyncset.done @p0 $0x0;
	s3 =	sshrl.u32 @p0 s11, $0x3  }
0xd5: {  	[sflag:s8] =	ssyncadd.s32 @p0 $0xFFFFFD80;
	[smem:$0x7BE] =	sst s3  }
0xd6: {  	[spmem:s3], [sflag:s0] =	dma.local @p0 [hbm:s2], $0x280  }
0xd7: {  	_ =	swait.ge @p0 [sflag:s8], $0x280  }
0xd8: {  	s11 =	sld [smem:$0x7FC];
	_ =	sdelay $0x2  }
0xd9: {  	[sflag:s8] =	ssyncset.done @p0 $0x0;
	s3 =	sshrl.u32 @p0 s11, $0x3  }
0xda: {  	[sflag:s8] =	ssyncadd.s32 @p0 $0xFFFFFD80;
	[smem:$0x7BF] =	sst s3  }
0xdb: {  	[spmem:s3], [sflag:s0] =	dma.local @p0 [hbm:s2], $0x280  }
0xdc: {  	_ =	swait.ge @p0 [sflag:s8], $0x280  }
0xdd: {  	s11 =	sld [smem:$0x7FD];
	_ =	sdelay $0x2  }
0xde: {  	[sflag:s8] =	ssyncset.done @p0 $0x0;
	s3 =	sshrl.u32 @p0 s11, $0x3  }
0xdf: {  	[sflag:s8] =	ssyncadd.s32 @p0 $0xFFFFFD80;
	[smem:$0x7C0] =	sst s3  }
0xe0: {  	[spmem:s3], [sflag:s0] =	dma.local @p0 [hbm:s2], $0x280  }
0xe1: {  	s0 =	stileid.u32  }
0xe2: {  	_ =	swait.ge @p0 [sflag:s8], $0x280;
	s0 =	sshll.u32 @!p0 s0, $0x6  }
0xe3: {  	s3 =	sor.u32 @!p0 $0x1C03, s0;
	s0 =	sld [smem:$0x7ED];
	_ =	sdelay $0x1  }
0xe4: {  	s2 =	sld [smem:$0x7EC]  }
0xe5: {  	[sflag:s8] =	ssyncset.done @p0 $0x0;
	s0 =	sshrl.u32 @!p0 s0, $0x3  }
0xe6: {  	[sflag:s8] =	ssyncadd.s32 @p0 $0xFFFFFD80;
	[smem:$0x7C1] =	sst s0  }
0xe7: {  	[spmem:s0], [sflag:s3] =	dma.local @!p0 [hbm:s2], $0x400  }
0xe8: {  	s0 =	simm.s32 @!p0 $0x3  }
0xe9: {  	_ =	swait.ge @!p0 [sflag:s0], $0x400  }
0xea: {  	s8 =	sld [smem:$0x7EE];
	_ =	sdelay $0x2  }
0xeb: {  	[sflag:s0] =	ssyncset.done @!p0 $0x0;
	s7 =	sshrl.u32 @!p0 s8, $0x3  }
0xec: {  	[sflag:s0] =	ssyncadd.s32 @!p0 $0xFFFFFC00;
	[smem:$0x7C2] =	sst s7  }
0xed: {  	[spmem:s7], [sflag:s3] =	dma.local @!p0 [hbm:s2], $0x400  }
0xee: {  	_ =	swait.ge @!p0 [sflag:s0], $0x400  }
0xef: {  	s8 =	sld [smem:$0x7EF];
	_ =	sdelay $0x2  }
0xf0: {  	[sflag:s0] =	ssyncset.done @!p0 $0x0;
	s7 =	sshrl.u32 @!p0 s8, $0x3  }
0xf1: {  	[sflag:s0] =	ssyncadd.s32 @!p0 $0xFFFFFC00;
	[smem:$0x7C3] =	sst s7  }
0xf2: {  	[spmem:s7], [sflag:s3] =	dma.local @!p0 [hbm:s2], $0x400  }
0xf3: {  	_ =	swait.ge @!p0 [sflag:s0], $0x400  }
0xf4: {  	s8 =	sld [smem:$0x7F0];
	_ =	sdelay $0x2  }
0xf5: {  	[sflag:s0] =	ssyncset.done @!p0 $0x0;
	s7 =	sshrl.u32 @!p0 s8, $0x3  }
0xf6: {  	[sflag:s0] =	ssyncadd.s32 @!p0 $0xFFFFFC00;
	[smem:$0x7C4] =	sst s7  }
0xf7: {  	[spmem:s7], [sflag:s3] =	dma.local @!p0 [hbm:s2], $0x400  }
0xf8: {  	_ =	swait.ge @!p0 [sflag:s0], $0x400  }
0xf9: {  	s8 =	sld [smem:$0x7F1];
	_ =	sdelay $0x2  }
0xfa: {  	[sflag:s0] =	ssyncset.done @!p0 $0x0;
	s7 =	sshrl.u32 @!p0 s8, $0x3  }
0xfb: {  	[sflag:s0] =	ssyncadd.s32 @!p0 $0xFFFFFC00;
	[smem:$0x7C5] =	sst s7  }
0xfc: {  	[spmem:s7], [sflag:s3] =	dma.local @!p0 [hbm:s2], $0x400  }
0xfd: {  	_ =	swait.ge @!p0 [sflag:s0], $0x400  }
0xfe: {  	s8 =	sld [smem:$0x7F2];
	_ =	sdelay $0x2  }
0xff: {  	[sflag:s0] =	ssyncset.done @!p0 $0x0;
	s7 =	sshrl.u32 @!p0 s8, $0x3  }
0x100: {  	[sflag:s0] =	ssyncadd.s32 @!p0 $0xFFFFFC00;
	[smem:$0x7C6] =	sst s7  }
0x101: {  	[spmem:s7], [sflag:s3] =	dma.local @!p0 [hbm:s2], $0x400  }
0x102: {  	_ =	swait.ge @!p0 [sflag:s0], $0x400  }
0x103: {  	s8 =	sld [smem:$0x7F3];
	_ =	sdelay $0x2  }
0x104: {  	[sflag:s0] =	ssyncset.done @!p0 $0x0;
	[smem:$0x7C7] =	sst s3;
	s7 =	sshrl.u32 @!p0 s8, $0x3  }
0x105: {  	s29 =	sand.u32 $0x7E00, s13;
	[sflag:s0] =	ssyncadd.s32 @!p0 $0xFFFFFC00;
	[smem:$0x7C8] =	sst s7  }
0x106: {  	[spmem:s7], [sflag:s3] =	dma.local @!p0 [hbm:s2], $0x400  }
0x107: {  	s30 =	sand.u32 $0x70, s13;
	s8 =	sshrl.u32 s29, $0x2;
	_ =	swait.ge @!p0 [sflag:s0], $0x400  }
0x108: {  	s11 =	sor.u32 s30, s8;
	[sflag:s0] =	ssyncset.done @!p0 $0x0  }
0x109: {  	s8 =	simm.s32 $0x0;
	[sflag:s0] =	ssyncadd.s32 @!p0 $0xFFFFFC00;
	s0 =	simm.s32 $0x40  }
.LBB2_2:
0x10a: {  	p1 =	sne.s32 s0, $0x7FC0  }
0x10b: {  	[tilespmem:s11+$0x10100] =	vst v0;
	s8 =	sadd.s32 $0x10, s8;
	s11 =	smov.u32 s0;
	s0 =	sadd.s32 $0x40, s0  }
.Ltmp2:
0x10c: {  	(pc) =	sbr.rel @p1 .LBB2_2-.Ltmp2, $4  }
0x10d: {  	_ = 	snop  }
0x10e: {  	s11 =	sand.u32 $0x7E00, s11  }
0x10f: {  	s12 =	sand.u32 $0x70, s8;
	s11 =	sshrl.u32 s11, $0x2  }
0x110: {  	s11 =	sor.u32 s12, s11  }
0x111: {  	[tilespmem:s11+$0x10100] =	vst v0  }
0x112: {  	[bflag:$0x0] =	sbarrier.arrive $0xFFFF  }
0x113: {  	s0 =	sld [smem:$0x7E3];
	_ =	sdelay $0x1  }
0x114: {  	s25 =	simm.s32 $0x0  }
0x115: {  	[tilespmem:s25], [sflag:$0x1] =	stream.linear.gather [hbm4b:s0+s25], $0x40, $0x38;
	[tilespmem:$0x1FBC0] =	vst v63  }
0x116: {  	s20 =	simm.s32 $0x100;
	s15 =	rddreg [dreg:$0x1a]  }
0x117: {  	[tilespmem:s20], [sflag:$0x1] =	stream.strided.gather [hbm4b:s15+s28], $0x2000, s1, s28, $0x38;
	[tilespmem:$0x1FBC0] =	vst v63  }
0x118: {  	s3 =	simm.s32 $0x2100;
	s16 =	rddreg [dreg:$0x1e]  }
0x119: {  	[tilespmem:s3], [sflag:$0x1] =	stream.strided.gather [hbm4b:s16+s28], $0x2000, s1, s28, $0x38;
	[tilespmem:$0x1FBC0] =	vst v63  }
0x11a: {  	s17 =	rddreg [dreg:$0x1c]  }
0x11b: {  	[tilespmem:s21], [sflag:$0x1] =	stream.strided.gather [hbm4b:s17+s28], $0x2000, s1, s28, $0x38;
	[tilespmem:$0x1FBC0] =	vst v63  }
0x11c: {  	s19 =	rddreg [dreg:$0x1f]  }
0x11d: {  	[tilespmem:s4], [sflag:$0x1] =	stream.strided.gather [hbm4b:s19+s28], $0x2000, s1, s28, $0x38;
	[tilespmem:$0x1FBC0] =	vst v63  }
0x11e: {  	_ =	swait.ge [sflag:s5], $0x40  }
0x11f: {  	[sflag:s5] =	ssyncset.done $0x0  }
0x120: {  	[sflag:s5] =	ssyncadd.s32 $0xFFFFFFC0  }
0x121: {  	_ =	swait.ge [sflag:s5], $0x2000  }
0x122: {  	[sflag:s5] =	ssyncset.done $0x0  }
0x123: {  	[sflag:s5] =	ssyncadd.s32 $0xFFFFE000  }
0x124: {  	_ =	swait.ge [sflag:s5], $0x2000  }
0x125: {  	[sflag:s5] =	ssyncset.done $0x0  }
0x126: {  	s22 =	rddreg [dreg:$0x1d];
	[sflag:s5] =	ssyncadd.s32 $0xFFFFE000  }
0x127: {  	s8 =	rddreg [dreg:$0x6]  }
0x128: {  	[spmem:s8] =	stream.indirect.scatter.add.f32 [tilespmem:s20], [sflag:$0x2], $0x80, s25, s6, $0xb8;
	[tilespmem:$0x1FBC0] =	vst v63  }
0x129: {  	s11 =	rddreg [dreg:$0x7]  }
0x12a: {  	[spmem:s11] =	stream.indirect.scatter.add.f32 [tilespmem:s3], [sflag:$0x2], $0x80, s25, s6, $0xb8;
	[tilespmem:$0x1FBC0] =	vst v63  }
0x12b: {  	s7 =	simm.s32 $0x8100;
	s23 =	sld [smem:$0x7C9]  }
0x12c: {  	[tilespmem:s7], [sflag:$0x1] =	stream.strided.gather [hbm4b:s22+s28], $0x2000, s1, s28, $0x38;
	[tilespmem:$0x1FBC0] =	vst v63  }
0x12d: {  	s9 =	simm.s32 $0xA100  }
0x12e: {  	[tilespmem:s9], [sflag:$0x1] =	stream.strided.gather [hbm4b:s23+s28], $0x2000, s1, s28, $0x38;
	[tilespmem:$0x1FBC0] =	vst v63  }
0x12f: {  	_ =	swait.ge [sflag:s5], $0x2000  }
0x130: {  	[sflag:s5] =	ssyncset.done $0x0  }
0x131: {  	[sflag:s5] =	ssyncadd.s32 $0xFFFFE000  }
0x132: {  	_ =	swait.ge [sflag:s5], $0x2000  }
0x133: {  	[sflag:s5] =	ssyncset.done $0x0  }
0x134: {  	s24 =	sld [smem:$0x7E4];
	[sflag:s5] =	ssyncadd.s32 $0xFFFFE000  }
0x135: {  	s12 =	rddreg [dreg:$0x8]  }
0x136: {  	[spmem:s12] =	stream.indirect.scatter.add.f32 [tilespmem:s21], [sflag:$0x2], $0x80, s25, s6, $0xb8;
	[tilespmem:$0x1FBC0] =	vst v63  }
0x137: {  	s14 =	rddreg [dreg:$0x9]  }
0x138: {  	[spmem:s14] =	stream.indirect.scatter.add.f32 [tilespmem:s4], [sflag:$0x2], $0x80, s25, s6, $0xb8;
	[tilespmem:$0x1FBC0] =	vst v63  }
0x139: {  	s26 =	sld [smem:$0x7CA]  }
0x13a: {  	[tilespmem:s10], [sflag:$0x1] =	stream.linear.gather [hbm4b:s24+s25], $0x40, $0x38;
	[tilespmem:$0x1FBC0] =	vst v63  }
0x13b: {  	s15 =	simm.s32 $0xC100;
	s29 =	sld [smem:$0x7CD]  }
0x13c: {  	[tilespmem:s15], [sflag:$0x1] =	stream.strided.gather [hbm4b:s26+s28], $0x2000, s1, s28, $0x38;
	[tilespmem:$0x1FBC0] =	vst v63  }
0x13d: {  	s16 =	simm.s32 $0xE100  }
0x13e: {  	[tilespmem:s16], [sflag:$0x1] =	stream.strided.gather [hbm4b:s29+s28], $0x2000, s1, s28, $0x38;
	[tilespmem:$0x1FBC0] =	vst v63  }
0x13f: {  	_ =	swait.ge [sflag:s5], $0x2000  }
0x140: {  	[sflag:s5] =	ssyncset.done $0x0  }
0x141: {  	[sflag:s5] =	ssyncadd.s32 $0xFFFFE000  }
0x142: {  	_ =	swait.ge [sflag:s5], $0x2000  }
0x143: {  	[sflag:s5] =	ssyncset.done $0x0  }
0x144: {  	[sflag:s5] =	ssyncadd.s32 $0xFFFFE000  }
0x145: {  	s19 =	rddreg [dreg:$0xa]  }
0x146: {  	[spmem:s19] =	stream.indirect.scatter.add.f32 [tilespmem:s7], [sflag:$0x2], $0x80, s25, s6, $0xb8;
	[tilespmem:$0x1FBC0] =	vst v63  }
0x147: {  	s17 =	rddreg [dreg:$0xb]  }
0x148: {  	[spmem:s17] =	stream.indirect.scatter.add.f32 [tilespmem:s9], [sflag:$0x2], $0x80, s25, s6, $0xb8;
	[tilespmem:$0x1FBC0] =	vst v63  }
0x149: {  	s22 =	simm.s32 $0x10100;
	s2 =	rddreg [dreg:$0xc]  }
0x14a: {  	[spmem:s2] =	stream.indirect.scatter.add.f32 [tilespmem:s22], [sflag:$0x2], $0x80, s25, s6, $0xb8;
	[tilespmem:$0x1FBC0] =	vst v63  }
0x14b: {  	_ =	swait.ge [sflag:s18], $0x2000  }
0x14c: {  	[sflag:s18] =	ssyncset.done $0x0  }
0x14d: {  	[sflag:s18] =	ssyncadd.s32 $0xFFFFE000  }
0x14e: {  	_ =	swait.ge [sflag:s18], $0x2000  }
0x14f: {  	s30 =	sld [smem:$0x7CB]  }
0x150: {  	[sflag:s18] =	ssyncset.done $0x0  }
0x151: {  	s23 =	sld [smem:$0x7CE];
	[sflag:s18] =	ssyncadd.s32 $0xFFFFE000  }
0x152: {  	[tilespmem:s20], [sflag:$0x1] =	stream.strided.gather [hbm4b:s30+s28], $0x2000, s1, s28, $0x38;
	[tilespmem:$0x1FBC0] =	vst v63  }
0x153: {  	_ = 	snop  }
0x154: {  	[tilespmem:s3], [sflag:$0x1] =	stream.strided.gather [hbm4b:s23+s28], $0x2000, s1, s28, $0x38;
	[tilespmem:$0x1FBC0] =	vst v63  }
0x155: {  	_ =	swait.ge [sflag:s5], $0x40  }
0x156: {  	[sflag:s5] =	ssyncset.done $0x0  }
0x157: {  	[sflag:s5] =	ssyncadd.s32 $0xFFFFFFC0  }
0x158: {  	_ =	swait.ge [sflag:s5], $0x2000  }
0x159: {  	[sflag:s5] =	ssyncset.done $0x0  }
0x15a: {  	[sflag:s5] =	ssyncadd.s32 $0xFFFFE000  }
0x15b: {  	_ =	swait.ge [sflag:s5], $0x2000  }
0x15c: {  	[sflag:s5] =	ssyncset.done $0x0  }
0x15d: {  	[sflag:s5] =	ssyncadd.s32 $0xFFFFE000  }
0x15e: {  	[spmem:s8] =	stream.indirect.scatter.add.f32 [tilespmem:s15], [sflag:$0x2], $0x80, s10, s6, $0xb8;
	[tilespmem:$0x1FBC0] =	vst v63  }
0x15f: {  	_ = 	snop  }
0x160: {  	[spmem:s11] =	stream.indirect.scatter.add.f32 [tilespmem:s16], [sflag:$0x2], $0x80, s10, s6, $0xb8;
	[tilespmem:$0x1FBC0] =	vst v63  }
0x161: {  	_ =	swait.ge [sflag:s18], $0x2000  }
0x162: {  	[sflag:s18] =	ssyncset.done $0x0  }
0x163: {  	[sflag:s18] =	ssyncadd.s32 $0xFFFFE000  }
0x164: {  	_ =	swait.ge [sflag:s18], $0x2000  }
0x165: {  	s24 =	sld [smem:$0x7CC]  }
0x166: {  	[sflag:s18] =	ssyncset.done $0x0  }
0x167: {  	s26 =	sld [smem:$0x7CF];
	[sflag:s18] =	ssyncadd.s32 $0xFFFFE000  }
0x168: {  	[tilespmem:s21], [sflag:$0x1] =	stream.strided.gather [hbm4b:s24+s28], $0x2000, s1, s28, $0x38;
	[tilespmem:$0x1FBC0] =	vst v63  }
0x169: {  	_ = 	snop  }
0x16a: {  	[tilespmem:s4], [sflag:$0x1] =	stream.strided.gather [hbm4b:s26+s28], $0x2000, s1, s28, $0x38;
	[tilespmem:$0x1FBC0] =	vst v63  }
0x16b: {  	_ =	swait.ge [sflag:s5], $0x2000  }
0x16c: {  	[sflag:s5] =	ssyncset.done $0x0  }
0x16d: {  	[sflag:s5] =	ssyncadd.s32 $0xFFFFE000  }
0x16e: {  	_ =	swait.ge [sflag:s5], $0x2000  }
0x16f: {  	[sflag:s5] =	ssyncset.done $0x0  }
0x170: {  	[sflag:s5] =	ssyncadd.s32 $0xFFFFE000  }
0x171: {  	[spmem:s12] =	stream.indirect.scatter.add.f32 [tilespmem:s20], [sflag:$0x2], $0x80, s10, s6, $0xb8;
	[tilespmem:$0x1FBC0] =	vst v63  }
0x172: {  	_ = 	snop  }
0x173: {  	[spmem:s14] =	stream.indirect.scatter.add.f32 [tilespmem:s3], [sflag:$0x2], $0x80, s10, s6, $0xb8;
	[tilespmem:$0x1FBC0] =	vst v63  }
0x174: {  	_ =	swait.ge [sflag:s18], $0x2000  }
0x175: {  	[sflag:s18] =	ssyncset.done $0x0  }
0x176: {  	[sflag:s18] =	ssyncadd.s32 $0xFFFFE000  }
0x177: {  	_ =	swait.ge [sflag:s18], $0x2000  }
0x178: {  	[sflag:s18] =	ssyncset.done $0x0  }
0x179: {  	[sflag:s18] =	ssyncadd.s32 $0xFFFFE000  }
0x17a: {  	_ =	swait.ge [sflag:s18], $0x2000  }
0x17b: {  	s29 =	sld [smem:$0x7E5]  }
0x17c: {  	[sflag:s18] =	ssyncset.done $0x0  }
0x17d: {  	s30 =	sld [smem:$0x7D0];
	[sflag:s18] =	ssyncadd.s32 $0xFFFFE000  }
0x17e: {  	[tilespmem:s25], [sflag:$0x1] =	stream.linear.gather [hbm4b:s29+s25], $0x40, $0x38;
	[tilespmem:$0x1FBC0] =	vst v63  }
0x17f: {  	s23 =	sld [smem:$0x7D3]  }
0x180: {  	[tilespmem:s7], [sflag:$0x1] =	stream.strided.gather [hbm4b:s30+s28], $0x2000, s1, s28, $0x38;
	[tilespmem:$0x1FBC0] =	vst v63  }
0x181: {  	_ = 	snop  }
0x182: {  	[tilespmem:s9], [sflag:$0x1] =	stream.strided.gather [hbm4b:s23+s28], $0x2000, s1, s28, $0x38;
	[tilespmem:$0x1FBC0] =	vst v63  }
0x183: {  	_ =	swait.ge [sflag:s5], $0x2000  }
0x184: {  	[sflag:s5] =	ssyncset.done $0x0  }
0x185: {  	[sflag:s5] =	ssyncadd.s32 $0xFFFFE000  }
0x186: {  	_ =	swait.ge [sflag:s5], $0x2000  }
0x187: {  	[sflag:s5] =	ssyncset.done $0x0  }
0x188: {  	[sflag:s5] =	ssyncadd.s32 $0xFFFFE000  }
0x189: {  	[spmem:s19] =	stream.indirect.scatter.add.f32 [tilespmem:s21], [sflag:$0x2], $0x80, s10, s6, $0xb8;
	[tilespmem:$0x1FBC0] =	vst v63  }
0x18a: {  	_ = 	snop  }
0x18b: {  	[spmem:s17] =	stream.indirect.scatter.add.f32 [tilespmem:s4], [sflag:$0x2], $0x80, s10, s6, $0xb8;
	[tilespmem:$0x1FBC0] =	vst v63  }
0x18c: {  	_ = 	snop  }
0x18d: {  	[spmem:s2] =	stream.indirect.scatter.add.f32 [tilespmem:s22], [sflag:$0x2], $0x80, s10, s6, $0xb8;
	[tilespmem:$0x1FBC0] =	vst v63  }
0x18e: {  	_ =	swait.ge [sflag:s18], $0x2000  }
0x18f: {  	[sflag:s18] =	ssyncset.done $0x0  }
0x190: {  	[sflag:s18] =	ssyncadd.s32 $0xFFFFE000  }
0x191: {  	_ =	swait.ge [sflag:s18], $0x2000  }
0x192: {  	s24 =	sld [smem:$0x7D1]  }
0x193: {  	[sflag:s18] =	ssyncset.done $0x0  }
0x194: {  	s26 =	sld [smem:$0x7D4];
	[sflag:s18] =	ssyncadd.s32 $0xFFFFE000  }
0x195: {  	[tilespmem:s15], [sflag:$0x1] =	stream.strided.gather [hbm4b:s24+s28], $0x2000, s1, s28, $0x38;
	[tilespmem:$0x1FBC0] =	vst v63  }
0x196: {  	_ = 	snop  }
0x197: {  	[tilespmem:s16], [sflag:$0x1] =	stream.strided.gather [hbm4b:s26+s28], $0x2000, s1, s28, $0x38;
	[tilespmem:$0x1FBC0] =	vst v63  }
0x198: {  	_ =	swait.ge [sflag:s5], $0x40  }
0x199: {  	[sflag:s5] =	ssyncset.done $0x0  }
0x19a: {  	[sflag:s5] =	ssyncadd.s32 $0xFFFFFFC0  }
0x19b: {  	_ =	swait.ge [sflag:s5], $0x2000  }
0x19c: {  	[sflag:s5] =	ssyncset.done $0x0  }
0x19d: {  	[sflag:s5] =	ssyncadd.s32 $0xFFFFE000  }
0x19e: {  	_ =	swait.ge [sflag:s5], $0x2000  }
0x19f: {  	[sflag:s5] =	ssyncset.done $0x0  }
0x1a0: {  	[sflag:s5] =	ssyncadd.s32 $0xFFFFE000  }
0x1a1: {  	[spmem:s8] =	stream.indirect.scatter.add.f32 [tilespmem:s7], [sflag:$0x2], $0x80, s25, s6, $0xb8;
	[tilespmem:$0x1FBC0] =	vst v63  }
0x1a2: {  	_ = 	snop  }
0x1a3: {  	[spmem:s11] =	stream.indirect.scatter.add.f32 [tilespmem:s9], [sflag:$0x2], $0x80, s25, s6, $0xb8;
	[tilespmem:$0x1FBC0] =	vst v63  }
0x1a4: {  	_ =	swait.ge [sflag:s18], $0x2000  }
0x1a5: {  	[sflag:s18] =	ssyncset.done $0x0  }
0x1a6: {  	[sflag:s18] =	ssyncadd.s32 $0xFFFFE000  }
0x1a7: {  	_ =	swait.ge [sflag:s18], $0x2000  }
0x1a8: {  	s29 =	sld [smem:$0x7D2]  }
0x1a9: {  	[sflag:s18] =	ssyncset.done $0x0  }
0x1aa: {  	s30 =	sld [smem:$0x7D5];
	[sflag:s18] =	ssyncadd.s32 $0xFFFFE000  }
0x1ab: {  	[tilespmem:s20], [sflag:$0x1] =	stream.strided.gather [hbm4b:s29+s28], $0x2000, s1, s28, $0x38;
	[tilespmem:$0x1FBC0] =	vst v63  }
0x1ac: {  	_ = 	snop  }
0x1ad: {  	[tilespmem:s3], [sflag:$0x1] =	stream.strided.gather [hbm4b:s30+s28], $0x2000, s1, s28, $0x38;
	[tilespmem:$0x1FBC0] =	vst v63  }
0x1ae: {  	_ =	swait.ge [sflag:s5], $0x2000  }
0x1af: {  	[sflag:s5] =	ssyncset.done $0x0  }
0x1b0: {  	[sflag:s5] =	ssyncadd.s32 $0xFFFFE000  }
0x1b1: {  	_ =	swait.ge [sflag:s5], $0x2000  }
0x1b2: {  	[sflag:s5] =	ssyncset.done $0x0  }
0x1b3: {  	[sflag:s5] =	ssyncadd.s32 $0xFFFFE000  }
0x1b4: {  	[spmem:s12] =	stream.indirect.scatter.add.f32 [tilespmem:s15], [sflag:$0x2], $0x80, s25, s6, $0xb8;
	[tilespmem:$0x1FBC0] =	vst v63  }
0x1b5: {  	_ = 	snop  }
0x1b6: {  	[spmem:s14] =	stream.indirect.scatter.add.f32 [tilespmem:s16], [sflag:$0x2], $0x80, s25, s6, $0xb8;
	[tilespmem:$0x1FBC0] =	vst v63  }
0x1b7: {  	_ =	swait.ge [sflag:s18], $0x2000  }
0x1b8: {  	[sflag:s18] =	ssyncset.done $0x0  }
0x1b9: {  	[sflag:s18] =	ssyncadd.s32 $0xFFFFE000  }
0x1ba: {  	_ =	swait.ge [sflag:s18], $0x2000  }
0x1bb: {  	[sflag:s18] =	ssyncset.done $0x0  }
0x1bc: {  	[sflag:s18] =	ssyncadd.s32 $0xFFFFE000  }
0x1bd: {  	_ =	swait.ge [sflag:s18], $0x2000  }
0x1be: {  	s23 =	sld [smem:$0x7E6]  }
0x1bf: {  	[sflag:s18] =	ssyncset.done $0x0  }
0x1c0: {  	s24 =	sld [smem:$0x7D6];
	[sflag:s18] =	ssyncadd.s32 $0xFFFFE000  }
0x1c1: {  	[tilespmem:s10], [sflag:$0x1] =	stream.linear.gather [hbm4b:s23+s25], $0x40, $0x38;
	[tilespmem:$0x1FBC0] =	vst v63  }
0x1c2: {  	s26 =	sld [smem:$0x7D9]  }
0x1c3: {  	[tilespmem:s21], [sflag:$0x1] =	stream.strided.gather [hbm4b:s24+s28], $0x2000, s1, s28, $0x38;
	[tilespmem:$0x1FBC0] =	vst v63  }
0x1c4: {  	_ = 	snop  }
0x1c5: {  	[tilespmem:s4], [sflag:$0x1] =	stream.strided.gather [hbm4b:s26+s28], $0x2000, s1, s28, $0x38;
	[tilespmem:$0x1FBC0] =	vst v63  }
0x1c6: {  	_ =	swait.ge [sflag:s5], $0x2000  }
0x1c7: {  	[sflag:s5] =	ssyncset.done $0x0  }
0x1c8: {  	[sflag:s5] =	ssyncadd.s32 $0xFFFFE000  }
0x1c9: {  	_ =	swait.ge [sflag:s5], $0x2000  }
0x1ca: {  	[sflag:s5] =	ssyncset.done $0x0  }
0x1cb: {  	[sflag:s5] =	ssyncadd.s32 $0xFFFFE000  }
0x1cc: {  	[spmem:s19] =	stream.indirect.scatter.add.f32 [tilespmem:s20], [sflag:$0x2], $0x80, s25, s6, $0xb8;
	[tilespmem:$0x1FBC0] =	vst v63  }
0x1cd: {  	_ = 	snop  }
0x1ce: {  	[spmem:s17] =	stream.indirect.scatter.add.f32 [tilespmem:s3], [sflag:$0x2], $0x80, s25, s6, $0xb8;
	[tilespmem:$0x1FBC0] =	vst v63  }
0x1cf: {  	_ = 	snop  }
0x1d0: {  	[spmem:s2] =	stream.indirect.scatter.add.f32 [tilespmem:s22], [sflag:$0x2], $0x80, s25, s6, $0xb8;
	[tilespmem:$0x1FBC0] =	vst v63  }
0x1d1: {  	_ =	swait.ge [sflag:s18], $0x2000  }
0x1d2: {  	[sflag:s18] =	ssyncset.done $0x0  }
0x1d3: {  	[sflag:s18] =	ssyncadd.s32 $0xFFFFE000  }
0x1d4: {  	_ =	swait.ge [sflag:s18], $0x2000  }
0x1d5: {  	s29 =	sld [smem:$0x7D7]  }
0x1d6: {  	[sflag:s18] =	ssyncset.done $0x0  }
0x1d7: {  	s30 =	sld [smem:$0x7DA];
	[sflag:s18] =	ssyncadd.s32 $0xFFFFE000  }
0x1d8: {  	[tilespmem:s7], [sflag:$0x1] =	stream.strided.gather [hbm4b:s29+s28], $0x2000, s1, s28, $0x38;
	[tilespmem:$0x1FBC0] =	vst v63  }
0x1d9: {  	_ = 	snop  }
0x1da: {  	[tilespmem:s9], [sflag:$0x1] =	stream.strided.gather [hbm4b:s30+s28], $0x2000, s1, s28, $0x38;
	[tilespmem:$0x1FBC0] =	vst v63  }
0x1db: {  	_ =	swait.ge [sflag:s5], $0x40  }
0x1dc: {  	[sflag:s5] =	ssyncset.done $0x0  }
0x1dd: {  	[sflag:s5] =	ssyncadd.s32 $0xFFFFFFC0  }
0x1de: {  	_ =	swait.ge [sflag:s5], $0x2000  }
0x1df: {  	[sflag:s5] =	ssyncset.done $0x0  }
0x1e0: {  	[sflag:s5] =	ssyncadd.s32 $0xFFFFE000  }
0x1e1: {  	_ =	swait.ge [sflag:s5], $0x2000  }
0x1e2: {  	[sflag:s5] =	ssyncset.done $0x0  }
0x1e3: {  	[sflag:s5] =	ssyncadd.s32 $0xFFFFE000  }
0x1e4: {  	[spmem:s8] =	stream.indirect.scatter.add.f32 [tilespmem:s21], [sflag:$0x2], $0x80, s10, s6, $0xb8;
	[tilespmem:$0x1FBC0] =	vst v63  }
0x1e5: {  	_ = 	snop  }
0x1e6: {  	[spmem:s11] =	stream.indirect.scatter.add.f32 [tilespmem:s4], [sflag:$0x2], $0x80, s10, s6, $0xb8;
	[tilespmem:$0x1FBC0] =	vst v63  }
0x1e7: {  	_ =	swait.ge [sflag:s18], $0x2000  }
0x1e8: {  	[sflag:s18] =	ssyncset.done $0x0  }
0x1e9: {  	[sflag:s18] =	ssyncadd.s32 $0xFFFFE000  }
0x1ea: {  	_ =	swait.ge [sflag:s18], $0x2000  }
0x1eb: {  	s8 =	sld [smem:$0x7D8]  }
0x1ec: {  	[sflag:s18] =	ssyncset.done $0x0  }
0x1ed: {  	s11 =	sld [smem:$0x7DB];
	[sflag:s18] =	ssyncadd.s32 $0xFFFFE000  }
0x1ee: {  	[tilespmem:s15], [sflag:$0x1] =	stream.strided.gather [hbm4b:s8+s28], $0x2000, s1, s28, $0x38;
	[tilespmem:$0x1FBC0] =	vst v63  }
0x1ef: {  	_ = 	snop  }
0x1f0: {  	[tilespmem:s16], [sflag:$0x1] =	stream.strided.gather [hbm4b:s11+s28], $0x2000, s1, s28, $0x38;
	[tilespmem:$0x1FBC0] =	vst v63  }
0x1f1: {  	_ =	swait.ge [sflag:s5], $0x2000  }
0x1f2: {  	[sflag:s5] =	ssyncset.done $0x0  }
0x1f3: {  	[sflag:s5] =	ssyncadd.s32 $0xFFFFE000  }
0x1f4: {  	_ =	swait.ge [sflag:s5], $0x2000  }
0x1f5: {  	[sflag:s5] =	ssyncset.done $0x0  }
0x1f6: {  	[sflag:s5] =	ssyncadd.s32 $0xFFFFE000  }
0x1f7: {  	[spmem:s12] =	stream.indirect.scatter.add.f32 [tilespmem:s7], [sflag:$0x2], $0x80, s10, s6, $0xb8;
	[tilespmem:$0x1FBC0] =	vst v63  }
0x1f8: {  	_ = 	snop  }
0x1f9: {  	[spmem:s14] =	stream.indirect.scatter.add.f32 [tilespmem:s9], [sflag:$0x2], $0x80, s10, s6, $0xb8;
	[tilespmem:$0x1FBC0] =	vst v63  }
0x1fa: {  	_ =	swait.ge [sflag:s18], $0x2000  }
0x1fb: {  	[sflag:s18] =	ssyncset.done $0x0  }
0x1fc: {  	[sflag:s18] =	ssyncadd.s32 $0xFFFFE000  }
0x1fd: {  	_ =	swait.ge [sflag:s18], $0x2000  }
0x1fe: {  	[sflag:s18] =	ssyncset.done $0x0  }
0x1ff: {  	[sflag:s18] =	ssyncadd.s32 $0xFFFFE000  }
0x200: {  	_ =	swait.ge [sflag:s18], $0x2000  }
0x201: {  	s12 =	sld [smem:$0x7E7]  }
0x202: {  	[sflag:s18] =	ssyncset.done $0x0  }
0x203: {  	s14 =	sld [smem:$0x7DC];
	[sflag:s18] =	ssyncadd.s32 $0xFFFFE000  }
0x204: {  	[tilespmem:s25], [sflag:$0x1] =	stream.linear.gather [hbm4b:s12+s25], $0x40, $0x38;
	[tilespmem:$0x1FBC0] =	vst v63  }
0x205: {  	s23 =	sld [smem:$0x7DE]  }
0x206: {  	[tilespmem:s20], [sflag:$0x1] =	stream.strided.gather [hbm4b:s14+s28], $0x2000, s1, s28, $0x38;
	[tilespmem:$0x1FBC0] =	vst v63  }
0x207: {  	_ = 	snop  }
0x208: {  	[tilespmem:s3], [sflag:$0x1] =	stream.strided.gather [hbm4b:s23+s28], $0x2000, s1, s28, $0x38;
	[tilespmem:$0x1FBC0] =	vst v63  }
0x209: {  	_ =	swait.ge [sflag:s5], $0x2000  }
0x20a: {  	[sflag:s5] =	ssyncset.done $0x0  }
0x20b: {  	[sflag:s5] =	ssyncadd.s32 $0xFFFFE000  }
0x20c: {  	_ =	swait.ge [sflag:s5], $0x2000  }
0x20d: {  	[sflag:s5] =	ssyncset.done $0x0  }
0x20e: {  	[sflag:s5] =	ssyncadd.s32 $0xFFFFE000  }
0x20f: {  	[spmem:s19] =	stream.indirect.scatter.add.f32 [tilespmem:s15], [sflag:$0x2], $0x80, s10, s6, $0xb8;
	[tilespmem:$0x1FBC0] =	vst v63  }
0x210: {  	_ = 	snop  }
0x211: {  	[spmem:s17] =	stream.indirect.scatter.add.f32 [tilespmem:s16], [sflag:$0x2], $0x80, s10, s6, $0xb8;
	[tilespmem:$0x1FBC0] =	vst v63  }
0x212: {  	_ = 	snop  }
0x213: {  	[spmem:s2] =	stream.indirect.scatter.add.f32 [tilespmem:s22], [sflag:$0x2], $0x80, s10, s6, $0xb8;
	[tilespmem:$0x1FBC0] =	vst v63  }
0x214: {  	_ =	swait.ge [sflag:s18], $0x2000  }
0x215: {  	[sflag:s18] =	ssyncset.done $0x0  }
0x216: {  	[sflag:s18] =	ssyncadd.s32 $0xFFFFE000  }
0x217: {  	_ =	swait.ge [sflag:s18], $0x2000  }
0x218: {  	s24 =	sld [smem:$0x7DD]  }
0x219: {  	s26 =	sld [smem:$0x7DF]  }
0x21a: {  	s29 =	sld [smem:$0x7EB]  }
0x21b: {  	s0 =	sld [smem:$0x7EA]  }
0x21c: {  	[sflag:s18] =	ssyncset.done $0x0;
	s30 =	sld [smem:$0x7E9]  }
0x21d: {  	s22 =	sld [smem:$0x7E8];
	[sflag:s18] =	ssyncadd.s32 $0xFFFFE000  }
0x21e: {  	[tilespmem:s21], [sflag:$0x1] =	stream.strided.gather [hbm4b:s24+s28], $0x2000, s1, s28, $0x38;
	[tilespmem:$0x1FBC0] =	vst v63  }
0x21f: {  	[smem:$0x7B7] =	sst s29  }
0x220: {  	[smem:$0x7B8] =	sst s30  }
0x221: {  	[tilespmem:s4], [sflag:$0x1] =	stream.strided.gather [hbm4b:s26+s28], $0x2000, s1, s28, $0x38;
	[tilespmem:$0x1FBC0] =	vst v63  }
.LBB2_4:
0x222: {  	_ =	swait.ge [sflag:s5], $0x40  }
0x223: {  	[sflag:s5] =	ssyncset.done $0x0  }
0x224: {  	[sflag:s5] =	ssyncadd.s32 $0xFFFFFFC0  }
0x225: {  	_ =	swait.ge [sflag:s5], $0x2000  }
0x226: {  	[sflag:s5] =	ssyncset.done $0x0  }
0x227: {  	[sflag:s5] =	ssyncadd.s32 $0xFFFFE000  }
0x228: {  	_ =	swait.ge [sflag:s5], $0x2000  }
0x229: {  	[sflag:s5] =	ssyncset.done $0x0  }
0x22a: {  	[sflag:s5] =	ssyncadd.s32 $0xFFFFE000  }
0x22b: {  	s3 =	simm.s32 $0x100;
	s23 =	rddreg [dreg:$0x6]  }
0x22c: {  	[spmem:s23] =	stream.indirect.scatter.add.f32 [tilespmem:s3], [sflag:$0x2], $0x80, s13, s6, $0xb8;
	[tilespmem:$0x1FBC0] =	vst v63  }
0x22d: {  	s24 =	rddreg [dreg:$0x7]  }
0x22e: {  	[spmem:s24] =	stream.indirect.scatter.add.f32 [tilespmem:s31], [sflag:$0x2], $0x80, s13, s6, $0xb8;
	[tilespmem:$0x1FBC0] =	vst v63  }
0x22f: {  	_ =	swait.ge [sflag:s18], $0x2000  }
0x230: {  	[sflag:s18] =	ssyncset.done $0x0  }
0x231: {  	[sflag:s18] =	ssyncadd.s32 $0xFFFFE000  }
0x232: {  	_ =	swait.ge [sflag:s18], $0x2000  }
0x233: {  	s11 =	sld [smem:$0x7E2];
	_ =	sdelay $0x2  }
0x234: {  	[sflag:s18] =	ssyncset.done $0x0;
	s14 =	sadd.s32 s25, s11  }
0x235: {  	s9 =	simm.s32 $0x8100;
	[sflag:s18] =	ssyncadd.s32 $0xFFFFE000;
	s11 =	sadd.s32 $0x2000, s14  }
0x236: {  	[tilespmem:s9], [sflag:$0x1] =	stream.strided.gather [hbm4b:s11+s28], $0x2000, s1, s28, $0x38;
	[tilespmem:$0x1FBC0] =	vst v63  }
0x237: {  	s15 =	simm.s32 $0xA100;
	s16 =	sadd.s32 $0x2080, s14  }
0x238: {  	[tilespmem:s15], [sflag:$0x1] =	stream.strided.gather [hbm4b:s16+s28], $0x2000, s1, s28, $0x38;
	[tilespmem:$0x1FBC0] =	vst v63  }
0x239: {  	_ =	swait.ge [sflag:s5], $0x2000  }
0x23a: {  	[sflag:s5] =	ssyncset.done $0x0  }
0x23b: {  	[sflag:s5] =	ssyncadd.s32 $0xFFFFE000  }
0x23c: {  	_ =	swait.ge [sflag:s5], $0x2000  }
0x23d: {  	[sflag:s5] =	ssyncset.done $0x0  }
0x23e: {  	[sflag:s5] =	ssyncadd.s32 $0xFFFFE000  }
0x23f: {  	s26 =	rddreg [dreg:$0x8]  }
0x240: {  	[spmem:s26] =	stream.indirect.scatter.add.f32 [tilespmem:s21], [sflag:$0x2], $0x80, s13, s6, $0xb8;
	[tilespmem:$0x1FBC0] =	vst v63  }
0x241: {  	s29 =	rddreg [dreg:$0x9]  }
0x242: {  	[spmem:s29] =	stream.indirect.scatter.add.f32 [tilespmem:s4], [sflag:$0x2], $0x80, s13, s6, $0xb8;
	[tilespmem:$0x1FBC0] =	vst v63  }
0x243: {  	_ =	swait.ge [sflag:s18], $0x2000  }
0x244: {  	[sflag:s18] =	ssyncset.done $0x0  }
0x245: {  	[sflag:s18] =	ssyncadd.s32 $0xFFFFE000  }
0x246: {  	_ =	swait.ge [sflag:s18], $0x2000  }
0x247: {  	[sflag:s18] =	ssyncset.done $0x0  }
0x248: {  	[sflag:s18] =	ssyncadd.s32 $0xFFFFE000  }
0x249: {  	_ =	swait.ge [sflag:s18], $0x2000  }
0x24a: {  	[sflag:s18] =	ssyncset.done $0x0;
	s21 =	sld [smem:$0x7E0]  }
0x24b: {  	[sflag:s18] =	ssyncadd.s32 $0xFFFFE000  }
0x24c: {  	[tilespmem:s10], [sflag:$0x1] =	stream.linear.gather [hbm4b:s0+s13], $0x40, $0x38;
	[tilespmem:$0x1FBC0] =	vst v63  }
0x24d: {  	s11 =	sadd.s32 s25, s21  }
0x24e: {  	s16 =	simm.s32 $0xC100;
	s12 =	sadd.s32 $0x2800, s11  }
0x24f: {  	[tilespmem:s16], [sflag:$0x1] =	stream.strided.gather [hbm4b:s12+s28], $0x2000, s1, s28, $0x38;
	[tilespmem:$0x1FBC0] =	vst v63  }
0x250: {  	s20 =	smov.u32 s0;
	s0 =	simm.s32 $0xE100;
	s17 =	sadd.s32 $0x2880, s11  }
0x251: {  	[tilespmem:s0], [sflag:$0x1] =	stream.strided.gather [hbm4b:s17+s28], $0x2000, s1, s28, $0x38;
	[tilespmem:$0x1FBC0] =	vst v63  }
0x252: {  	_ =	swait.ge [sflag:s5], $0x2000  }
0x253: {  	[sflag:s5] =	ssyncset.done $0x0  }
0x254: {  	[sflag:s5] =	ssyncadd.s32 $0xFFFFE000  }
0x255: {  	_ =	swait.ge [sflag:s5], $0x2000  }
0x256: {  	[sflag:s5] =	ssyncset.done $0x0  }
0x257: {  	[sflag:s5] =	ssyncadd.s32 $0xFFFFE000  }
0x258: {  	s30 =	rddreg [dreg:$0xa]  }
0x259: {  	[spmem:s30] =	stream.indirect.scatter.add.f32 [tilespmem:s9], [sflag:$0x2], $0x80, s13, s6, $0xb8;
	[tilespmem:$0x1FBC0] =	vst v63  }
0x25a: {  	s17 =	rddreg [dreg:$0xb]  }
0x25b: {  	[spmem:s17] =	stream.indirect.scatter.add.f32 [tilespmem:s15], [sflag:$0x2], $0x80, s13, s6, $0xb8;
	[tilespmem:$0x1FBC0] =	vst v63  }
0x25c: {  	s8 =	simm.s32 $0x10100;
	s2 =	rddreg [dreg:$0xc]  }
0x25d: {  	[spmem:s2] =	stream.indirect.scatter.add.f32 [tilespmem:s8], [sflag:$0x2], $0x80, s13, s6, $0xb8;
	[tilespmem:$0x1FBC0] =	vst v63  }
0x25e: {  	_ =	swait.ge [sflag:s18], $0x2000  }
0x25f: {  	[sflag:s18] =	ssyncset.done $0x0  }
0x260: {  	[sflag:s18] =	ssyncadd.s32 $0xFFFFE000  }
0x261: {  	_ =	swait.ge [sflag:s18], $0x2000  }
0x262: {  	s19 =	sld [smem:$0x7E1];
	_ =	sdelay $0x2  }
0x263: {  	[sflag:s18] =	ssyncset.done $0x0;
	s12 =	sadd.s32 s25, s19  }
0x264: {  	[sflag:s18] =	ssyncadd.s32 $0xFFFFE000;
	s19 =	sadd.s32 $0x2800, s12  }
0x265: {  	[tilespmem:s3], [sflag:$0x1] =	stream.strided.gather [hbm4b:s19+s28], $0x2000, s1, s28, $0x38;
	[tilespmem:$0x1FBC0] =	vst v63  }
0x266: {  	s19 =	sadd.s32 $0x2880, s12  }
0x267: {  	[tilespmem:s31], [sflag:$0x1] =	stream.strided.gather [hbm4b:s19+s28], $0x2000, s1, s28, $0x38;
	[tilespmem:$0x1FBC0] =	vst v63  }
0x268: {  	_ =	swait.ge [sflag:s5], $0x40  }
0x269: {  	[sflag:s5] =	ssyncset.done $0x0  }
0x26a: {  	[sflag:s5] =	ssyncadd.s32 $0xFFFFFFC0  }
0x26b: {  	_ =	swait.ge [sflag:s5], $0x2000  }
0x26c: {  	[sflag:s5] =	ssyncset.done $0x0  }
0x26d: {  	[sflag:s5] =	ssyncadd.s32 $0xFFFFE000  }
0x26e: {  	_ =	swait.ge [sflag:s5], $0x2000  }
0x26f: {  	[sflag:s5] =	ssyncset.done $0x0  }
0x270: {  	[sflag:s5] =	ssyncadd.s32 $0xFFFFE000  }
0x271: {  	[spmem:s23] =	stream.indirect.scatter.add.f32 [tilespmem:s16], [sflag:$0x2], $0x80, s10, s6, $0xb8;
	[tilespmem:$0x1FBC0] =	vst v63  }
0x272: {  	_ = 	snop  }
0x273: {  	[spmem:s24] =	stream.indirect.scatter.add.f32 [tilespmem:s0], [sflag:$0x2], $0x80, s10, s6, $0xb8;
	[tilespmem:$0x1FBC0] =	vst v63  }
0x274: {  	_ =	swait.ge [sflag:s18], $0x2000  }
0x275: {  	[sflag:s18] =	ssyncset.done $0x0  }
0x276: {  	[sflag:s18] =	ssyncadd.s32 $0xFFFFE000  }
0x277: {  	_ =	swait.ge [sflag:s18], $0x2000  }
0x278: {  	[sflag:s18] =	ssyncset.done $0x0  }
0x279: {  	s4 =	simm.s32 $0x4100;
	s19 =	sadd.s32 $0x2800, s14;
	[sflag:s18] =	ssyncadd.s32 $0xFFFFE000  }
0x27a: {  	[tilespmem:s4], [sflag:$0x1] =	stream.strided.gather [hbm4b:s19+s28], $0x2000, s1, s28, $0x38;
	[tilespmem:$0x1FBC0] =	vst v63  }
0x27b: {  	s7 =	simm.s32 $0x6100;
	s19 =	sadd.s32 $0x2880, s14  }
0x27c: {  	[tilespmem:s7], [sflag:$0x1] =	stream.strided.gather [hbm4b:s19+s28], $0x2000, s1, s28, $0x38;
	[tilespmem:$0x1FBC0] =	vst v63  }
0x27d: {  	_ =	swait.ge [sflag:s5], $0x2000  }
0x27e: {  	[sflag:s5] =	ssyncset.done $0x0  }
0x27f: {  	[sflag:s5] =	ssyncadd.s32 $0xFFFFE000  }
0x280: {  	_ =	swait.ge [sflag:s5], $0x2000  }
0x281: {  	[sflag:s5] =	ssyncset.done $0x0  }
0x282: {  	[sflag:s5] =	ssyncadd.s32 $0xFFFFE000  }
0x283: {  	[spmem:s26] =	stream.indirect.scatter.add.f32 [tilespmem:s3], [sflag:$0x2], $0x80, s10, s6, $0xb8;
	[tilespmem:$0x1FBC0] =	vst v63  }
0x284: {  	_ = 	snop  }
0x285: {  	[spmem:s29] =	stream.indirect.scatter.add.f32 [tilespmem:s31], [sflag:$0x2], $0x80, s10, s6, $0xb8;
	[tilespmem:$0x1FBC0] =	vst v63  }
0x286: {  	_ =	swait.ge [sflag:s18], $0x2000  }
0x287: {  	[sflag:s18] =	ssyncset.done $0x0  }
0x288: {  	[sflag:s18] =	ssyncadd.s32 $0xFFFFE000  }
0x289: {  	_ =	swait.ge [sflag:s18], $0x2000  }
0x28a: {  	[sflag:s18] =	ssyncset.done $0x0  }
0x28b: {  	[sflag:s18] =	ssyncadd.s32 $0xFFFFE000  }
0x28c: {  	_ =	swait.ge [sflag:s18], $0x2000  }
0x28d: {  	s19 =	sld [smem:$0x7B8]  }
0x28e: {  	[sflag:s18] =	ssyncset.done $0x0  }
0x28f: {  	[sflag:s18] =	ssyncadd.s32 $0xFFFFE000  }
0x290: {  	[tilespmem:s13], [sflag:$0x1] =	stream.linear.gather [hbm4b:s19+s13], $0x40, $0x38;
	[tilespmem:$0x1FBC0] =	vst v63  }
0x291: {  	s19 =	sadd.s32 $0x3000, s11  }
0x292: {  	[tilespmem:s9], [sflag:$0x1] =	stream.strided.gather [hbm4b:s19+s28], $0x2000, s1, s28, $0x38;
	[tilespmem:$0x1FBC0] =	vst v63  }
0x293: {  	s19 =	sadd.s32 $0x3080, s11  }
0x294: {  	[tilespmem:s15], [sflag:$0x1] =	stream.strided.gather [hbm4b:s19+s28], $0x2000, s1, s28, $0x38;
	[tilespmem:$0x1FBC0] =	vst v63  }
0x295: {  	_ =	swait.ge [sflag:s5], $0x2000  }
0x296: {  	[sflag:s5] =	ssyncset.done $0x0  }
0x297: {  	[sflag:s5] =	ssyncadd.s32 $0xFFFFE000  }
0x298: {  	_ =	swait.ge [sflag:s5], $0x2000  }
0x299: {  	[sflag:s5] =	ssyncset.done $0x0  }
0x29a: {  	[sflag:s5] =	ssyncadd.s32 $0xFFFFE000  }
0x29b: {  	[spmem:s30] =	stream.indirect.scatter.add.f32 [tilespmem:s4], [sflag:$0x2], $0x80, s10, s6, $0xb8;
	[tilespmem:$0x1FBC0] =	vst v63  }
0x29c: {  	_ = 	snop  }
0x29d: {  	[spmem:s17] =	stream.indirect.scatter.add.f32 [tilespmem:s7], [sflag:$0x2], $0x80, s10, s6, $0xb8;
	[tilespmem:$0x1FBC0] =	vst v63  }
0x29e: {  	_ = 	snop  }
0x29f: {  	[spmem:s2] =	stream.indirect.scatter.add.f32 [tilespmem:s8], [sflag:$0x2], $0x80, s10, s6, $0xb8;
	[tilespmem:$0x1FBC0] =	vst v63  }
0x2a0: {  	_ =	swait.ge [sflag:s18], $0x2000  }
0x2a1: {  	[sflag:s18] =	ssyncset.done $0x0  }
0x2a2: {  	[sflag:s18] =	ssyncadd.s32 $0xFFFFE000  }
0x2a3: {  	_ =	swait.ge [sflag:s18], $0x2000  }
0x2a4: {  	[sflag:s18] =	ssyncset.done $0x0  }
0x2a5: {  	s19 =	sadd.s32 $0x3000, s12;
	[sflag:s18] =	ssyncadd.s32 $0xFFFFE000  }
0x2a6: {  	[tilespmem:s16], [sflag:$0x1] =	stream.strided.gather [hbm4b:s19+s28], $0x2000, s1, s28, $0x38;
	[tilespmem:$0x1FBC0] =	vst v63  }
0x2a7: {  	s19 =	sadd.s32 $0x3080, s12  }
0x2a8: {  	[tilespmem:s0], [sflag:$0x1] =	stream.strided.gather [hbm4b:s19+s28], $0x2000, s1, s28, $0x38;
	[tilespmem:$0x1FBC0] =	vst v63  }
0x2a9: {  	_ =	swait.ge [sflag:s5], $0x40  }
0x2aa: {  	[sflag:s5] =	ssyncset.done $0x0  }
0x2ab: {  	[sflag:s5] =	ssyncadd.s32 $0xFFFFFFC0  }
0x2ac: {  	_ =	swait.ge [sflag:s5], $0x2000  }
0x2ad: {  	[sflag:s5] =	ssyncset.done $0x0  }
0x2ae: {  	[sflag:s5] =	ssyncadd.s32 $0xFFFFE000  }
0x2af: {  	_ =	swait.ge [sflag:s5], $0x2000  }
0x2b0: {  	[sflag:s5] =	ssyncset.done $0x0  }
0x2b1: {  	[sflag:s5] =	ssyncadd.s32 $0xFFFFE000  }
0x2b2: {  	[spmem:s23] =	stream.indirect.scatter.add.f32 [tilespmem:s9], [sflag:$0x2], $0x80, s13, s6, $0xb8;
	[tilespmem:$0x1FBC0] =	vst v63  }
0x2b3: {  	_ = 	snop  }
0x2b4: {  	[spmem:s24] =	stream.indirect.scatter.add.f32 [tilespmem:s15], [sflag:$0x2], $0x80, s13, s6, $0xb8;
	[tilespmem:$0x1FBC0] =	vst v63  }
0x2b5: {  	_ =	swait.ge [sflag:s18], $0x2000  }
0x2b6: {  	[sflag:s18] =	ssyncset.done $0x0  }
0x2b7: {  	[sflag:s18] =	ssyncadd.s32 $0xFFFFE000  }
0x2b8: {  	_ =	swait.ge [sflag:s18], $0x2000  }
0x2b9: {  	[sflag:s18] =	ssyncset.done $0x0  }
0x2ba: {  	s19 =	sadd.s32 $0x3000, s14;
	[sflag:s18] =	ssyncadd.s32 $0xFFFFE000  }
0x2bb: {  	[tilespmem:s3], [sflag:$0x1] =	stream.strided.gather [hbm4b:s19+s28], $0x2000, s1, s28, $0x38;
	[tilespmem:$0x1FBC0] =	vst v63  }
0x2bc: {  	s19 =	sadd.s32 $0x3080, s14  }
0x2bd: {  	[tilespmem:s31], [sflag:$0x1] =	stream.strided.gather [hbm4b:s19+s28], $0x2000, s1, s28, $0x38;
	[tilespmem:$0x1FBC0] =	vst v63  }
0x2be: {  	_ =	swait.ge [sflag:s5], $0x2000  }
0x2bf: {  	[sflag:s5] =	ssyncset.done $0x0  }
0x2c0: {  	[sflag:s5] =	ssyncadd.s32 $0xFFFFE000  }
0x2c1: {  	_ =	swait.ge [sflag:s5], $0x2000  }
0x2c2: {  	[sflag:s5] =	ssyncset.done $0x0  }
0x2c3: {  	[sflag:s5] =	ssyncadd.s32 $0xFFFFE000  }
0x2c4: {  	[spmem:s26] =	stream.indirect.scatter.add.f32 [tilespmem:s16], [sflag:$0x2], $0x80, s13, s6, $0xb8;
	[tilespmem:$0x1FBC0] =	vst v63  }
0x2c5: {  	_ = 	snop  }
0x2c6: {  	[spmem:s29] =	stream.indirect.scatter.add.f32 [tilespmem:s0], [sflag:$0x2], $0x80, s13, s6, $0xb8;
	[tilespmem:$0x1FBC0] =	vst v63  }
0x2c7: {  	_ =	swait.ge [sflag:s18], $0x2000  }
0x2c8: {  	[sflag:s18] =	ssyncset.done $0x0  }
0x2c9: {  	[sflag:s18] =	ssyncadd.s32 $0xFFFFE000  }
0x2ca: {  	_ =	swait.ge [sflag:s18], $0x2000  }
0x2cb: {  	[sflag:s18] =	ssyncset.done $0x0  }
0x2cc: {  	[sflag:s18] =	ssyncadd.s32 $0xFFFFE000  }
0x2cd: {  	_ =	swait.ge [sflag:s18], $0x2000  }
0x2ce: {  	[sflag:s18] =	ssyncset.done $0x0  }
0x2cf: {  	[sflag:s18] =	ssyncadd.s32 $0xFFFFE000  }
0x2d0: {  	[tilespmem:s10], [sflag:$0x1] =	stream.linear.gather [hbm4b:s22+s13], $0x40, $0x38;
	[tilespmem:$0x1FBC0] =	vst v63  }
0x2d1: {  	s19 =	sadd.s32 $0x3800, s11  }
0x2d2: {  	[tilespmem:s4], [sflag:$0x1] =	stream.strided.gather [hbm4b:s19+s28], $0x2000, s1, s28, $0x38;
	[tilespmem:$0x1FBC0] =	vst v63  }
0x2d3: {  	s11 =	sadd.s32 $0x3880, s11  }
0x2d4: {  	[tilespmem:s7], [sflag:$0x1] =	stream.strided.gather [hbm4b:s11+s28], $0x2000, s1, s28, $0x38;
	[tilespmem:$0x1FBC0] =	vst v63  }
0x2d5: {  	_ =	swait.ge [sflag:s5], $0x2000  }
0x2d6: {  	[sflag:s5] =	ssyncset.done $0x0  }
0x2d7: {  	[sflag:s5] =	ssyncadd.s32 $0xFFFFE000  }
0x2d8: {  	_ =	swait.ge [sflag:s5], $0x2000  }
0x2d9: {  	[sflag:s5] =	ssyncset.done $0x0  }
0x2da: {  	[sflag:s5] =	ssyncadd.s32 $0xFFFFE000  }
0x2db: {  	[spmem:s30] =	stream.indirect.scatter.add.f32 [tilespmem:s3], [sflag:$0x2], $0x80, s13, s6, $0xb8;
	[tilespmem:$0x1FBC0] =	vst v63  }
0x2dc: {  	_ = 	snop  }
0x2dd: {  	[spmem:s17] =	stream.indirect.scatter.add.f32 [tilespmem:s31], [sflag:$0x2], $0x80, s13, s6, $0xb8;
	[tilespmem:$0x1FBC0] =	vst v63  }
0x2de: {  	_ = 	snop  }
0x2df: {  	[spmem:s2] =	stream.indirect.scatter.add.f32 [tilespmem:s8], [sflag:$0x2], $0x80, s13, s6, $0xb8;
	[tilespmem:$0x1FBC0] =	vst v63  }
0x2e0: {  	_ =	swait.ge [sflag:s18], $0x2000  }
0x2e1: {  	[sflag:s18] =	ssyncset.done $0x0  }
0x2e2: {  	[sflag:s18] =	ssyncadd.s32 $0xFFFFE000  }
0x2e3: {  	_ =	swait.ge [sflag:s18], $0x2000  }
0x2e4: {  	[sflag:s18] =	ssyncset.done $0x0  }
0x2e5: {  	s3 =	sadd.s32 $0x3800, s12;
	[sflag:s18] =	ssyncadd.s32 $0xFFFFE000  }
0x2e6: {  	[tilespmem:s9], [sflag:$0x1] =	stream.strided.gather [hbm4b:s3+s28], $0x2000, s1, s28, $0x38;
	[tilespmem:$0x1FBC0] =	vst v63  }
0x2e7: {  	s19 =	sadd.s32 $0x3880, s12  }
0x2e8: {  	[tilespmem:s15], [sflag:$0x1] =	stream.strided.gather [hbm4b:s19+s28], $0x2000, s1, s28, $0x38;
	[tilespmem:$0x1FBC0] =	vst v63  }
0x2e9: {  	_ =	swait.ge [sflag:s5], $0x40  }
0x2ea: {  	[sflag:s5] =	ssyncset.done $0x0  }
0x2eb: {  	[sflag:s5] =	ssyncadd.s32 $0xFFFFFFC0  }
0x2ec: {  	_ =	swait.ge [sflag:s5], $0x2000  }
0x2ed: {  	[sflag:s5] =	ssyncset.done $0x0  }
0x2ee: {  	[sflag:s5] =	ssyncadd.s32 $0xFFFFE000  }
0x2ef: {  	_ =	swait.ge [sflag:s5], $0x2000  }
0x2f0: {  	[sflag:s5] =	ssyncset.done $0x0  }
0x2f1: {  	[sflag:s5] =	ssyncadd.s32 $0xFFFFE000  }
0x2f2: {  	[spmem:s23] =	stream.indirect.scatter.add.f32 [tilespmem:s4], [sflag:$0x2], $0x80, s10, s6, $0xb8;
	[tilespmem:$0x1FBC0] =	vst v63  }
0x2f3: {  	_ = 	snop  }
0x2f4: {  	[spmem:s24] =	stream.indirect.scatter.add.f32 [tilespmem:s7], [sflag:$0x2], $0x80, s10, s6, $0xb8;
	[tilespmem:$0x1FBC0] =	vst v63  }
0x2f5: {  	_ =	swait.ge [sflag:s18], $0x2000  }
0x2f6: {  	[sflag:s18] =	ssyncset.done $0x0  }
0x2f7: {  	[sflag:s18] =	ssyncadd.s32 $0xFFFFE000  }
0x2f8: {  	_ =	swait.ge [sflag:s18], $0x2000  }
0x2f9: {  	[sflag:s18] =	ssyncset.done $0x0  }
0x2fa: {  	s23 =	sadd.s32 $0x3800, s14;
	[sflag:s18] =	ssyncadd.s32 $0xFFFFE000  }
0x2fb: {  	[tilespmem:s16], [sflag:$0x1] =	stream.strided.gather [hbm4b:s23+s28], $0x2000, s1, s28, $0x38;
	[tilespmem:$0x1FBC0] =	vst v63  }
0x2fc: {  	s24 =	sadd.s32 $0x3880, s14  }
0x2fd: {  	[tilespmem:s0], [sflag:$0x1] =	stream.strided.gather [hbm4b:s24+s28], $0x2000, s1, s28, $0x38;
	[tilespmem:$0x1FBC0] =	vst v63  }
0x2fe: {  	_ =	swait.ge [sflag:s5], $0x2000  }
0x2ff: {  	[sflag:s5] =	ssyncset.done $0x0  }
0x300: {  	[sflag:s5] =	ssyncadd.s32 $0xFFFFE000  }
0x301: {  	_ =	swait.ge [sflag:s5], $0x2000  }
0x302: {  	[sflag:s5] =	ssyncset.done $0x0  }
0x303: {  	[sflag:s5] =	ssyncadd.s32 $0xFFFFE000  }
0x304: {  	[spmem:s26] =	stream.indirect.scatter.add.f32 [tilespmem:s9], [sflag:$0x2], $0x80, s10, s6, $0xb8;
	[tilespmem:$0x1FBC0] =	vst v63  }
0x305: {  	_ = 	snop  }
0x306: {  	[spmem:s29] =	stream.indirect.scatter.add.f32 [tilespmem:s15], [sflag:$0x2], $0x80, s10, s6, $0xb8;
	[tilespmem:$0x1FBC0] =	vst v63  }
0x307: {  	_ =	swait.ge [sflag:s18], $0x2000  }
0x308: {  	[sflag:s18] =	ssyncset.done $0x0  }
0x309: {  	[sflag:s18] =	ssyncadd.s32 $0xFFFFE000  }
0x30a: {  	_ =	swait.ge [sflag:s18], $0x2000  }
0x30b: {  	[sflag:s18] =	ssyncset.done $0x0  }
0x30c: {  	[sflag:s18] =	ssyncadd.s32 $0xFFFFE000  }
0x30d: {  	_ =	swait.ge [sflag:s18], $0x2000  }
0x30e: {  	s3 =	sld [smem:$0x7B7]  }
0x30f: {  	p1 =	seq.s32 s25, $0xC000;
	[sflag:s18] =	ssyncset.done $0x0  }
0x310: {  	s11 =	simm.s32 @!p1 $0x0;
	[sflag:s18] =	ssyncadd.s32 $0xFFFFE000  }
0x311: {  	[tilespmem:s11], [sflag:$0x1] =	stream.linear.gather @!p1 [hbm4b:s3+s11], $0x40, $0x38;
	[tilespmem:$0x1FBC0] =	vst v63  }
0x312: {  	s19 =	simm.s32 @!p1 $0x400;
	s11 =	sadd.s32 @!p1 s25, s21  }
0x313: {  	s23 =	simm.s32 @!p1 $0x100;
	s21 =	simm.s32 @!p1 $0x800;
	s14 =	sadd.s32 @!p1 $0x4000, s11  }
0x314: {  	[tilespmem:s23], [sflag:$0x1] =	stream.strided.gather @!p1 [hbm4b:s14+s19], $0x2000, s21, s19, $0x38;
	[tilespmem:$0x1FBC0] =	vst v63  }
0x315: {  	s11 =	sadd.s32 @!p1 $0x4080, s11;
	s14 =	simm.s32 @!p1 $0x2100  }
0x316: {  	[tilespmem:s14], [sflag:$0x1] =	stream.strided.gather @!p1 [hbm4b:s11+s19], $0x2000, s21, s19, $0x38;
	[tilespmem:$0x1FBC0] =	vst v63  }
0x317: {  	_ =	swait.ge [sflag:s5], $0x2000  }
0x318: {  	[sflag:s5] =	ssyncset.done $0x0  }
0x319: {  	[sflag:s5] =	ssyncadd.s32 $0xFFFFE000  }
0x31a: {  	_ =	swait.ge [sflag:s5], $0x2000  }
0x31b: {  	[sflag:s5] =	ssyncset.done $0x0  }
0x31c: {  	[sflag:s5] =	ssyncadd.s32 $0xFFFFE000  }
0x31d: {  	[spmem:s30] =	stream.indirect.scatter.add.f32 [tilespmem:s16], [sflag:$0x2], $0x80, s10, s6, $0xb8;
	[tilespmem:$0x1FBC0] =	vst v63  }
0x31e: {  	_ = 	snop  }
0x31f: {  	[spmem:s17] =	stream.indirect.scatter.add.f32 [tilespmem:s0], [sflag:$0x2], $0x80, s10, s6, $0xb8;
	[tilespmem:$0x1FBC0] =	vst v63  }
0x320: {  	_ = 	snop  }
0x321: {  	[spmem:s2] =	stream.indirect.scatter.add.f32 [tilespmem:s8], [sflag:$0x2], $0x80, s10, s6, $0xb8;
	[tilespmem:$0x1FBC0] =	vst v63  }
0x322: {  	_ =	swait.ge [sflag:s18], $0x2000  }
.Ltmp3:
0x323: {  	[sflag:s18] =	ssyncset.done $0x0;
	(pc) =	sbr.rel @p1 .LBB2_6-.Ltmp3, $4  }
0x324: {  	[sflag:s18] =	ssyncadd.s32 $0xFFFFE000  }
0x325: {  	_ =	swait.ge [sflag:s18], $0x2000  }
0x326: {  	[sflag:s18] =	ssyncset.done $0x0  }
0x327: {  	[sflag:s18] =	ssyncadd.s32 $0xFFFFE000  }
0x328: {  	s11 =	sadd.s32 $0x4000, s12  }
0x329: {  	[tilespmem:s4], [sflag:$0x1] =	stream.strided.gather [hbm4b:s11+s28], $0x2000, s1, s28, $0x38;
	[tilespmem:$0x1FBC0] =	vst v63  }
.Ltmp4:
0x32a: {  	s30 =	sadd.s32 $0x4080, s12;
	s0 =	sld [smem:$0x7B8];
	(pc) =	sbr.rel .LBB2_4-.Ltmp4, $4  }
0x32b: {  	s25 =	sadd.s32 $0x2000, s25;
	s22 =	sadd.s32 $0x20, s22;
	s3 =	sadd.s32 $0x20, s3  }
0x32c: {  	[tilespmem:s7], [sflag:$0x1] =	stream.strided.gather [hbm4b:s30+s28], $0x2000, s1, s28, $0x38;
	[tilespmem:$0x1FBC0] =	vst v63  }
0x32d: {  	s21 =	simm.s32 $0x4100;
	[smem:$0x7B7] =	sst s3;
	s0 =	sadd.s32 $0x20, s0  }
0x32e: {  	s4 =	simm.s32 $0x6100;
	[smem:$0x7B8] =	sst s0;
	s0 =	sadd.s32 $0x20, s20  }
.LBB2_7:
0x32f: {  	_ =	sfence.sel $0x180000  }
0x330: {  	[bflag:$0x0] =	sbarrier.arrive $0xFFFF  }
0x331: {  	_ =	strace $0x90000047  }
0x332: {  	s0 =	stileid.u32;
	[bflag:$0x2] =	sbarrier.arrive $0xFFFF  }
0x333: {  	p0 =	sne.s32 s0, $0x0;
	s0 =	rddreg [dreg:$0xd]  }
0x334: {  	s0 =	sadd.s32 @!p0 $0x100000, s0  }
0x335: {  	[sflag:s0] =	ssyncadd.tile.s32 @!p0 $0x1;
	_ =	shalt  }
.Lfunc_end2:
_tile_overlayer_lowered:
.L_overlay_start_2:
0x336: {  	(tag) =	ssettag $0x2  }
0x337: {  	s0 =	rddreg [dreg:$0x0];
	s2 =	stileid.u32  }
0x338: {  	s1 =	rddreg [dreg:$0x1];
	p0 =	sne.s32 s2, $0x0  }
0x339: {  	s3 =	rddreg [dreg:$0x2];
	[bflag:$0x3] =	sbarrier.arrive $0xFFFF;
	s2 =	simm.s32 @!p0 $0x1C03  }
0x33a: {  	[timem:s3], [sflag:s2] =	dma.local @!p0 [hbm:s0], s1  }
0x33b: {  	s0 =	simm.s32 @!p0 $0x3  }
0x33c: {  	_ =	swait.ge @!p0 [sflag:s0], s1  }
0x33d: {  	s1 =	ssub.s32 @!p0 $0x0, s1;
	[sflag:s0] =	ssyncset.done @!p0 $0x0  }
0x33e: {  	[sflag:s0] =	ssyncadd.s32 @!p0 s1  }
0x33f: {  	[bflag:$0x3] =	sbarrier.arrive $0xFFFF  }
0x340: {  	_ =	shalt  }

</sc_bundles>
